<compile_context>
chip_gen: v7x
topology: tpu7x:2x2x1
jax: 0.10.2.dev20260603
libtpu: 0.0.44.dev20260713+nightly
codegen_flags: <defaults>
</compile_context>

<pallas_src>
import functools

import jax
import jax.numpy as jnp
from jax import lax
from jax.experimental import pallas as pl
from jax.experimental.pallas import tpu as pltpu
from jax.experimental.pallas import tpu_sc as plsc

_B = 16
_SEQ = 2048
_D = 2048
_DH = _D // 2
_LANES = 16

_SPLIT = 1536
_SC_ROWS = _SEQ - _SPLIT
_CHUNK = 32
_NCHUNK = _SC_ROWS // _CHUNK
_NGRP = _DH // _LANES

_TBLK = 512

_mesh = plsc.VectorSubcoreMesh(
    core_axis_name="c", subcore_axis_name="s", num_cores=2, num_subcores=16
)


@functools.partial(
    pl.kernel,
    out_type=jax.ShapeDtypeStruct((_B, _D), jnp.float32),
    mesh=_mesh,
    scratch_types=[
        pltpu.VMEM((_CHUNK, _DH), jnp.float32),
        pltpu.VMEM((_CHUNK, _DH), jnp.float32),
        pltpu.VMEM((2 * _B,), jnp.int32),
        pltpu.VMEM((_DH,), jnp.float32),
        pltpu.SemaphoreType.DMA,
        pltpu.SemaphoreType.DMA,
    ],
)
def _sc_pool(hid, instr, out, buf0, buf1, instr_v, acc, sem0, sem1):
    cid = lax.axis_index("c")
    sid = lax.axis_index("s")
    wid = sid * 2 + cid
    b = wid // 2
    h = wid % 2
    row0 = b * _SEQ + _SPLIT
    col0 = h * _DH

    def chunk_src(i):
        return hid.at[pl.ds(row0 + i * _CHUNK, _CHUNK), pl.ds(col0, _DH)]

    pltpu.sync_copy(instr, instr_v.at[pl.ds(0, _B)])
    n_excl = instr_v[pl.ds(b, _LANES)][0]

    def zero_grp(d, carry):
        acc[pl.ds(d * _LANES, _LANES)] = jnp.zeros((_LANES,), jnp.float32)
        return carry

    lax.fori_loop(0, _NGRP, zero_grp, 0)

    pltpu.async_copy(chunk_src(0), buf0, sem0)
    pltpu.async_copy(chunk_src(1), buf1, sem1)

    def wait_chunk(i, bufref, sem):
        pltpu.make_async_copy(chunk_src(i), bufref, sem).wait()

    def accum_chunk(bufref):
        @plsc.parallel_loop(0, _NGRP, step=1, unroll=2)
        def grp(d):
            sl = pl.ds(d * _LANES, _LANES)
            vals = [bufref[r, sl] for r in range(_CHUNK)]
            while len(vals) > 1:
                nxt = [vals[i] + vals[i + 1] for i in range(0, len(vals) - 1, 2)]
                if len(vals) % 2:
                    nxt.append(vals[-1])
                vals = nxt
            acc[sl] = acc[sl] + vals[0]

    def outer(g, carry):
        wait_chunk(2 * g, buf0, sem0)
        accum_chunk(buf0)
        pltpu.async_copy(chunk_src(2 * g + 2), buf0, sem0)
        wait_chunk(2 * g + 1, buf1, sem1)
        accum_chunk(buf1)
        pltpu.async_copy(chunk_src(2 * g + 3), buf1, sem1)
        return carry

    lax.fori_loop(0, _NCHUNK // 2 - 1, outer, 0)
    wait_chunk(_NCHUNK - 2, buf0, sem0)
    accum_chunk(buf0)
    wait_chunk(_NCHUNK - 1, buf1, sem1)
    accum_chunk(buf1)

    cnt = jnp.broadcast_to((_SEQ - n_excl).astype(jnp.float32), (_LANES,))
    scale = 1.0 / cnt

    def scale_grp(d, carry):
        sl = pl.ds(d * _LANES, _LANES)
        acc[sl] = acc[sl] * scale
        return carry

    lax.fori_loop(0, _NGRP, scale_grp, 0)

    pltpu.sync_copy(acc, out.at[b, pl.ds(col0, _DH)])


def _tc_body(instr_ref, x_ref, o_ref):
    b = pl.program_id(0)
    j = pl.program_id(1)
    n = instr_ref[b]
    pos = j * _TBLK + lax.broadcasted_iota(jnp.int32, (1, _TBLK), 1)
    keep = (pos >= n).astype(jnp.float32)
    part = jnp.dot(keep, x_ref[...], preferred_element_type=jnp.float32)

    @pl.when(j == 0)
    def _():
        o_ref[...] = jnp.zeros_like(o_ref)

    o_ref[...] += part[None]

    @pl.when(j == pl.num_programs(1) - 1)
    def _():
        o_ref[...] = o_ref[...] / (jnp.float32(_SEQ) - n.astype(jnp.float32))


def _tc_pool(hidden, instr):
    return pl.pallas_call(
        _tc_body,
        grid_spec=pltpu.PrefetchScalarGridSpec(
            num_scalar_prefetch=1,
            grid=(_B, _SPLIT // _TBLK),
            in_specs=[
                pl.BlockSpec(
                    (_TBLK, _D),
                    lambda b, j, instr: (b * (_SEQ // _TBLK) + j, 0),
                )
            ],
            out_specs=pl.BlockSpec((1, 1, _D), lambda b, j, instr: (b, 0, 0)),
        ),
        out_shape=jax.ShapeDtypeStruct((_B, 1, _D), jnp.float32),
        compiler_params=pltpu.CompilerParams(
            dimension_semantics=("parallel", "arbitrary")
        ),
    )(instr, hidden).reshape(_B, _D)


def kernel(hidden_states, prompt_lens, instr_lens):
    del prompt_lens
    instr = instr_lens.astype(jnp.int32)
    sc_part = _sc_pool(hidden_states, instr)
    tc_part = _tc_pool(hidden_states, instr)
    return sc_part + tc_part

# --- scband reference (transcript-rebuilt; emitter-appended) ---
"""Pipeline reference for scband-grit-lmmean-pool-56770877719170 (READ-ONLY COPY).

The authoritative reference and input builder live on the scoring server;
editing this copy changes nothing except your own understanding.
"""

import jax, jax.numpy as jnp
import numpy as np

B = 16
SEQ = 2048
TOTAL = B * SEQ
D = 2048


def setup_inputs(seed: int = 0) -> dict:
    key = jax.random.key(seed)
    k1, k2 = jax.random.split(key)
    hidden_states = jax.random.normal(k1, (TOTAL, D), dtype=jnp.float32)
    # Equal-length prompts summing exactly to TOTAL tokens (flat ragged layout).
    prompt_lens = jnp.full((B,), SEQ, dtype=jnp.int32)
    # Instruction prefix lengths (tokens to exclude from the mean), as the
    # torch module would compute via token-id pattern matching.
    instr_lens = jax.random.randint(k2, (B,), 1, 32, dtype=jnp.int32)
    return {"hidden_states": hidden_states, "prompt_lens": prompt_lens, "instr_lens": instr_lens}


def reference(hidden_states, prompt_lens, instr_lens):
    # Faithful vectorized version of GritLMMeanPool.forward_all:
    # for each sequence, mean over hidden_states[offset+instr_len : offset+prompt_len]
    # in float32, where offset is the running sum of prompt_lens.
    total = hidden_states.shape[0]
    num_seqs = prompt_lens.shape[0]
    cum = jnp.cumsum(prompt_lens)
    starts = jnp.concatenate([jnp.zeros((1,), dtype=cum.dtype), cum[:-1]])
    token_idx = jnp.arange(total, dtype=cum.dtype)
    # segment id for every flat token
    seg_ids = jnp.searchsorted(cum, token_idx, side="right")
    pos_in_seg = token_idx - starts[seg_ids]
    # keep only non-instruction tokens
    keep = pos_in_seg >= instr_lens[seg_ids]
    masked = hidden_states.astype(jnp.float32) * keep[:, None].astype(jnp.float32)
    sums = jax.ops.segment_sum(masked, seg_ids, num_segments=num_seqs)
    counts = jax.ops.segment_sum(keep.astype(jnp.float32), seg_ids, num_segments=num_seqs)
    pooled = sums / counts[:, None]
    return pooled

if __name__ == "__main__":
    import jax
    _d = setup_inputs()
    print(jax.jit(kernel)(*tuple(_d.values())))

</pallas_src>

<mosaic_0001>
#map = affine_map<(d0, d1) -> (0, 0)>
#map1 = affine_map<(d0, d1) -> (0)>
module attributes {stable_mosaic.version = 14 : i64} {
  func.func @_sc_pool(%arg0: i32, %arg1: i32, %arg2: memref<32768x2048xf32, #tpu.memory_space<hbm>>, %arg3: memref<16xi32, #tpu.memory_space<hbm>>, %arg4: memref<16x2048xf32, #tpu.memory_space<hbm>>, %arg5: memref<32x1024xf32, #tpu.memory_space<vmem>>, %arg6: memref<32x1024xf32, #tpu.memory_space<vmem>>, %arg7: memref<32xi32, #tpu.memory_space<vmem>>, %arg8: memref<1024xf32, #tpu.memory_space<vmem>>, %arg9: memref<!tpu.dma_semaphore, #tpu.memory_space<semaphore_mem>>, %arg10: memref<!tpu.dma_semaphore, #tpu.memory_space<semaphore_mem>>) attributes {dimension_semantics = [#tpu.dimension_semantics<core_parallel>, #tpu.dimension_semantics<subcore_parallel>], iteration_bounds = array<i64: 2, 16>, scalar_prefetch = 0 : i64, scratch_operands = 6 : i64, tpu.core_type = #tpu.core_type<sc_vector_subcore>, window_params = [{transform_indices = #map}, {transform_indices = #map1}, {transform_indices = #map}]} {
    %mul3A = arith.constant 2 : i32
    %mul3A_0 = arith.muli %arg1, %mul3A : i32
    %add3A = arith.addi %mul3A_0, %arg0 : i32
    %jit3A = arith.constant 2 : i32
    %div3A = arith.divsi %add3A, %jit3A : i32
    %sign3A = arith.constant 0 : i32
    %sign3A_1 = arith.cmpi sgt, %add3A, %sign3A : i32
    %sign3A_2 = arith.extui %sign3A_1 : i1 to i32
    %sign3A_3 = arith.constant 0 : i32
    %sign3A_4 = arith.cmpi slt, %add3A, %sign3A_3 : i32
    %sign3A_5 = arith.extui %sign3A_4 : i1 to i32
    %sign3A_6 = arith.subi %sign3A_2, %sign3A_5 : i32
    %sign3A_7 = arith.constant 0 : i32
    %sign3A_8 = arith.cmpi sgt, %jit3A, %sign3A_7 : i32
    %sign3A_9 = arith.extui %sign3A_8 : i1 to i32
    %sign3A_10 = arith.constant 0 : i32
    %sign3A_11 = arith.cmpi slt, %jit3A, %sign3A_10 : i32
    %sign3A_12 = arith.extui %sign3A_11 : i1 to i32
    %sign3A_13 = arith.subi %sign3A_9, %sign3A_12 : i32
    %ne3A = arith.cmpi ne, %sign3A_6, %sign3A_13 : i32
    %rem3A = arith.remsi %add3A, %jit3A : i32
    %ne3A_14 = arith.constant 0 : i32
    %ne3A_15 = arith.cmpi ne, %rem3A, %ne3A_14 : i32
    %and3A = arith.andi %ne3A, %ne3A_15 : i1
    %sub3A = arith.constant 1 : i32
    %sub3A_16 = arith.subi %div3A, %sub3A : i32
    %select_n3A = arith.select %and3A, %sub3A_16, %div3A : i32
    %jit3A_17 = arith.constant 2 : i32
    %eq3A = arith.constant 0 : i32
    %eq3A_18 = arith.cmpi eq, %jit3A_17, %eq3A : i32
    %jit3A_19 = arith.constant 1 : i32
    %select_n3A_20 = arith.select %eq3A_18, %jit3A_19, %jit3A_17 : i32
    %rem3A_21 = arith.remsi %add3A, %select_n3A_20 : i32
    %ne3A_22 = arith.constant 0 : i32
    %ne3A_23 = arith.cmpi ne, %rem3A_21, %ne3A_22 : i32
    %lt3A = arith.constant 0 : i32
    %lt3A_24 = arith.cmpi slt, %rem3A_21, %lt3A : i32
    %lt3A_25 = arith.constant 0 : i32
    %lt3A_26 = arith.cmpi slt, %select_n3A_20, %lt3A_25 : i32
    %ne3A_27 = arith.xori %lt3A_24, %lt3A_26 : i1
    %and3A_28 = arith.andi %ne3A_27, %ne3A_23 : i1
    %add3A_29 = arith.addi %rem3A_21, %select_n3A_20 : i32
    %select_n3A_30 = arith.select %and3A_28, %add3A_29, %rem3A_21 : i32
    %mul3A_31 = arith.constant 2048 : i32
    %mul3A_32 = arith.muli %select_n3A, %mul3A_31 : i32
    %add3A_33 = arith.constant 1536 : i32
    %add3A_34 = arith.addi %mul3A_32, %add3A_33 : i32
    %mul3A_35 = arith.constant 1024 : i32
    %mul3A_36 = arith.muli %select_n3A_30, %mul3A_35 : i32
    "tpu.region"() ({
      %run_scoped3A = tpu.sem_alloc : memref<!tpu.dma_semaphore, #tpu.memory_space<semaphore_mem>>
      %dma_start3A_80 = arith.constant 0 : i32
      %dma_start3A_81 = tpu.memref_slice %arg7[%dma_start3A_80] : memref<32xi32, #tpu.memory_space<vmem>> -> memref<16xi32, #tpu.memory_space<vmem>>
      %dma_start3A_82 = arith.constant 0 : i32
      %dma_start3A_83 = tpu.memref_slice %arg7[%dma_start3A_82] : memref<32xi32, #tpu.memory_space<vmem>> -> memref<16xi32, #tpu.memory_space<vmem>>
      tpu.enqueue_dma source(%arg3 : memref<16xi32, #tpu.memory_space<hbm>>) target(%dma_start3A_83 : memref<16xi32, #tpu.memory_space<vmem>>) target_semaphore(%run_scoped3A : memref<!tpu.dma_semaphore, #tpu.memory_space<semaphore_mem>>)
      %dma_wait3A_84 = arith.constant 0 : i32
      %dma_wait3A_85 = tpu.memref_slice %arg7[%dma_wait3A_84] : memref<32xi32, #tpu.memory_space<vmem>> -> memref<16xi32, #tpu.memory_space<vmem>>
      %dma_wait3A_86 = arith.constant 0 : i32
      %dma_wait3A_87 = tpu.memref_slice %arg7[%dma_wait3A_86] : memref<32xi32, #tpu.memory_space<vmem>> -> memref<16xi32, #tpu.memory_space<vmem>>
      tpu.wait_dma2 semaphore(%run_scoped3A : memref<!tpu.dma_semaphore, #tpu.memory_space<semaphore_mem>>) src(%arg3 : memref<16xi32, #tpu.memory_space<hbm>>) dst(%dma_wait3A_87 : memref<16xi32, #tpu.memory_space<vmem>>)
      tpu.yield
    }) : () -> ()
    %get3A = arith.index_cast %select_n3A : i32 to index
    %get3A_37 = tpu.vector_load %arg7[%get3A] {strides = array<i32>} : memref<32xi32, #tpu.memory_space<vmem>>, vector<16xi32>,
    %get3A_38 = vector.shape_cast %get3A_37 : vector<16xi32> to vector<16xi32>
    %slice3A = vector.extract_strided_slice %get3A_38 {offsets = [0], sizes = [1], strides = [1]} : vector<16xi32> to vector<1xi32>
    %squeeze3A = vector.extract %slice3A[0] : i32 from vector<1xi32>
    %scan3A = arith.constant 0 : i32
    %scan3A_39 = arith.constant 0 : i32
    %scan3A_40 = arith.constant 64 : i32
    %scan3A_41 = arith.addi %scan3A_39, %scan3A_40 : i32
    %scan3A_42 = arith.constant 1 : i32
    scf.for %scan3A_80 = %scan3A_39 to %scan3A_41 step %scan3A_42  : i32 {
      %broadcast_in_dim3A_81 = arith.constant 0.000000e+00 : f32
      %broadcast_in_dim3A_82 = vector.broadcast %broadcast_in_dim3A_81 : f32 to vector<16xf32>
      %mul3A_83 = arith.constant 16 : i32
      %mul3A_84 = arith.muli %scan3A_80, %mul3A_83 : i32
      %swap3A = arith.index_cast %mul3A_84 : i32 to index
      %swap3A_85 = tpu.vector_load %arg8[%swap3A] {strides = array<i32>} : memref<1024xf32, #tpu.memory_space<vmem>>, vector<16xf32>,
      %swap3A_86 = vector.shape_cast %swap3A_85 : vector<16xf32> to vector<16xf32>
      %swap3A_87 = vector.shape_cast %broadcast_in_dim3A_82 : vector<16xf32> to vector<16xf32>
      tpu.vector_store %arg8[%swap3A], %swap3A_87 {strides = array<i32>} : memref<1024xf32, #tpu.memory_space<vmem>>, vector<16xf32>,
    }
    %scan3A_43 = arith.constant 64 : i32
    %add3A_44 = arith.constant 0 : i32
    %add3A_45 = arith.addi %add3A_34, %add3A_44 : i32
    %dma_start3A = tpu.memref_slice %arg2[%add3A_45, %mul3A_36] : memref<32768x2048xf32, #tpu.memory_space<hbm>> -> memref<32x1024xf32, #tpu.memory_space<hbm>>
    %dma_start3A_46 = tpu.memref_slice %arg2[%add3A_45, %mul3A_36] : memref<32768x2048xf32, #tpu.memory_space<hbm>> -> memref<32x1024xf32, #tpu.memory_space<hbm>>
    tpu.enqueue_dma source(%dma_start3A_46 : memref<32x1024xf32, #tpu.memory_space<hbm>>) target(%arg5 : memref<32x1024xf32, #tpu.memory_space<vmem>>) target_semaphore(%arg9 : memref<!tpu.dma_semaphore, #tpu.memory_space<semaphore_mem>>)
    %add3A_47 = arith.constant 32 : i32
    %add3A_48 = arith.addi %add3A_34, %add3A_47 : i32
    %dma_start3A_49 = tpu.memref_slice %arg2[%add3A_48, %mul3A_36] : memref<32768x2048xf32, #tpu.memory_space<hbm>> -> memref<32x1024xf32, #tpu.memory_space<hbm>>
    %dma_start3A_50 = tpu.memref_slice %arg2[%add3A_48, %mul3A_36] : memref<32768x2048xf32, #tpu.memory_space<hbm>> -> memref<32x1024xf32, #tpu.memory_space<hbm>>
    tpu.enqueue_dma source(%dma_start3A_50 : memref<32x1024xf32, #tpu.memory_space<hbm>>) target(%arg6 : memref<32x1024xf32, #tpu.memory_space<vmem>>) target_semaphore(%arg10 : memref<!tpu.dma_semaphore, #tpu.memory_space<semaphore_mem>>)
    %scan3A_51 = arith.constant 0 : i32
    %scan3A_52 = arith.constant 0 : i32
    %scan3A_53 = arith.constant 7 : i32
    %scan3A_54 = arith.addi %scan3A_52, %scan3A_53 : i32
    %scan3A_55 = arith.constant 1 : i32
    scf.for %scan3A_80 = %scan3A_52 to %scan3A_54 step %scan3A_55  : i32 {
      %mul3A_81 = arith.constant 2 : i32
      %mul3A_82 = arith.muli %mul3A_81, %scan3A_80 : i32
      %mul3A_83 = arith.constant 32 : i32
      %mul3A_84 = arith.muli %mul3A_82, %mul3A_83 : i32
      %add3A_85 = arith.addi %add3A_34, %mul3A_84 : i32
      %dma_wait3A_86 = tpu.memref_slice %arg2[%add3A_85, %mul3A_36] : memref<32768x2048xf32, #tpu.memory_space<hbm>> -> memref<32x1024xf32, #tpu.memory_space<hbm>>
      %dma_wait3A_87 = tpu.memref_slice %arg2[%add3A_85, %mul3A_36] : memref<32768x2048xf32, #tpu.memory_space<hbm>> -> memref<32x1024xf32, #tpu.memory_space<hbm>>
      tpu.wait_dma2 semaphore(%arg9 : memref<!tpu.dma_semaphore, #tpu.memory_space<semaphore_mem>>) src(%dma_wait3A_87 : memref<32x1024xf32, #tpu.memory_space<hbm>>) dst(%arg5 : memref<32x1024xf32, #tpu.memory_space<vmem>>)
      %parallel_loop3A_88 = arith.constant 0 : i32
      %parallel_loop3A_89 = arith.constant 64 : i32
      %parallel_loop3A_90 = arith.constant 1 : i32
      scf.for %parallel_loop3A_121 = %parallel_loop3A_88 to %parallel_loop3A_89 step %parallel_loop3A_90  : i32 {
        %parallel_loop3A_122 = arith.constant 16 : i32
        %parallel_loop3A_123 = arith.muli %parallel_loop3A_121, %parallel_loop3A_122 : i32
        %parallel_loop3A_124 = arith.constant 0 : i32
        %parallel_loop3A_125 = arith.index_cast %parallel_loop3A_124 : i32 to index
        %parallel_loop3A_126 = arith.index_cast %parallel_loop3A_123 : i32 to index
        %parallel_loop3A_127 = tpu.vector_load %arg5[%parallel_loop3A_125, %parallel_loop3A_126] {strides = array<i32>} : memref<32x1024xf32, #tpu.memory_space<vmem>>, vector<1x16xf32>,
        %parallel_loop3A_128 = vector.shape_cast %parallel_loop3A_127 : vector<1x16xf32> to vector<16xf32>
        %parallel_loop3A_129 = arith.constant 1 : i32
        %parallel_loop3A_130 = arith.index_cast %parallel_loop3A_129 : i32 to index
        %parallel_loop3A_131 = arith.index_cast %parallel_loop3A_123 : i32 to index
        %parallel_loop3A_132 = tpu.vector_load %arg5[%parallel_loop3A_130, %parallel_loop3A_131] {strides = array<i32>} : memref<32x1024xf32, #tpu.memory_space<vmem>>, vector<1x16xf32>,
        %parallel_loop3A_133 = vector.shape_cast %parallel_loop3A_132 : vector<1x16xf32> to vector<16xf32>
        %parallel_loop3A_134 = arith.constant 2 : i32
        %parallel_loop3A_135 = arith.index_cast %parallel_loop3A_134 : i32 to index
        %parallel_loop3A_136 = arith.index_cast %parallel_loop3A_123 : i32 to index
        %parallel_loop3A_137 = tpu.vector_load %arg5[%parallel_loop3A_135, %parallel_loop3A_136] {strides = array<i32>} : memref<32x1024xf32, #tpu.memory_space<vmem>>, vector<1x16xf32>,
        %parallel_loop3A_138 = vector.shape_cast %parallel_loop3A_137 : vector<1x16xf32> to vector<16xf32>
        %parallel_loop3A_139 = arith.constant 3 : i32
        %parallel_loop3A_140 = arith.index_cast %parallel_loop3A_139 : i32 to index
        %parallel_loop3A_141 = arith.index_cast %parallel_loop3A_123 : i32 to index
        %parallel_loop3A_142 = tpu.vector_load %arg5[%parallel_loop3A_140, %parallel_loop3A_141] {strides = array<i32>} : memref<32x1024xf32, #tpu.memory_space<vmem>>, vector<1x16xf32>,
        %parallel_loop3A_143 = vector.shape_cast %parallel_loop3A_142 : vector<1x16xf32> to vector<16xf32>
        %parallel_loop3A_144 = arith.constant 4 : i32
        %parallel_loop3A_145 = arith.index_cast %parallel_loop3A_144 : i32 to index
        %parallel_loop3A_146 = arith.index_cast %parallel_loop3A_123 : i32 to index
        %parallel_loop3A_147 = tpu.vector_load %arg5[%parallel_loop3A_145, %parallel_loop3A_146] {strides = array<i32>} : memref<32x1024xf32, #tpu.memory_space<vmem>>, vector<1x16xf32>,
        %parallel_loop3A_148 = vector.shape_cast %parallel_loop3A_147 : vector<1x16xf32> to vector<16xf32>
        %parallel_loop3A_149 = arith.constant 5 : i32
        %parallel_loop3A_150 = arith.index_cast %parallel_loop3A_149 : i32 to index
        %parallel_loop3A_151 = arith.index_cast %parallel_loop3A_123 : i32 to index
        %parallel_loop3A_152 = tpu.vector_load %arg5[%parallel_loop3A_150, %parallel_loop3A_151] {strides = array<i32>} : memref<32x1024xf32, #tpu.memory_space<vmem>>, vector<1x16xf32>,
        %parallel_loop3A_153 = vector.shape_cast %parallel_loop3A_152 : vector<1x16xf32> to vector<16xf32>
        %parallel_loop3A_154 = arith.constant 6 : i32
        %parallel_loop3A_155 = arith.index_cast %parallel_loop3A_154 : i32 to index
        %parallel_loop3A_156 = arith.index_cast %parallel_loop3A_123 : i32 to index
        %parallel_loop3A_157 = tpu.vector_load %arg5[%parallel_loop3A_155, %parallel_loop3A_156] {strides = array<i32>} : memref<32x1024xf32, #tpu.memory_space<vmem>>, vector<1x16xf32>,
        %parallel_loop3A_158 = vector.shape_cast %parallel_loop3A_157 : vector<1x16xf32> to vector<16xf32>
        %parallel_loop3A_159 = arith.constant 7 : i32
        %parallel_loop3A_160 = arith.index_cast %parallel_loop3A_159 : i32 to index
        %parallel_loop3A_161 = arith.index_cast %parallel_loop3A_123 : i32 to index
        %parallel_loop3A_162 = tpu.vector_load %arg5[%parallel_loop3A_160, %parallel_loop3A_161] {strides = array<i32>} : memref<32x1024xf32, #tpu.memory_space<vmem>>, vector<1x16xf32>,
        %parallel_loop3A_163 = vector.shape_cast %parallel_loop3A_162 : vector<1x16xf32> to vector<16xf32>
        %parallel_loop3A_164 = arith.constant 8 : i32
        %parallel_loop3A_165 = arith.index_cast %parallel_loop3A_164 : i32 to index
        %parallel_loop3A_166 = arith.index_cast %parallel_loop3A_123 : i32 to index
        %parallel_loop3A_167 = tpu.vector_load %arg5[%parallel_loop3A_165, %parallel_loop3A_166] {strides = array<i32>} : memref<32x1024xf32, #tpu.memory_space<vmem>>, vector<1x16xf32>,
        %parallel_loop3A_168 = vector.shape_cast %parallel_loop3A_167 : vector<1x16xf32> to vector<16xf32>
        %parallel_loop3A_169 = arith.constant 9 : i32
        %parallel_loop3A_170 = arith.index_cast %parallel_loop3A_169 : i32 to index
        %parallel_loop3A_171 = arith.index_cast %parallel_loop3A_123 : i32 to index
        %parallel_loop3A_172 = tpu.vector_load %arg5[%parallel_loop3A_170, %parallel_loop3A_171] {strides = array<i32>} : memref<32x1024xf32, #tpu.memory_space<vmem>>, vector<1x16xf32>,
        %parallel_loop3A_173 = vector.shape_cast %parallel_loop3A_172 : vector<1x16xf32> to vector<16xf32>
        %parallel_loop3A_174 = arith.constant 10 : i32
        %parallel_loop3A_175 = arith.index_cast %parallel_loop3A_174 : i32 to index
        %parallel_loop3A_176 = arith.index_cast %parallel_loop3A_123 : i32 to index
        %parallel_loop3A_177 = tpu.vector_load %arg5[%parallel_loop3A_175, %parallel_loop3A_176] {strides = array<i32>} : memref<32x1024xf32, #tpu.memory_space<vmem>>, vector<1x16xf32>,
        %parallel_loop3A_178 = vector.shape_cast %parallel_loop3A_177 : vector<1x16xf32> to vector<16xf32>
        %parallel_loop3A_179 = arith.constant 11 : i32
        %parallel_loop3A_180 = arith.index_cast %parallel_loop3A_179 : i32 to index
        %parallel_loop3A_181 = arith.index_cast %parallel_loop3A_123 : i32 to index
        %parallel_loop3A_182 = tpu.vector_load %arg5[%parallel_loop3A_180, %parallel_loop3A_181] {strides = array<i32>} : memref<32x1024xf32, #tpu.memory_space<vmem>>, vector<1x16xf32>,
        %parallel_loop3A_183 = vector.shape_cast %parallel_loop3A_182 : vector<1x16xf32> to vector<16xf32>
        %parallel_loop3A_184 = arith.constant 12 : i32
        %parallel_loop3A_185 = arith.index_cast %parallel_loop3A_184 : i32 to index
        %parallel_loop3A_186 = arith.index_cast %parallel_loop3A_123 : i32 to index
        %parallel_loop3A_187 = tpu.vector_load %arg5[%parallel_loop3A_185, %parallel_loop3A_186] {strides = array<i32>} : memref<32x1024xf32, #tpu.memory_space<vmem>>, vector<1x16xf32>,
        %parallel_loop3A_188 = vector.shape_cast %parallel_loop3A_187 : vector<1x16xf32> to vector<16xf32>
        %parallel_loop3A_189 = arith.constant 13 : i32
        %parallel_loop3A_190 = arith.index_cast %parallel_loop3A_189 : i32 to index
        %parallel_loop3A_191 = arith.index_cast %parallel_loop3A_123 : i32 to index
        %parallel_loop3A_192 = tpu.vector_load %arg5[%parallel_loop3A_190, %parallel_loop3A_191] {strides = array<i32>} : memref<32x1024xf32, #tpu.memory_space<vmem>>, vector<1x16xf32>,
        %parallel_loop3A_193 = vector.shape_cast %parallel_loop3A_192 : vector<1x16xf32> to vector<16xf32>
        %parallel_loop3A_194 = arith.constant 14 : i32
        %parallel_loop3A_195 = arith.index_cast %parallel_loop3A_194 : i32 to index
        %parallel_loop3A_196 = arith.index_cast %parallel_loop3A_123 : i32 to index
        %parallel_loop3A_197 = tpu.vector_load %arg5[%parallel_loop3A_195, %parallel_loop3A_196] {strides = array<i32>} : memref<32x1024xf32, #tpu.memory_space<vmem>>, vector<1x16xf32>,
        %parallel_loop3A_198 = vector.shape_cast %parallel_loop3A_197 : vector<1x16xf32> to vector<16xf32>
        %parallel_loop3A_199 = arith.constant 15 : i32
        %parallel_loop3A_200 = arith.index_cast %parallel_loop3A_199 : i32 to index
        %parallel_loop3A_201 = arith.index_cast %parallel_loop3A_123 : i32 to index
        %parallel_loop3A_202 = tpu.vector_load %arg5[%parallel_loop3A_200, %parallel_loop3A_201] {strides = array<i32>} : memref<32x1024xf32, #tpu.memory_space<vmem>>, vector<1x16xf32>,
        %parallel_loop3A_203 = vector.shape_cast %parallel_loop3A_202 : vector<1x16xf32> to vector<16xf32>
        %parallel_loop3A_204 = arith.constant 16 : i32
        %parallel_loop3A_205 = arith.index_cast %parallel_loop3A_204 : i32 to index
        %parallel_loop3A_206 = arith.index_cast %parallel_loop3A_123 : i32 to index
        %parallel_loop3A_207 = tpu.vector_load %arg5[%parallel_loop3A_205, %parallel_loop3A_206] {strides = array<i32>} : memref<32x1024xf32, #tpu.memory_space<vmem>>, vector<1x16xf32>,
        %parallel_loop3A_208 = vector.shape_cast %parallel_loop3A_207 : vector<1x16xf32> to vector<16xf32>
        %parallel_loop3A_209 = arith.constant 17 : i32
        %parallel_loop3A_210 = arith.index_cast %parallel_loop3A_209 : i32 to index
        %parallel_loop3A_211 = arith.index_cast %parallel_loop3A_123 : i32 to index
        %parallel_loop3A_212 = tpu.vector_load %arg5[%parallel_loop3A_210, %parallel_loop3A_211] {strides = array<i32>} : memref<32x1024xf32, #tpu.memory_space<vmem>>, vector<1x16xf32>,
        %parallel_loop3A_213 = vector.shape_cast %parallel_loop3A_212 : vector<1x16xf32> to vector<16xf32>
        %parallel_loop3A_214 = arith.constant 18 : i32
        %parallel_loop3A_215 = arith.index_cast %parallel_loop3A_214 : i32 to index
        %parallel_loop3A_216 = arith.index_cast %parallel_loop3A_123 : i32 to index
        %parallel_loop3A_217 = tpu.vector_load %arg5[%parallel_loop3A_215, %parallel_loop3A_216] {strides = array<i32>} : memref<32x1024xf32, #tpu.memory_space<vmem>>, vector<1x16xf32>,
        %parallel_loop3A_218 = vector.shape_cast %parallel_loop3A_217 : vector<1x16xf32> to vector<16xf32>
        %parallel_loop3A_219 = arith.constant 19 : i32
        %parallel_loop3A_220 = arith.index_cast %parallel_loop3A_219 : i32 to index
        %parallel_loop3A_221 = arith.index_cast %parallel_loop3A_123 : i32 to index
        %parallel_loop3A_222 = tpu.vector_load %arg5[%parallel_loop3A_220, %parallel_loop3A_221] {strides = array<i32>} : memref<32x1024xf32, #tpu.memory_space<vmem>>, vector<1x16xf32>,
        %parallel_loop3A_223 = vector.shape_cast %parallel_loop3A_222 : vector<1x16xf32> to vector<16xf32>
        %parallel_loop3A_224 = arith.constant 20 : i32
        %parallel_loop3A_225 = arith.index_cast %parallel_loop3A_224 : i32 to index
        %parallel_loop3A_226 = arith.index_cast %parallel_loop3A_123 : i32 to index
        %parallel_loop3A_227 = tpu.vector_load %arg5[%parallel_loop3A_225, %parallel_loop3A_226] {strides = array<i32>} : memref<32x1024xf32, #tpu.memory_space<vmem>>, vector<1x16xf32>,
        %parallel_loop3A_228 = vector.shape_cast %parallel_loop3A_227 : vector<1x16xf32> to vector<16xf32>
        %parallel_loop3A_229 = arith.constant 21 : i32
        %parallel_loop3A_230 = arith.index_cast %parallel_loop3A_229 : i32 to index
        %parallel_loop3A_231 = arith.index_cast %parallel_loop3A_123 : i32 to index
        %parallel_loop3A_232 = tpu.vector_load %arg5[%parallel_loop3A_230, %parallel_loop3A_231] {strides = array<i32>} : memref<32x1024xf32, #tpu.memory_space<vmem>>, vector<1x16xf32>,
        %parallel_loop3A_233 = vector.shape_cast %parallel_loop3A_232 : vector<1x16xf32> to vector<16xf32>
        %parallel_loop3A_234 = arith.constant 22 : i32
        %parallel_loop3A_235 = arith.index_cast %parallel_loop3A_234 : i32 to index
        %parallel_loop3A_236 = arith.index_cast %parallel_loop3A_123 : i32 to index
        %parallel_loop3A_237 = tpu.vector_load %arg5[%parallel_loop3A_235, %parallel_loop3A_236] {strides = array<i32>} : memref<32x1024xf32, #tpu.memory_space<vmem>>, vector<1x16xf32>,
        %parallel_loop3A_238 = vector.shape_cast %parallel_loop3A_237 : vector<1x16xf32> to vector<16xf32>
        %parallel_loop3A_239 = arith.constant 23 : i32
        %parallel_loop3A_240 = arith.index_cast %parallel_loop3A_239 : i32 to index
        %parallel_loop3A_241 = arith.index_cast %parallel_loop3A_123 : i32 to index
        %parallel_loop3A_242 = tpu.vector_load %arg5[%parallel_loop3A_240, %parallel_loop3A_241] {strides = array<i32>} : memref<32x1024xf32, #tpu.memory_space<vmem>>, vector<1x16xf32>,
        %parallel_loop3A_243 = vector.shape_cast %parallel_loop3A_242 : vector<1x16xf32> to vector<16xf32>
        %parallel_loop3A_244 = arith.constant 24 : i32
        %parallel_loop3A_245 = arith.index_cast %parallel_loop3A_244 : i32 to index
        %parallel_loop3A_246 = arith.index_cast %parallel_loop3A_123 : i32 to index
        %parallel_loop3A_247 = tpu.vector_load %arg5[%parallel_loop3A_245, %parallel_loop3A_246] {strides = array<i32>} : memref<32x1024xf32, #tpu.memory_space<vmem>>, vector<1x16xf32>,
        %parallel_loop3A_248 = vector.shape_cast %parallel_loop3A_247 : vector<1x16xf32> to vector<16xf32>
        %parallel_loop3A_249 = arith.constant 25 : i32
        %parallel_loop3A_250 = arith.index_cast %parallel_loop3A_249 : i32 to index
        %parallel_loop3A_251 = arith.index_cast %parallel_loop3A_123 : i32 to index
        %parallel_loop3A_252 = tpu.vector_load %arg5[%parallel_loop3A_250, %parallel_loop3A_251] {strides = array<i32>} : memref<32x1024xf32, #tpu.memory_space<vmem>>, vector<1x16xf32>,
        %parallel_loop3A_253 = vector.shape_cast %parallel_loop3A_252 : vector<1x16xf32> to vector<16xf32>
        %parallel_loop3A_254 = arith.constant 26 : i32
        %parallel_loop3A_255 = arith.index_cast %parallel_loop3A_254 : i32 to index
        %parallel_loop3A_256 = arith.index_cast %parallel_loop3A_123 : i32 to index
        %parallel_loop3A_257 = tpu.vector_load %arg5[%parallel_loop3A_255, %parallel_loop3A_256] {strides = array<i32>} : memref<32x1024xf32, #tpu.memory_space<vmem>>, vector<1x16xf32>,
        %parallel_loop3A_258 = vector.shape_cast %parallel_loop3A_257 : vector<1x16xf32> to vector<16xf32>
        %parallel_loop3A_259 = arith.constant 27 : i32
        %parallel_loop3A_260 = arith.index_cast %parallel_loop3A_259 : i32 to index
        %parallel_loop3A_261 = arith.index_cast %parallel_loop3A_123 : i32 to index
        %parallel_loop3A_262 = tpu.vector_load %arg5[%parallel_loop3A_260, %parallel_loop3A_261] {strides = array<i32>} : memref<32x1024xf32, #tpu.memory_space<vmem>>, vector<1x16xf32>,
        %parallel_loop3A_263 = vector.shape_cast %parallel_loop3A_262 : vector<1x16xf32> to vector<16xf32>
        %parallel_loop3A_264 = arith.constant 28 : i32
        %parallel_loop3A_265 = arith.index_cast %parallel_loop3A_264 : i32 to index
        %parallel_loop3A_266 = arith.index_cast %parallel_loop3A_123 : i32 to index
        %parallel_loop3A_267 = tpu.vector_load %arg5[%parallel_loop3A_265, %parallel_loop3A_266] {strides = array<i32>} : memref<32x1024xf32, #tpu.memory_space<vmem>>, vector<1x16xf32>,
        %parallel_loop3A_268 = vector.shape_cast %parallel_loop3A_267 : vector<1x16xf32> to vector<16xf32>
        %parallel_loop3A_269 = arith.constant 29 : i32
        %parallel_loop3A_270 = arith.index_cast %parallel_loop3A_269 : i32 to index
        %parallel_loop3A_271 = arith.index_cast %parallel_loop3A_123 : i32 to index
        %parallel_loop3A_272 = tpu.vector_load %arg5[%parallel_loop3A_270, %parallel_loop3A_271] {strides = array<i32>} : memref<32x1024xf32, #tpu.memory_space<vmem>>, vector<1x16xf32>,
        %parallel_loop3A_273 = vector.shape_cast %parallel_loop3A_272 : vector<1x16xf32> to vector<16xf32>
        %parallel_loop3A_274 = arith.constant 30 : i32
        %parallel_loop3A_275 = arith.index_cast %parallel_loop3A_274 : i32 to index
        %parallel_loop3A_276 = arith.index_cast %parallel_loop3A_123 : i32 to index
        %parallel_loop3A_277 = tpu.vector_load %arg5[%parallel_loop3A_275, %parallel_loop3A_276] {strides = array<i32>} : memref<32x1024xf32, #tpu.memory_space<vmem>>, vector<1x16xf32>,
        %parallel_loop3A_278 = vector.shape_cast %parallel_loop3A_277 : vector<1x16xf32> to vector<16xf32>
        %parallel_loop3A_279 = arith.constant 31 : i32
        %parallel_loop3A_280 = arith.index_cast %parallel_loop3A_279 : i32 to index
        %parallel_loop3A_281 = arith.index_cast %parallel_loop3A_123 : i32 to index
        %parallel_loop3A_282 = tpu.vector_load %arg5[%parallel_loop3A_280, %parallel_loop3A_281] {strides = array<i32>} : memref<32x1024xf32, #tpu.memory_space<vmem>>, vector<1x16xf32>,
        %parallel_loop3A_283 = vector.shape_cast %parallel_loop3A_282 : vector<1x16xf32> to vector<16xf32>
        %parallel_loop3A_284 = arith.addf %parallel_loop3A_128, %parallel_loop3A_133 : vector<16xf32>
        %parallel_loop3A_285 = arith.addf %parallel_loop3A_138, %parallel_loop3A_143 : vector<16xf32>
        %parallel_loop3A_286 = arith.addf %parallel_loop3A_148, %parallel_loop3A_153 : vector<16xf32>
        %parallel_loop3A_287 = arith.addf %parallel_loop3A_158, %parallel_loop3A_163 : vector<16xf32>
        %parallel_loop3A_288 = arith.addf %parallel_loop3A_168, %parallel_loop3A_173 : vector<16xf32>
        %parallel_loop3A_289 = arith.addf %parallel_loop3A_178, %parallel_loop3A_183 : vector<16xf32>
        %parallel_loop3A_290 = arith.addf %parallel_loop3A_188, %parallel_loop3A_193 : vector<16xf32>
        %parallel_loop3A_291 = arith.addf %parallel_loop3A_198, %parallel_loop3A_203 : vector<16xf32>
        %parallel_loop3A_292 = arith.addf %parallel_loop3A_208, %parallel_loop3A_213 : vector<16xf32>
        %parallel_loop3A_293 = arith.addf %parallel_loop3A_218, %parallel_loop3A_223 : vector<16xf32>
        %parallel_loop3A_294 = arith.addf %parallel_loop3A_228, %parallel_loop3A_233 : vector<16xf32>
        %parallel_loop3A_295 = arith.addf %parallel_loop3A_238, %parallel_loop3A_243 : vector<16xf32>
        %parallel_loop3A_296 = arith.addf %parallel_loop3A_248, %parallel_loop3A_253 : vector<16xf32>
        %parallel_loop3A_297 = arith.addf %parallel_loop3A_258, %parallel_loop3A_263 : vector<16xf32>
        %parallel_loop3A_298 = arith.addf %parallel_loop3A_268, %parallel_loop3A_273 : vector<16xf32>
        %parallel_loop3A_299 = arith.addf %parallel_loop3A_278, %parallel_loop3A_283 : vector<16xf32>
        %parallel_loop3A_300 = arith.addf %parallel_loop3A_284, %parallel_loop3A_285 : vector<16xf32>
        %parallel_loop3A_301 = arith.addf %parallel_loop3A_286, %parallel_loop3A_287 : vector<16xf32>
        %parallel_loop3A_302 = arith.addf %parallel_loop3A_288, %parallel_loop3A_289 : vector<16xf32>
        %parallel_loop3A_303 = arith.addf %parallel_loop3A_290, %parallel_loop3A_291 : vector<16xf32>
        %parallel_loop3A_304 = arith.addf %parallel_loop3A_292, %parallel_loop3A_293 : vector<16xf32>
        %parallel_loop3A_305 = arith.addf %parallel_loop3A_294, %parallel_loop3A_295 : vector<16xf32>
        %parallel_loop3A_306 = arith.addf %parallel_loop3A_296, %parallel_loop3A_297 : vector<16xf32>
        %parallel_loop3A_307 = arith.addf %parallel_loop3A_298, %parallel_loop3A_299 : vector<16xf32>
        %parallel_loop3A_308 = arith.addf %parallel_loop3A_300, %parallel_loop3A_301 : vector<16xf32>
        %parallel_loop3A_309 = arith.addf %parallel_loop3A_302, %parallel_loop3A_303 : vector<16xf32>
        %parallel_loop3A_310 = arith.addf %parallel_loop3A_304, %parallel_loop3A_305 : vector<16xf32>
        %parallel_loop3A_311 = arith.addf %parallel_loop3A_306, %parallel_loop3A_307 : vector<16xf32>
        %parallel_loop3A_312 = arith.addf %parallel_loop3A_308, %parallel_loop3A_309 : vector<16xf32>
        %parallel_loop3A_313 = arith.addf %parallel_loop3A_310, %parallel_loop3A_311 : vector<16xf32>
        %parallel_loop3A_314 = arith.addf %parallel_loop3A_312, %parallel_loop3A_313 : vector<16xf32>
        %parallel_loop3A_315 = arith.index_cast %parallel_loop3A_123 : i32 to index
        %parallel_loop3A_316 = tpu.vector_load %arg8[%parallel_loop3A_315] {strides = array<i32>} : memref<1024xf32, #tpu.memory_space<vmem>>, vector<16xf32>,
        %parallel_loop3A_317 = vector.shape_cast %parallel_loop3A_316 : vector<16xf32> to vector<16xf32>
        %parallel_loop3A_318 = arith.addf %parallel_loop3A_317, %parallel_loop3A_314 : vector<16xf32>
        %parallel_loop3A_319 = arith.index_cast %parallel_loop3A_123 : i32 to index
        %parallel_loop3A_320 = tpu.vector_load %arg8[%parallel_loop3A_319] {strides = array<i32>} : memref<1024xf32, #tpu.memory_space<vmem>>, vector<16xf32>,
        %parallel_loop3A_321 = vector.shape_cast %parallel_loop3A_320 : vector<16xf32> to vector<16xf32>
        %parallel_loop3A_322 = vector.shape_cast %parallel_loop3A_318 : vector<16xf32> to vector<16xf32>
        tpu.vector_store %arg8[%parallel_loop3A_319], %parallel_loop3A_322 {strides = array<i32>} : memref<1024xf32, #tpu.memory_space<vmem>>, vector<16xf32>,
      } {sc.loop_unroll_factor = 2 : i64, sc.parallel_access}
      %mul3A_91 = arith.constant 2 : i32
      %mul3A_92 = arith.muli %mul3A_91, %scan3A_80 : i32
      %add3A_93 = arith.constant 2 : i32
      %add3A_94 = arith.addi %mul3A_92, %add3A_93 : i32
      %mul3A_95 = arith.constant 32 : i32
      %mul3A_96 = arith.muli %add3A_94, %mul3A_95 : i32
      %add3A_97 = arith.addi %add3A_34, %mul3A_96 : i32
      %dma_start3A_98 = tpu.memref_slice %arg2[%add3A_97, %mul3A_36] : memref<32768x2048xf32, #tpu.memory_space<hbm>> -> memref<32x1024xf32, #tpu.memory_space<hbm>>
      %dma_start3A_99 = tpu.memref_slice %arg2[%add3A_97, %mul3A_36] : memref<32768x2048xf32, #tpu.memory_space<hbm>> -> memref<32x1024xf32, #tpu.memory_space<hbm>>
      tpu.enqueue_dma source(%dma_start3A_99 : memref<32x1024xf32, #tpu.memory_space<hbm>>) target(%arg5 : memref<32x1024xf32, #tpu.memory_space<vmem>>) target_semaphore(%arg9 : memref<!tpu.dma_semaphore, #tpu.memory_space<semaphore_mem>>)
      %mul3A_100 = arith.constant 2 : i32
      %mul3A_101 = arith.muli %mul3A_100, %scan3A_80 : i32
      %add3A_102 = arith.constant 1 : i32
      %add3A_103 = arith.addi %mul3A_101, %add3A_102 : i32
      %mul3A_104 = arith.constant 32 : i32
      %mul3A_105 = arith.muli %add3A_103, %mul3A_104 : i32
      %add3A_106 = arith.addi %add3A_34, %mul3A_105 : i32
      %dma_wait3A_107 = tpu.memref_slice %arg2[%add3A_106, %mul3A_36] : memref<32768x2048xf32, #tpu.memory_space<hbm>> -> memref<32x1024xf32, #tpu.memory_space<hbm>>
      %dma_wait3A_108 = tpu.memref_slice %arg2[%add3A_106, %mul3A_36] : memref<32768x2048xf32, #tpu.memory_space<hbm>> -> memref<32x1024xf32, #tpu.memory_space<hbm>>
      tpu.wait_dma2 semaphore(%arg10 : memref<!tpu.dma_semaphore, #tpu.memory_space<semaphore_mem>>) src(%dma_wait3A_108 : memref<32x1024xf32, #tpu.memory_space<hbm>>) dst(%arg6 : memref<32x1024xf32, #tpu.memory_space<vmem>>)
      %parallel_loop3A_109 = arith.constant 0 : i32
      %parallel_loop3A_110 = arith.constant 64 : i32
      %parallel_loop3A_111 = arith.constant 1 : i32
      scf.for %parallel_loop3A_121 = %parallel_loop3A_109 to %parallel_loop3A_110 step %parallel_loop3A_111  : i32 {
        %parallel_loop3A_122 = arith.constant 16 : i32
        %parallel_loop3A_123 = arith.muli %parallel_loop3A_121, %parallel_loop3A_122 : i32
        %parallel_loop3A_124 = arith.constant 0 : i32
        %parallel_loop3A_125 = arith.index_cast %parallel_loop3A_124 : i32 to index
        %parallel_loop3A_126 = arith.index_cast %parallel_loop3A_123 : i32 to index
        %parallel_loop3A_127 = tpu.vector_load %arg6[%parallel_loop3A_125, %parallel_loop3A_126] {strides = array<i32>} : memref<32x1024xf32, #tpu.memory_space<vmem>>, vector<1x16xf32>,
        %parallel_loop3A_128 = vector.shape_cast %parallel_loop3A_127 : vector<1x16xf32> to vector<16xf32>
        %parallel_loop3A_129 = arith.constant 1 : i32
        %parallel_loop3A_130 = arith.index_cast %parallel_loop3A_129 : i32 to index
        %parallel_loop3A_131 = arith.index_cast %parallel_loop3A_123 : i32 to index
        %parallel_loop3A_132 = tpu.vector_load %arg6[%parallel_loop3A_130, %parallel_loop3A_131] {strides = array<i32>} : memref<32x1024xf32, #tpu.memory_space<vmem>>, vector<1x16xf32>,
        %parallel_loop3A_133 = vector.shape_cast %parallel_loop3A_132 : vector<1x16xf32> to vector<16xf32>
        %parallel_loop3A_134 = arith.constant 2 : i32
        %parallel_loop3A_135 = arith.index_cast %parallel_loop3A_134 : i32 to index
        %parallel_loop3A_136 = arith.index_cast %parallel_loop3A_123 : i32 to index
        %parallel_loop3A_137 = tpu.vector_load %arg6[%parallel_loop3A_135, %parallel_loop3A_136] {strides = array<i32>} : memref<32x1024xf32, #tpu.memory_space<vmem>>, vector<1x16xf32>,
        %parallel_loop3A_138 = vector.shape_cast %parallel_loop3A_137 : vector<1x16xf32> to vector<16xf32>
        %parallel_loop3A_139 = arith.constant 3 : i32
        %parallel_loop3A_140 = arith.index_cast %parallel_loop3A_139 : i32 to index
        %parallel_loop3A_141 = arith.index_cast %parallel_loop3A_123 : i32 to index
        %parallel_loop3A_142 = tpu.vector_load %arg6[%parallel_loop3A_140, %parallel_loop3A_141] {strides = array<i32>} : memref<32x1024xf32, #tpu.memory_space<vmem>>, vector<1x16xf32>,
        %parallel_loop3A_143 = vector.shape_cast %parallel_loop3A_142 : vector<1x16xf32> to vector<16xf32>
        %parallel_loop3A_144 = arith.constant 4 : i32
        %parallel_loop3A_145 = arith.index_cast %parallel_loop3A_144 : i32 to index
        %parallel_loop3A_146 = arith.index_cast %parallel_loop3A_123 : i32 to index
        %parallel_loop3A_147 = tpu.vector_load %arg6[%parallel_loop3A_145, %parallel_loop3A_146] {strides = array<i32>} : memref<32x1024xf32, #tpu.memory_space<vmem>>, vector<1x16xf32>,
        %parallel_loop3A_148 = vector.shape_cast %parallel_loop3A_147 : vector<1x16xf32> to vector<16xf32>
        %parallel_loop3A_149 = arith.constant 5 : i32
        %parallel_loop3A_150 = arith.index_cast %parallel_loop3A_149 : i32 to index
        %parallel_loop3A_151 = arith.index_cast %parallel_loop3A_123 : i32 to index
        %parallel_loop3A_152 = tpu.vector_load %arg6[%parallel_loop3A_150, %parallel_loop3A_151] {strides = array<i32>} : memref<32x1024xf32, #tpu.memory_space<vmem>>, vector<1x16xf32>,
        %parallel_loop3A_153 = vector.shape_cast %parallel_loop3A_152 : vector<1x16xf32> to vector<16xf32>
        %parallel_loop3A_154 = arith.constant 6 : i32
        %parallel_loop3A_155 = arith.index_cast %parallel_loop3A_154 : i32 to index
        %parallel_loop3A_156 = arith.index_cast %parallel_loop3A_123 : i32 to index
        %parallel_loop3A_157 = tpu.vector_load %arg6[%parallel_loop3A_155, %parallel_loop3A_156] {strides = array<i32>} : memref<32x1024xf32, #tpu.memory_space<vmem>>, vector<1x16xf32>,
        %parallel_loop3A_158 = vector.shape_cast %parallel_loop3A_157 : vector<1x16xf32> to vector<16xf32>
        %parallel_loop3A_159 = arith.constant 7 : i32
        %parallel_loop3A_160 = arith.index_cast %parallel_loop3A_159 : i32 to index
        %parallel_loop3A_161 = arith.index_cast %parallel_loop3A_123 : i32 to index
        %parallel_loop3A_162 = tpu.vector_load %arg6[%parallel_loop3A_160, %parallel_loop3A_161] {strides = array<i32>} : memref<32x1024xf32, #tpu.memory_space<vmem>>, vector<1x16xf32>,
        %parallel_loop3A_163 = vector.shape_cast %parallel_loop3A_162 : vector<1x16xf32> to vector<16xf32>
        %parallel_loop3A_164 = arith.constant 8 : i32
        %parallel_loop3A_165 = arith.index_cast %parallel_loop3A_164 : i32 to index
        %parallel_loop3A_166 = arith.index_cast %parallel_loop3A_123 : i32 to index
        %parallel_loop3A_167 = tpu.vector_load %arg6[%parallel_loop3A_165, %parallel_loop3A_166] {strides = array<i32>} : memref<32x1024xf32, #tpu.memory_space<vmem>>, vector<1x16xf32>,
        %parallel_loop3A_168 = vector.shape_cast %parallel_loop3A_167 : vector<1x16xf32> to vector<16xf32>
        %parallel_loop3A_169 = arith.constant 9 : i32
        %parallel_loop3A_170 = arith.index_cast %parallel_loop3A_169 : i32 to index
        %parallel_loop3A_171 = arith.index_cast %parallel_loop3A_123 : i32 to index
        %parallel_loop3A_172 = tpu.vector_load %arg6[%parallel_loop3A_170, %parallel_loop3A_171] {strides = array<i32>} : memref<32x1024xf32, #tpu.memory_space<vmem>>, vector<1x16xf32>,
        %parallel_loop3A_173 = vector.shape_cast %parallel_loop3A_172 : vector<1x16xf32> to vector<16xf32>
        %parallel_loop3A_174 = arith.constant 10 : i32
        %parallel_loop3A_175 = arith.index_cast %parallel_loop3A_174 : i32 to index
        %parallel_loop3A_176 = arith.index_cast %parallel_loop3A_123 : i32 to index
        %parallel_loop3A_177 = tpu.vector_load %arg6[%parallel_loop3A_175, %parallel_loop3A_176] {strides = array<i32>} : memref<32x1024xf32, #tpu.memory_space<vmem>>, vector<1x16xf32>,
        %parallel_loop3A_178 = vector.shape_cast %parallel_loop3A_177 : vector<1x16xf32> to vector<16xf32>
        %parallel_loop3A_179 = arith.constant 11 : i32
        %parallel_loop3A_180 = arith.index_cast %parallel_loop3A_179 : i32 to index
        %parallel_loop3A_181 = arith.index_cast %parallel_loop3A_123 : i32 to index
        %parallel_loop3A_182 = tpu.vector_load %arg6[%parallel_loop3A_180, %parallel_loop3A_181] {strides = array<i32>} : memref<32x1024xf32, #tpu.memory_space<vmem>>, vector<1x16xf32>,
        %parallel_loop3A_183 = vector.shape_cast %parallel_loop3A_182 : vector<1x16xf32> to vector<16xf32>
        %parallel_loop3A_184 = arith.constant 12 : i32
        %parallel_loop3A_185 = arith.index_cast %parallel_loop3A_184 : i32 to index
        %parallel_loop3A_186 = arith.index_cast %parallel_loop3A_123 : i32 to index
        %parallel_loop3A_187 = tpu.vector_load %arg6[%parallel_loop3A_185, %parallel_loop3A_186] {strides = array<i32>} : memref<32x1024xf32, #tpu.memory_space<vmem>>, vector<1x16xf32>,
        %parallel_loop3A_188 = vector.shape_cast %parallel_loop3A_187 : vector<1x16xf32> to vector<16xf32>
        %parallel_loop3A_189 = arith.constant 13 : i32
        %parallel_loop3A_190 = arith.index_cast %parallel_loop3A_189 : i32 to index
        %parallel_loop3A_191 = arith.index_cast %parallel_loop3A_123 : i32 to index
        %parallel_loop3A_192 = tpu.vector_load %arg6[%parallel_loop3A_190, %parallel_loop3A_191] {strides = array<i32>} : memref<32x1024xf32, #tpu.memory_space<vmem>>, vector<1x16xf32>,
        %parallel_loop3A_193 = vector.shape_cast %parallel_loop3A_192 : vector<1x16xf32> to vector<16xf32>
        %parallel_loop3A_194 = arith.constant 14 : i32
        %parallel_loop3A_195 = arith.index_cast %parallel_loop3A_194 : i32 to index
        %parallel_loop3A_196 = arith.index_cast %parallel_loop3A_123 : i32 to index
        %parallel_loop3A_197 = tpu.vector_load %arg6[%parallel_loop3A_195, %parallel_loop3A_196] {strides = array<i32>} : memref<32x1024xf32, #tpu.memory_space<vmem>>, vector<1x16xf32>,
        %parallel_loop3A_198 = vector.shape_cast %parallel_loop3A_197 : vector<1x16xf32> to vector<16xf32>
        %parallel_loop3A_199 = arith.constant 15 : i32
        %parallel_loop3A_200 = arith.index_cast %parallel_loop3A_199 : i32 to index
        %parallel_loop3A_201 = arith.index_cast %parallel_loop3A_123 : i32 to index
        %parallel_loop3A_202 = tpu.vector_load %arg6[%parallel_loop3A_200, %parallel_loop3A_201] {strides = array<i32>} : memref<32x1024xf32, #tpu.memory_space<vmem>>, vector<1x16xf32>,
        %parallel_loop3A_203 = vector.shape_cast %parallel_loop3A_202 : vector<1x16xf32> to vector<16xf32>
        %parallel_loop3A_204 = arith.constant 16 : i32
        %parallel_loop3A_205 = arith.index_cast %parallel_loop3A_204 : i32 to index
        %parallel_loop3A_206 = arith.index_cast %parallel_loop3A_123 : i32 to index
        %parallel_loop3A_207 = tpu.vector_load %arg6[%parallel_loop3A_205, %parallel_loop3A_206] {strides = array<i32>} : memref<32x1024xf32, #tpu.memory_space<vmem>>, vector<1x16xf32>,
        %parallel_loop3A_208 = vector.shape_cast %parallel_loop3A_207 : vector<1x16xf32> to vector<16xf32>
        %parallel_loop3A_209 = arith.constant 17 : i32
        %parallel_loop3A_210 = arith.index_cast %parallel_loop3A_209 : i32 to index
        %parallel_loop3A_211 = arith.index_cast %parallel_loop3A_123 : i32 to index
        %parallel_loop3A_212 = tpu.vector_load %arg6[%parallel_loop3A_210, %parallel_loop3A_211] {strides = array<i32>} : memref<32x1024xf32, #tpu.memory_space<vmem>>, vector<1x16xf32>,
        %parallel_loop3A_213 = vector.shape_cast %parallel_loop3A_212 : vector<1x16xf32> to vector<16xf32>
        %parallel_loop3A_214 = arith.constant 18 : i32
        %parallel_loop3A_215 = arith.index_cast %parallel_loop3A_214 : i32 to index
        %parallel_loop3A_216 = arith.index_cast %parallel_loop3A_123 : i32 to index
        %parallel_loop3A_217 = tpu.vector_load %arg6[%parallel_loop3A_215, %parallel_loop3A_216] {strides = array<i32>} : memref<32x1024xf32, #tpu.memory_space<vmem>>, vector<1x16xf32>,
        %parallel_loop3A_218 = vector.shape_cast %parallel_loop3A_217 : vector<1x16xf32> to vector<16xf32>
        %parallel_loop3A_219 = arith.constant 19 : i32
        %parallel_loop3A_220 = arith.index_cast %parallel_loop3A_219 : i32 to index
        %parallel_loop3A_221 = arith.index_cast %parallel_loop3A_123 : i32 to index
        %parallel_loop3A_222 = tpu.vector_load %arg6[%parallel_loop3A_220, %parallel_loop3A_221] {strides = array<i32>} : memref<32x1024xf32, #tpu.memory_space<vmem>>, vector<1x16xf32>,
        %parallel_loop3A_223 = vector.shape_cast %parallel_loop3A_222 : vector<1x16xf32> to vector<16xf32>
        %parallel_loop3A_224 = arith.constant 20 : i32
        %parallel_loop3A_225 = arith.index_cast %parallel_loop3A_224 : i32 to index
        %parallel_loop3A_226 = arith.index_cast %parallel_loop3A_123 : i32 to index
        %parallel_loop3A_227 = tpu.vector_load %arg6[%parallel_loop3A_225, %parallel_loop3A_226] {strides = array<i32>} : memref<32x1024xf32, #tpu.memory_space<vmem>>, vector<1x16xf32>,
        %parallel_loop3A_228 = vector.shape_cast %parallel_loop3A_227 : vector<1x16xf32> to vector<16xf32>
        %parallel_loop3A_229 = arith.constant 21 : i32
        %parallel_loop3A_230 = arith.index_cast %parallel_loop3A_229 : i32 to index
        %parallel_loop3A_231 = arith.index_cast %parallel_loop3A_123 : i32 to index
        %parallel_loop3A_232 = tpu.vector_load %arg6[%parallel_loop3A_230, %parallel_loop3A_231] {strides = array<i32>} : memref<32x1024xf32, #tpu.memory_space<vmem>>, vector<1x16xf32>,
        %parallel_loop3A_233 = vector.shape_cast %parallel_loop3A_232 : vector<1x16xf32> to vector<16xf32>
        %parallel_loop3A_234 = arith.constant 22 : i32
        %parallel_loop3A_235 = arith.index_cast %parallel_loop3A_234 : i32 to index
        %parallel_loop3A_236 = arith.index_cast %parallel_loop3A_123 : i32 to index
        %parallel_loop3A_237 = tpu.vector_load %arg6[%parallel_loop3A_235, %parallel_loop3A_236] {strides = array<i32>} : memref<32x1024xf32, #tpu.memory_space<vmem>>, vector<1x16xf32>,
        %parallel_loop3A_238 = vector.shape_cast %parallel_loop3A_237 : vector<1x16xf32> to vector<16xf32>
        %parallel_loop3A_239 = arith.constant 23 : i32
        %parallel_loop3A_240 = arith.index_cast %parallel_loop3A_239 : i32 to index
        %parallel_loop3A_241 = arith.index_cast %parallel_loop3A_123 : i32 to index
        %parallel_loop3A_242 = tpu.vector_load %arg6[%parallel_loop3A_240, %parallel_loop3A_241] {strides = array<i32>} : memref<32x1024xf32, #tpu.memory_space<vmem>>, vector<1x16xf32>,
        %parallel_loop3A_243 = vector.shape_cast %parallel_loop3A_242 : vector<1x16xf32> to vector<16xf32>
        %parallel_loop3A_244 = arith.constant 24 : i32
        %parallel_loop3A_245 = arith.index_cast %parallel_loop3A_244 : i32 to index
        %parallel_loop3A_246 = arith.index_cast %parallel_loop3A_123 : i32 to index
        %parallel_loop3A_247 = tpu.vector_load %arg6[%parallel_loop3A_245, %parallel_loop3A_246] {strides = array<i32>} : memref<32x1024xf32, #tpu.memory_space<vmem>>, vector<1x16xf32>,
        %parallel_loop3A_248 = vector.shape_cast %parallel_loop3A_247 : vector<1x16xf32> to vector<16xf32>
        %parallel_loop3A_249 = arith.constant 25 : i32
        %parallel_loop3A_250 = arith.index_cast %parallel_loop3A_249 : i32 to index
        %parallel_loop3A_251 = arith.index_cast %parallel_loop3A_123 : i32 to index
        %parallel_loop3A_252 = tpu.vector_load %arg6[%parallel_loop3A_250, %parallel_loop3A_251] {strides = array<i32>} : memref<32x1024xf32, #tpu.memory_space<vmem>>, vector<1x16xf32>,
        %parallel_loop3A_253 = vector.shape_cast %parallel_loop3A_252 : vector<1x16xf32> to vector<16xf32>
        %parallel_loop3A_254 = arith.constant 26 : i32
        %parallel_loop3A_255 = arith.index_cast %parallel_loop3A_254 : i32 to index
        %parallel_loop3A_256 = arith.index_cast %parallel_loop3A_123 : i32 to index
        %parallel_loop3A_257 = tpu.vector_load %arg6[%parallel_loop3A_255, %parallel_loop3A_256] {strides = array<i32>} : memref<32x1024xf32, #tpu.memory_space<vmem>>, vector<1x16xf32>,
        %parallel_loop3A_258 = vector.shape_cast %parallel_loop3A_257 : vector<1x16xf32> to vector<16xf32>
        %parallel_loop3A_259 = arith.constant 27 : i32
        %parallel_loop3A_260 = arith.index_cast %parallel_loop3A_259 : i32 to index
        %parallel_loop3A_261 = arith.index_cast %parallel_loop3A_123 : i32 to index
        %parallel_loop3A_262 = tpu.vector_load %arg6[%parallel_loop3A_260, %parallel_loop3A_261] {strides = array<i32>} : memref<32x1024xf32, #tpu.memory_space<vmem>>, vector<1x16xf32>,
        %parallel_loop3A_263 = vector.shape_cast %parallel_loop3A_262 : vector<1x16xf32> to vector<16xf32>
        %parallel_loop3A_264 = arith.constant 28 : i32
        %parallel_loop3A_265 = arith.index_cast %parallel_loop3A_264 : i32 to index
        %parallel_loop3A_266 = arith.index_cast %parallel_loop3A_123 : i32 to index
        %parallel_loop3A_267 = tpu.vector_load %arg6[%parallel_loop3A_265, %parallel_loop3A_266] {strides = array<i32>} : memref<32x1024xf32, #tpu.memory_space<vmem>>, vector<1x16xf32>,
        %parallel_loop3A_268 = vector.shape_cast %parallel_loop3A_267 : vector<1x16xf32> to vector<16xf32>
        %parallel_loop3A_269 = arith.constant 29 : i32
        %parallel_loop3A_270 = arith.index_cast %parallel_loop3A_269 : i32 to index
        %parallel_loop3A_271 = arith.index_cast %parallel_loop3A_123 : i32 to index
        %parallel_loop3A_272 = tpu.vector_load %arg6[%parallel_loop3A_270, %parallel_loop3A_271] {strides = array<i32>} : memref<32x1024xf32, #tpu.memory_space<vmem>>, vector<1x16xf32>,
        %parallel_loop3A_273 = vector.shape_cast %parallel_loop3A_272 : vector<1x16xf32> to vector<16xf32>
        %parallel_loop3A_274 = arith.constant 30 : i32
        %parallel_loop3A_275 = arith.index_cast %parallel_loop3A_274 : i32 to index
        %parallel_loop3A_276 = arith.index_cast %parallel_loop3A_123 : i32 to index
        %parallel_loop3A_277 = tpu.vector_load %arg6[%parallel_loop3A_275, %parallel_loop3A_276] {strides = array<i32>} : memref<32x1024xf32, #tpu.memory_space<vmem>>, vector<1x16xf32>,
        %parallel_loop3A_278 = vector.shape_cast %parallel_loop3A_277 : vector<1x16xf32> to vector<16xf32>
        %parallel_loop3A_279 = arith.constant 31 : i32
        %parallel_loop3A_280 = arith.index_cast %parallel_loop3A_279 : i32 to index
        %parallel_loop3A_281 = arith.index_cast %parallel_loop3A_123 : i32 to index
        %parallel_loop3A_282 = tpu.vector_load %arg6[%parallel_loop3A_280, %parallel_loop3A_281] {strides = array<i32>} : memref<32x1024xf32, #tpu.memory_space<vmem>>, vector<1x16xf32>,
        %parallel_loop3A_283 = vector.shape_cast %parallel_loop3A_282 : vector<1x16xf32> to vector<16xf32>
        %parallel_loop3A_284 = arith.addf %parallel_loop3A_128, %parallel_loop3A_133 : vector<16xf32>
        %parallel_loop3A_285 = arith.addf %parallel_loop3A_138, %parallel_loop3A_143 : vector<16xf32>
        %parallel_loop3A_286 = arith.addf %parallel_loop3A_148, %parallel_loop3A_153 : vector<16xf32>
        %parallel_loop3A_287 = arith.addf %parallel_loop3A_158, %parallel_loop3A_163 : vector<16xf32>
        %parallel_loop3A_288 = arith.addf %parallel_loop3A_168, %parallel_loop3A_173 : vector<16xf32>
        %parallel_loop3A_289 = arith.addf %parallel_loop3A_178, %parallel_loop3A_183 : vector<16xf32>
        %parallel_loop3A_290 = arith.addf %parallel_loop3A_188, %parallel_loop3A_193 : vector<16xf32>
        %parallel_loop3A_291 = arith.addf %parallel_loop3A_198, %parallel_loop3A_203 : vector<16xf32>
        %parallel_loop3A_292 = arith.addf %parallel_loop3A_208, %parallel_loop3A_213 : vector<16xf32>
        %parallel_loop3A_293 = arith.addf %parallel_loop3A_218, %parallel_loop3A_223 : vector<16xf32>
        %parallel_loop3A_294 = arith.addf %parallel_loop3A_228, %parallel_loop3A_233 : vector<16xf32>
        %parallel_loop3A_295 = arith.addf %parallel_loop3A_238, %parallel_loop3A_243 : vector<16xf32>
        %parallel_loop3A_296 = arith.addf %parallel_loop3A_248, %parallel_loop3A_253 : vector<16xf32>
        %parallel_loop3A_297 = arith.addf %parallel_loop3A_258, %parallel_loop3A_263 : vector<16xf32>
        %parallel_loop3A_298 = arith.addf %parallel_loop3A_268, %parallel_loop3A_273 : vector<16xf32>
        %parallel_loop3A_299 = arith.addf %parallel_loop3A_278, %parallel_loop3A_283 : vector<16xf32>
        %parallel_loop3A_300 = arith.addf %parallel_loop3A_284, %parallel_loop3A_285 : vector<16xf32>
        %parallel_loop3A_301 = arith.addf %parallel_loop3A_286, %parallel_loop3A_287 : vector<16xf32>
        %parallel_loop3A_302 = arith.addf %parallel_loop3A_288, %parallel_loop3A_289 : vector<16xf32>
        %parallel_loop3A_303 = arith.addf %parallel_loop3A_290, %parallel_loop3A_291 : vector<16xf32>
        %parallel_loop3A_304 = arith.addf %parallel_loop3A_292, %parallel_loop3A_293 : vector<16xf32>
        %parallel_loop3A_305 = arith.addf %parallel_loop3A_294, %parallel_loop3A_295 : vector<16xf32>
        %parallel_loop3A_306 = arith.addf %parallel_loop3A_296, %parallel_loop3A_297 : vector<16xf32>
        %parallel_loop3A_307 = arith.addf %parallel_loop3A_298, %parallel_loop3A_299 : vector<16xf32>
        %parallel_loop3A_308 = arith.addf %parallel_loop3A_300, %parallel_loop3A_301 : vector<16xf32>
        %parallel_loop3A_309 = arith.addf %parallel_loop3A_302, %parallel_loop3A_303 : vector<16xf32>
        %parallel_loop3A_310 = arith.addf %parallel_loop3A_304, %parallel_loop3A_305 : vector<16xf32>
        %parallel_loop3A_311 = arith.addf %parallel_loop3A_306, %parallel_loop3A_307 : vector<16xf32>
        %parallel_loop3A_312 = arith.addf %parallel_loop3A_308, %parallel_loop3A_309 : vector<16xf32>
        %parallel_loop3A_313 = arith.addf %parallel_loop3A_310, %parallel_loop3A_311 : vector<16xf32>
        %parallel_loop3A_314 = arith.addf %parallel_loop3A_312, %parallel_loop3A_313 : vector<16xf32>
        %parallel_loop3A_315 = arith.index_cast %parallel_loop3A_123 : i32 to index
        %parallel_loop3A_316 = tpu.vector_load %arg8[%parallel_loop3A_315] {strides = array<i32>} : memref<1024xf32, #tpu.memory_space<vmem>>, vector<16xf32>,
        %parallel_loop3A_317 = vector.shape_cast %parallel_loop3A_316 : vector<16xf32> to vector<16xf32>
        %parallel_loop3A_318 = arith.addf %parallel_loop3A_317, %parallel_loop3A_314 : vector<16xf32>
        %parallel_loop3A_319 = arith.index_cast %parallel_loop3A_123 : i32 to index
        %parallel_loop3A_320 = tpu.vector_load %arg8[%parallel_loop3A_319] {strides = array<i32>} : memref<1024xf32, #tpu.memory_space<vmem>>, vector<16xf32>,
        %parallel_loop3A_321 = vector.shape_cast %parallel_loop3A_320 : vector<16xf32> to vector<16xf32>
        %parallel_loop3A_322 = vector.shape_cast %parallel_loop3A_318 : vector<16xf32> to vector<16xf32>
        tpu.vector_store %arg8[%parallel_loop3A_319], %parallel_loop3A_322 {strides = array<i32>} : memref<1024xf32, #tpu.memory_space<vmem>>, vector<16xf32>,
      } {sc.loop_unroll_factor = 2 : i64, sc.parallel_access}
      %mul3A_112 = arith.constant 2 : i32
      %mul3A_113 = arith.muli %mul3A_112, %scan3A_80 : i32
      %add3A_114 = arith.constant 3 : i32
      %add3A_115 = arith.addi %mul3A_113, %add3A_114 : i32
      %mul3A_116 = arith.constant 32 : i32
      %mul3A_117 = arith.muli %add3A_115, %mul3A_116 : i32
      %add3A_118 = arith.addi %add3A_34, %mul3A_117 : i32
      %dma_start3A_119 = tpu.memref_slice %arg2[%add3A_118, %mul3A_36] : memref<32768x2048xf32, #tpu.memory_space<hbm>> -> memref<32x1024xf32, #tpu.memory_space<hbm>>
      %dma_start3A_120 = tpu.memref_slice %arg2[%add3A_118, %mul3A_36] : memref<32768x2048xf32, #tpu.memory_space<hbm>> -> memref<32x1024xf32, #tpu.memory_space<hbm>>
      tpu.enqueue_dma source(%dma_start3A_120 : memref<32x1024xf32, #tpu.memory_space<hbm>>) target(%arg6 : memref<32x1024xf32, #tpu.memory_space<vmem>>) target_semaphore(%arg10 : memref<!tpu.dma_semaphore, #tpu.memory_space<semaphore_mem>>)
    }
    %scan3A_56 = arith.constant 7 : i32
    %add3A_57 = arith.constant 448 : i32
    %add3A_58 = arith.addi %add3A_34, %add3A_57 : i32
    %dma_wait3A = tpu.memref_slice %arg2[%add3A_58, %mul3A_36] : memref<32768x2048xf32, #tpu.memory_space<hbm>> -> memref<32x1024xf32, #tpu.memory_space<hbm>>
    %dma_wait3A_59 = tpu.memref_slice %arg2[%add3A_58, %mul3A_36] : memref<32768x2048xf32, #tpu.memory_space<hbm>> -> memref<32x1024xf32, #tpu.memory_space<hbm>>
    tpu.wait_dma2 semaphore(%arg9 : memref<!tpu.dma_semaphore, #tpu.memory_space<semaphore_mem>>) src(%dma_wait3A_59 : memref<32x1024xf32, #tpu.memory_space<hbm>>) dst(%arg5 : memref<32x1024xf32, #tpu.memory_space<vmem>>)
    %parallel_loop3A = arith.constant 0 : i32
    %parallel_loop3A_60 = arith.constant 64 : i32
    %parallel_loop3A_61 = arith.constant 1 : i32
    scf.for %parallel_loop3A_80 = %parallel_loop3A to %parallel_loop3A_60 step %parallel_loop3A_61  : i32 {
      %parallel_loop3A_81 = arith.constant 16 : i32
      %parallel_loop3A_82 = arith.muli %parallel_loop3A_80, %parallel_loop3A_81 : i32
      %parallel_loop3A_83 = arith.constant 0 : i32
      %parallel_loop3A_84 = arith.index_cast %parallel_loop3A_83 : i32 to index
      %parallel_loop3A_85 = arith.index_cast %parallel_loop3A_82 : i32 to index
      %parallel_loop3A_86 = tpu.vector_load %arg5[%parallel_loop3A_84, %parallel_loop3A_85] {strides = array<i32>} : memref<32x1024xf32, #tpu.memory_space<vmem>>, vector<1x16xf32>,
      %parallel_loop3A_87 = vector.shape_cast %parallel_loop3A_86 : vector<1x16xf32> to vector<16xf32>
      %parallel_loop3A_88 = arith.constant 1 : i32
      %parallel_loop3A_89 = arith.index_cast %parallel_loop3A_88 : i32 to index
      %parallel_loop3A_90 = arith.index_cast %parallel_loop3A_82 : i32 to index
      %parallel_loop3A_91 = tpu.vector_load %arg5[%parallel_loop3A_89, %parallel_loop3A_90] {strides = array<i32>} : memref<32x1024xf32, #tpu.memory_space<vmem>>, vector<1x16xf32>,
      %parallel_loop3A_92 = vector.shape_cast %parallel_loop3A_91 : vector<1x16xf32> to vector<16xf32>
      %parallel_loop3A_93 = arith.constant 2 : i32
      %parallel_loop3A_94 = arith.index_cast %parallel_loop3A_93 : i32 to index
      %parallel_loop3A_95 = arith.index_cast %parallel_loop3A_82 : i32 to index
      %parallel_loop3A_96 = tpu.vector_load %arg5[%parallel_loop3A_94, %parallel_loop3A_95] {strides = array<i32>} : memref<32x1024xf32, #tpu.memory_space<vmem>>, vector<1x16xf32>,
      %parallel_loop3A_97 = vector.shape_cast %parallel_loop3A_96 : vector<1x16xf32> to vector<16xf32>
      %parallel_loop3A_98 = arith.constant 3 : i32
      %parallel_loop3A_99 = arith.index_cast %parallel_loop3A_98 : i32 to index
      %parallel_loop3A_100 = arith.index_cast %parallel_loop3A_82 : i32 to index
      %parallel_loop3A_101 = tpu.vector_load %arg5[%parallel_loop3A_99, %parallel_loop3A_100] {strides = array<i32>} : memref<32x1024xf32, #tpu.memory_space<vmem>>, vector<1x16xf32>,
      %parallel_loop3A_102 = vector.shape_cast %parallel_loop3A_101 : vector<1x16xf32> to vector<16xf32>
      %parallel_loop3A_103 = arith.constant 4 : i32
      %parallel_loop3A_104 = arith.index_cast %parallel_loop3A_103 : i32 to index
      %parallel_loop3A_105 = arith.index_cast %parallel_loop3A_82 : i32 to index
      %parallel_loop3A_106 = tpu.vector_load %arg5[%parallel_loop3A_104, %parallel_loop3A_105] {strides = array<i32>} : memref<32x1024xf32, #tpu.memory_space<vmem>>, vector<1x16xf32>,
      %parallel_loop3A_107 = vector.shape_cast %parallel_loop3A_106 : vector<1x16xf32> to vector<16xf32>
      %parallel_loop3A_108 = arith.constant 5 : i32
      %parallel_loop3A_109 = arith.index_cast %parallel_loop3A_108 : i32 to index
      %parallel_loop3A_110 = arith.index_cast %parallel_loop3A_82 : i32 to index
      %parallel_loop3A_111 = tpu.vector_load %arg5[%parallel_loop3A_109, %parallel_loop3A_110] {strides = array<i32>} : memref<32x1024xf32, #tpu.memory_space<vmem>>, vector<1x16xf32>,
      %parallel_loop3A_112 = vector.shape_cast %parallel_loop3A_111 : vector<1x16xf32> to vector<16xf32>
      %parallel_loop3A_113 = arith.constant 6 : i32
      %parallel_loop3A_114 = arith.index_cast %parallel_loop3A_113 : i32 to index
      %parallel_loop3A_115 = arith.index_cast %parallel_loop3A_82 : i32 to index
      %parallel_loop3A_116 = tpu.vector_load %arg5[%parallel_loop3A_114, %parallel_loop3A_115] {strides = array<i32>} : memref<32x1024xf32, #tpu.memory_space<vmem>>, vector<1x16xf32>,
      %parallel_loop3A_117 = vector.shape_cast %parallel_loop3A_116 : vector<1x16xf32> to vector<16xf32>
      %parallel_loop3A_118 = arith.constant 7 : i32
      %parallel_loop3A_119 = arith.index_cast %parallel_loop3A_118 : i32 to index
      %parallel_loop3A_120 = arith.index_cast %parallel_loop3A_82 : i32 to index
      %parallel_loop3A_121 = tpu.vector_load %arg5[%parallel_loop3A_119, %parallel_loop3A_120] {strides = array<i32>} : memref<32x1024xf32, #tpu.memory_space<vmem>>, vector<1x16xf32>,
      %parallel_loop3A_122 = vector.shape_cast %parallel_loop3A_121 : vector<1x16xf32> to vector<16xf32>
      %parallel_loop3A_123 = arith.constant 8 : i32
      %parallel_loop3A_124 = arith.index_cast %parallel_loop3A_123 : i32 to index
      %parallel_loop3A_125 = arith.index_cast %parallel_loop3A_82 : i32 to index
      %parallel_loop3A_126 = tpu.vector_load %arg5[%parallel_loop3A_124, %parallel_loop3A_125] {strides = array<i32>} : memref<32x1024xf32, #tpu.memory_space<vmem>>, vector<1x16xf32>,
      %parallel_loop3A_127 = vector.shape_cast %parallel_loop3A_126 : vector<1x16xf32> to vector<16xf32>
      %parallel_loop3A_128 = arith.constant 9 : i32
      %parallel_loop3A_129 = arith.index_cast %parallel_loop3A_128 : i32 to index
      %parallel_loop3A_130 = arith.index_cast %parallel_loop3A_82 : i32 to index
      %parallel_loop3A_131 = tpu.vector_load %arg5[%parallel_loop3A_129, %parallel_loop3A_130] {strides = array<i32>} : memref<32x1024xf32, #tpu.memory_space<vmem>>, vector<1x16xf32>,
      %parallel_loop3A_132 = vector.shape_cast %parallel_loop3A_131 : vector<1x16xf32> to vector<16xf32>
      %parallel_loop3A_133 = arith.constant 10 : i32
      %parallel_loop3A_134 = arith.index_cast %parallel_loop3A_133 : i32 to index
      %parallel_loop3A_135 = arith.index_cast %parallel_loop3A_82 : i32 to index
      %parallel_loop3A_136 = tpu.vector_load %arg5[%parallel_loop3A_134, %parallel_loop3A_135] {strides = array<i32>} : memref<32x1024xf32, #tpu.memory_space<vmem>>, vector<1x16xf32>,
      %parallel_loop3A_137 = vector.shape_cast %parallel_loop3A_136 : vector<1x16xf32> to vector<16xf32>
      %parallel_loop3A_138 = arith.constant 11 : i32
      %parallel_loop3A_139 = arith.index_cast %parallel_loop3A_138 : i32 to index
      %parallel_loop3A_140 = arith.index_cast %parallel_loop3A_82 : i32 to index
      %parallel_loop3A_141 = tpu.vector_load %arg5[%parallel_loop3A_139, %parallel_loop3A_140] {strides = array<i32>} : memref<32x1024xf32, #tpu.memory_space<vmem>>, vector<1x16xf32>,
      %parallel_loop3A_142 = vector.shape_cast %parallel_loop3A_141 : vector<1x16xf32> to vector<16xf32>
      %parallel_loop3A_143 = arith.constant 12 : i32
      %parallel_loop3A_144 = arith.index_cast %parallel_loop3A_143 : i32 to index
      %parallel_loop3A_145 = arith.index_cast %parallel_loop3A_82 : i32 to index
      %parallel_loop3A_146 = tpu.vector_load %arg5[%parallel_loop3A_144, %parallel_loop3A_145] {strides = array<i32>} : memref<32x1024xf32, #tpu.memory_space<vmem>>, vector<1x16xf32>,
      %parallel_loop3A_147 = vector.shape_cast %parallel_loop3A_146 : vector<1x16xf32> to vector<16xf32>
      %parallel_loop3A_148 = arith.constant 13 : i32
      %parallel_loop3A_149 = arith.index_cast %parallel_loop3A_148 : i32 to index
      %parallel_loop3A_150 = arith.index_cast %parallel_loop3A_82 : i32 to index
      %parallel_loop3A_151 = tpu.vector_load %arg5[%parallel_loop3A_149, %parallel_loop3A_150] {strides = array<i32>} : memref<32x1024xf32, #tpu.memory_space<vmem>>, vector<1x16xf32>,
      %parallel_loop3A_152 = vector.shape_cast %parallel_loop3A_151 : vector<1x16xf32> to vector<16xf32>
      %parallel_loop3A_153 = arith.constant 14 : i32
      %parallel_loop3A_154 = arith.index_cast %parallel_loop3A_153 : i32 to index
      %parallel_loop3A_155 = arith.index_cast %parallel_loop3A_82 : i32 to index
      %parallel_loop3A_156 = tpu.vector_load %arg5[%parallel_loop3A_154, %parallel_loop3A_155] {strides = array<i32>} : memref<32x1024xf32, #tpu.memory_space<vmem>>, vector<1x16xf32>,
      %parallel_loop3A_157 = vector.shape_cast %parallel_loop3A_156 : vector<1x16xf32> to vector<16xf32>
      %parallel_loop3A_158 = arith.constant 15 : i32
      %parallel_loop3A_159 = arith.index_cast %parallel_loop3A_158 : i32 to index
      %parallel_loop3A_160 = arith.index_cast %parallel_loop3A_82 : i32 to index
      %parallel_loop3A_161 = tpu.vector_load %arg5[%parallel_loop3A_159, %parallel_loop3A_160] {strides = array<i32>} : memref<32x1024xf32, #tpu.memory_space<vmem>>, vector<1x16xf32>,
      %parallel_loop3A_162 = vector.shape_cast %parallel_loop3A_161 : vector<1x16xf32> to vector<16xf32>
      %parallel_loop3A_163 = arith.constant 16 : i32
      %parallel_loop3A_164 = arith.index_cast %parallel_loop3A_163 : i32 to index
      %parallel_loop3A_165 = arith.index_cast %parallel_loop3A_82 : i32 to index
      %parallel_loop3A_166 = tpu.vector_load %arg5[%parallel_loop3A_164, %parallel_loop3A_165] {strides = array<i32>} : memref<32x1024xf32, #tpu.memory_space<vmem>>, vector<1x16xf32>,
      %parallel_loop3A_167 = vector.shape_cast %parallel_loop3A_166 : vector<1x16xf32> to vector<16xf32>
      %parallel_loop3A_168 = arith.constant 17 : i32
      %parallel_loop3A_169 = arith.index_cast %parallel_loop3A_168 : i32 to index
      %parallel_loop3A_170 = arith.index_cast %parallel_loop3A_82 : i32 to index
      %parallel_loop3A_171 = tpu.vector_load %arg5[%parallel_loop3A_169, %parallel_loop3A_170] {strides = array<i32>} : memref<32x1024xf32, #tpu.memory_space<vmem>>, vector<1x16xf32>,
      %parallel_loop3A_172 = vector.shape_cast %parallel_loop3A_171 : vector<1x16xf32> to vector<16xf32>
      %parallel_loop3A_173 = arith.constant 18 : i32
      %parallel_loop3A_174 = arith.index_cast %parallel_loop3A_173 : i32 to index
      %parallel_loop3A_175 = arith.index_cast %parallel_loop3A_82 : i32 to index
      %parallel_loop3A_176 = tpu.vector_load %arg5[%parallel_loop3A_174, %parallel_loop3A_175] {strides = array<i32>} : memref<32x1024xf32, #tpu.memory_space<vmem>>, vector<1x16xf32>,
      %parallel_loop3A_177 = vector.shape_cast %parallel_loop3A_176 : vector<1x16xf32> to vector<16xf32>
      %parallel_loop3A_178 = arith.constant 19 : i32
      %parallel_loop3A_179 = arith.index_cast %parallel_loop3A_178 : i32 to index
      %parallel_loop3A_180 = arith.index_cast %parallel_loop3A_82 : i32 to index
      %parallel_loop3A_181 = tpu.vector_load %arg5[%parallel_loop3A_179, %parallel_loop3A_180] {strides = array<i32>} : memref<32x1024xf32, #tpu.memory_space<vmem>>, vector<1x16xf32>,
      %parallel_loop3A_182 = vector.shape_cast %parallel_loop3A_181 : vector<1x16xf32> to vector<16xf32>
      %parallel_loop3A_183 = arith.constant 20 : i32
      %parallel_loop3A_184 = arith.index_cast %parallel_loop3A_183 : i32 to index
      %parallel_loop3A_185 = arith.index_cast %parallel_loop3A_82 : i32 to index
      %parallel_loop3A_186 = tpu.vector_load %arg5[%parallel_loop3A_184, %parallel_loop3A_185] {strides = array<i32>} : memref<32x1024xf32, #tpu.memory_space<vmem>>, vector<1x16xf32>,
      %parallel_loop3A_187 = vector.shape_cast %parallel_loop3A_186 : vector<1x16xf32> to vector<16xf32>
      %parallel_loop3A_188 = arith.constant 21 : i32
      %parallel_loop3A_189 = arith.index_cast %parallel_loop3A_188 : i32 to index
      %parallel_loop3A_190 = arith.index_cast %parallel_loop3A_82 : i32 to index
      %parallel_loop3A_191 = tpu.vector_load %arg5[%parallel_loop3A_189, %parallel_loop3A_190] {strides = array<i32>} : memref<32x1024xf32, #tpu.memory_space<vmem>>, vector<1x16xf32>,
      %parallel_loop3A_192 = vector.shape_cast %parallel_loop3A_191 : vector<1x16xf32> to vector<16xf32>
      %parallel_loop3A_193 = arith.constant 22 : i32
      %parallel_loop3A_194 = arith.index_cast %parallel_loop3A_193 : i32 to index
      %parallel_loop3A_195 = arith.index_cast %parallel_loop3A_82 : i32 to index
      %parallel_loop3A_196 = tpu.vector_load %arg5[%parallel_loop3A_194, %parallel_loop3A_195] {strides = array<i32>} : memref<32x1024xf32, #tpu.memory_space<vmem>>, vector<1x16xf32>,
      %parallel_loop3A_197 = vector.shape_cast %parallel_loop3A_196 : vector<1x16xf32> to vector<16xf32>
      %parallel_loop3A_198 = arith.constant 23 : i32
      %parallel_loop3A_199 = arith.index_cast %parallel_loop3A_198 : i32 to index
      %parallel_loop3A_200 = arith.index_cast %parallel_loop3A_82 : i32 to index
      %parallel_loop3A_201 = tpu.vector_load %arg5[%parallel_loop3A_199, %parallel_loop3A_200] {strides = array<i32>} : memref<32x1024xf32, #tpu.memory_space<vmem>>, vector<1x16xf32>,
      %parallel_loop3A_202 = vector.shape_cast %parallel_loop3A_201 : vector<1x16xf32> to vector<16xf32>
      %parallel_loop3A_203 = arith.constant 24 : i32
      %parallel_loop3A_204 = arith.index_cast %parallel_loop3A_203 : i32 to index
      %parallel_loop3A_205 = arith.index_cast %parallel_loop3A_82 : i32 to index
      %parallel_loop3A_206 = tpu.vector_load %arg5[%parallel_loop3A_204, %parallel_loop3A_205] {strides = array<i32>} : memref<32x1024xf32, #tpu.memory_space<vmem>>, vector<1x16xf32>,
      %parallel_loop3A_207 = vector.shape_cast %parallel_loop3A_206 : vector<1x16xf32> to vector<16xf32>
      %parallel_loop3A_208 = arith.constant 25 : i32
      %parallel_loop3A_209 = arith.index_cast %parallel_loop3A_208 : i32 to index
      %parallel_loop3A_210 = arith.index_cast %parallel_loop3A_82 : i32 to index
      %parallel_loop3A_211 = tpu.vector_load %arg5[%parallel_loop3A_209, %parallel_loop3A_210] {strides = array<i32>} : memref<32x1024xf32, #tpu.memory_space<vmem>>, vector<1x16xf32>,
      %parallel_loop3A_212 = vector.shape_cast %parallel_loop3A_211 : vector<1x16xf32> to vector<16xf32>
      %parallel_loop3A_213 = arith.constant 26 : i32
      %parallel_loop3A_214 = arith.index_cast %parallel_loop3A_213 : i32 to index
      %parallel_loop3A_215 = arith.index_cast %parallel_loop3A_82 : i32 to index
      %parallel_loop3A_216 = tpu.vector_load %arg5[%parallel_loop3A_214, %parallel_loop3A_215] {strides = array<i32>} : memref<32x1024xf32, #tpu.memory_space<vmem>>, vector<1x16xf32>,
      %parallel_loop3A_217 = vector.shape_cast %parallel_loop3A_216 : vector<1x16xf32> to vector<16xf32>
      %parallel_loop3A_218 = arith.constant 27 : i32
      %parallel_loop3A_219 = arith.index_cast %parallel_loop3A_218 : i32 to index
      %parallel_loop3A_220 = arith.index_cast %parallel_loop3A_82 : i32 to index
      %parallel_loop3A_221 = tpu.vector_load %arg5[%parallel_loop3A_219, %parallel_loop3A_220] {strides = array<i32>} : memref<32x1024xf32, #tpu.memory_space<vmem>>, vector<1x16xf32>,
      %parallel_loop3A_222 = vector.shape_cast %parallel_loop3A_221 : vector<1x16xf32> to vector<16xf32>
      %parallel_loop3A_223 = arith.constant 28 : i32
      %parallel_loop3A_224 = arith.index_cast %parallel_loop3A_223 : i32 to index
      %parallel_loop3A_225 = arith.index_cast %parallel_loop3A_82 : i32 to index
      %parallel_loop3A_226 = tpu.vector_load %arg5[%parallel_loop3A_224, %parallel_loop3A_225] {strides = array<i32>} : memref<32x1024xf32, #tpu.memory_space<vmem>>, vector<1x16xf32>,
      %parallel_loop3A_227 = vector.shape_cast %parallel_loop3A_226 : vector<1x16xf32> to vector<16xf32>
      %parallel_loop3A_228 = arith.constant 29 : i32
      %parallel_loop3A_229 = arith.index_cast %parallel_loop3A_228 : i32 to index
      %parallel_loop3A_230 = arith.index_cast %parallel_loop3A_82 : i32 to index
      %parallel_loop3A_231 = tpu.vector_load %arg5[%parallel_loop3A_229, %parallel_loop3A_230] {strides = array<i32>} : memref<32x1024xf32, #tpu.memory_space<vmem>>, vector<1x16xf32>,
      %parallel_loop3A_232 = vector.shape_cast %parallel_loop3A_231 : vector<1x16xf32> to vector<16xf32>
      %parallel_loop3A_233 = arith.constant 30 : i32
      %parallel_loop3A_234 = arith.index_cast %parallel_loop3A_233 : i32 to index
      %parallel_loop3A_235 = arith.index_cast %parallel_loop3A_82 : i32 to index
      %parallel_loop3A_236 = tpu.vector_load %arg5[%parallel_loop3A_234, %parallel_loop3A_235] {strides = array<i32>} : memref<32x1024xf32, #tpu.memory_space<vmem>>, vector<1x16xf32>,
      %parallel_loop3A_237 = vector.shape_cast %parallel_loop3A_236 : vector<1x16xf32> to vector<16xf32>
      %parallel_loop3A_238 = arith.constant 31 : i32
      %parallel_loop3A_239 = arith.index_cast %parallel_loop3A_238 : i32 to index
      %parallel_loop3A_240 = arith.index_cast %parallel_loop3A_82 : i32 to index
      %parallel_loop3A_241 = tpu.vector_load %arg5[%parallel_loop3A_239, %parallel_loop3A_240] {strides = array<i32>} : memref<32x1024xf32, #tpu.memory_space<vmem>>, vector<1x16xf32>,
      %parallel_loop3A_242 = vector.shape_cast %parallel_loop3A_241 : vector<1x16xf32> to vector<16xf32>
      %parallel_loop3A_243 = arith.addf %parallel_loop3A_87, %parallel_loop3A_92 : vector<16xf32>
      %parallel_loop3A_244 = arith.addf %parallel_loop3A_97, %parallel_loop3A_102 : vector<16xf32>
      %parallel_loop3A_245 = arith.addf %parallel_loop3A_107, %parallel_loop3A_112 : vector<16xf32>
      %parallel_loop3A_246 = arith.addf %parallel_loop3A_117, %parallel_loop3A_122 : vector<16xf32>
      %parallel_loop3A_247 = arith.addf %parallel_loop3A_127, %parallel_loop3A_132 : vector<16xf32>
      %parallel_loop3A_248 = arith.addf %parallel_loop3A_137, %parallel_loop3A_142 : vector<16xf32>
      %parallel_loop3A_249 = arith.addf %parallel_loop3A_147, %parallel_loop3A_152 : vector<16xf32>
      %parallel_loop3A_250 = arith.addf %parallel_loop3A_157, %parallel_loop3A_162 : vector<16xf32>
      %parallel_loop3A_251 = arith.addf %parallel_loop3A_167, %parallel_loop3A_172 : vector<16xf32>
      %parallel_loop3A_252 = arith.addf %parallel_loop3A_177, %parallel_loop3A_182 : vector<16xf32>
      %parallel_loop3A_253 = arith.addf %parallel_loop3A_187, %parallel_loop3A_192 : vector<16xf32>
      %parallel_loop3A_254 = arith.addf %parallel_loop3A_197, %parallel_loop3A_202 : vector<16xf32>
      %parallel_loop3A_255 = arith.addf %parallel_loop3A_207, %parallel_loop3A_212 : vector<16xf32>
      %parallel_loop3A_256 = arith.addf %parallel_loop3A_217, %parallel_loop3A_222 : vector<16xf32>
      %parallel_loop3A_257 = arith.addf %parallel_loop3A_227, %parallel_loop3A_232 : vector<16xf32>
      %parallel_loop3A_258 = arith.addf %parallel_loop3A_237, %parallel_loop3A_242 : vector<16xf32>
      %parallel_loop3A_259 = arith.addf %parallel_loop3A_243, %parallel_loop3A_244 : vector<16xf32>
      %parallel_loop3A_260 = arith.addf %parallel_loop3A_245, %parallel_loop3A_246 : vector<16xf32>
      %parallel_loop3A_261 = arith.addf %parallel_loop3A_247, %parallel_loop3A_248 : vector<16xf32>
      %parallel_loop3A_262 = arith.addf %parallel_loop3A_249, %parallel_loop3A_250 : vector<16xf32>
      %parallel_loop3A_263 = arith.addf %parallel_loop3A_251, %parallel_loop3A_252 : vector<16xf32>
      %parallel_loop3A_264 = arith.addf %parallel_loop3A_253, %parallel_loop3A_254 : vector<16xf32>
      %parallel_loop3A_265 = arith.addf %parallel_loop3A_255, %parallel_loop3A_256 : vector<16xf32>
      %parallel_loop3A_266 = arith.addf %parallel_loop3A_257, %parallel_loop3A_258 : vector<16xf32>
      %parallel_loop3A_267 = arith.addf %parallel_loop3A_259, %parallel_loop3A_260 : vector<16xf32>
      %parallel_loop3A_268 = arith.addf %parallel_loop3A_261, %parallel_loop3A_262 : vector<16xf32>
      %parallel_loop3A_269 = arith.addf %parallel_loop3A_263, %parallel_loop3A_264 : vector<16xf32>
      %parallel_loop3A_270 = arith.addf %parallel_loop3A_265, %parallel_loop3A_266 : vector<16xf32>
      %parallel_loop3A_271 = arith.addf %parallel_loop3A_267, %parallel_loop3A_268 : vector<16xf32>
      %parallel_loop3A_272 = arith.addf %parallel_loop3A_269, %parallel_loop3A_270 : vector<16xf32>
      %parallel_loop3A_273 = arith.addf %parallel_loop3A_271, %parallel_loop3A_272 : vector<16xf32>
      %parallel_loop3A_274 = arith.index_cast %parallel_loop3A_82 : i32 to index
      %parallel_loop3A_275 = tpu.vector_load %arg8[%parallel_loop3A_274] {strides = array<i32>} : memref<1024xf32, #tpu.memory_space<vmem>>, vector<16xf32>,
      %parallel_loop3A_276 = vector.shape_cast %parallel_loop3A_275 : vector<16xf32> to vector<16xf32>
      %parallel_loop3A_277 = arith.addf %parallel_loop3A_276, %parallel_loop3A_273 : vector<16xf32>
      %parallel_loop3A_278 = arith.index_cast %parallel_loop3A_82 : i32 to index
      %parallel_loop3A_279 = tpu.vector_load %arg8[%parallel_loop3A_278] {strides = array<i32>} : memref<1024xf32, #tpu.memory_space<vmem>>, vector<16xf32>,
      %parallel_loop3A_280 = vector.shape_cast %parallel_loop3A_279 : vector<16xf32> to vector<16xf32>
      %parallel_loop3A_281 = vector.shape_cast %parallel_loop3A_277 : vector<16xf32> to vector<16xf32>
      tpu.vector_store %arg8[%parallel_loop3A_278], %parallel_loop3A_281 {strides = array<i32>} : memref<1024xf32, #tpu.memory_space<vmem>>, vector<16xf32>,
    } {sc.loop_unroll_factor = 2 : i64, sc.parallel_access}
    %add3A_62 = arith.constant 480 : i32
    %add3A_63 = arith.addi %add3A_34, %add3A_62 : i32
    %dma_wait3A_64 = tpu.memref_slice %arg2[%add3A_63, %mul3A_36] : memref<32768x2048xf32, #tpu.memory_space<hbm>> -> memref<32x1024xf32, #tpu.memory_space<hbm>>
    %dma_wait3A_65 = tpu.memref_slice %arg2[%add3A_63, %mul3A_36] : memref<32768x2048xf32, #tpu.memory_space<hbm>> -> memref<32x1024xf32, #tpu.memory_space<hbm>>
    tpu.wait_dma2 semaphore(%arg10 : memref<!tpu.dma_semaphore, #tpu.memory_space<semaphore_mem>>) src(%dma_wait3A_65 : memref<32x1024xf32, #tpu.memory_space<hbm>>) dst(%arg6 : memref<32x1024xf32, #tpu.memory_space<vmem>>)
    %parallel_loop3A_66 = arith.constant 0 : i32
    %parallel_loop3A_67 = arith.constant 64 : i32
    %parallel_loop3A_68 = arith.constant 1 : i32
    scf.for %parallel_loop3A_80 = %parallel_loop3A_66 to %parallel_loop3A_67 step %parallel_loop3A_68  : i32 {
      %parallel_loop3A_81 = arith.constant 16 : i32
      %parallel_loop3A_82 = arith.muli %parallel_loop3A_80, %parallel_loop3A_81 : i32
      %parallel_loop3A_83 = arith.constant 0 : i32
      %parallel_loop3A_84 = arith.index_cast %parallel_loop3A_83 : i32 to index
      %parallel_loop3A_85 = arith.index_cast %parallel_loop3A_82 : i32 to index
      %parallel_loop3A_86 = tpu.vector_load %arg6[%parallel_loop3A_84, %parallel_loop3A_85] {strides = array<i32>} : memref<32x1024xf32, #tpu.memory_space<vmem>>, vector<1x16xf32>,
      %parallel_loop3A_87 = vector.shape_cast %parallel_loop3A_86 : vector<1x16xf32> to vector<16xf32>
      %parallel_loop3A_88 = arith.constant 1 : i32
      %parallel_loop3A_89 = arith.index_cast %parallel_loop3A_88 : i32 to index
      %parallel_loop3A_90 = arith.index_cast %parallel_loop3A_82 : i32 to index
      %parallel_loop3A_91 = tpu.vector_load %arg6[%parallel_loop3A_89, %parallel_loop3A_90] {strides = array<i32>} : memref<32x1024xf32, #tpu.memory_space<vmem>>, vector<1x16xf32>,
      %parallel_loop3A_92 = vector.shape_cast %parallel_loop3A_91 : vector<1x16xf32> to vector<16xf32>
      %parallel_loop3A_93 = arith.constant 2 : i32
      %parallel_loop3A_94 = arith.index_cast %parallel_loop3A_93 : i32 to index
      %parallel_loop3A_95 = arith.index_cast %parallel_loop3A_82 : i32 to index
      %parallel_loop3A_96 = tpu.vector_load %arg6[%parallel_loop3A_94, %parallel_loop3A_95] {strides = array<i32>} : memref<32x1024xf32, #tpu.memory_space<vmem>>, vector<1x16xf32>,
      %parallel_loop3A_97 = vector.shape_cast %parallel_loop3A_96 : vector<1x16xf32> to vector<16xf32>
      %parallel_loop3A_98 = arith.constant 3 : i32
      %parallel_loop3A_99 = arith.index_cast %parallel_loop3A_98 : i32 to index
      %parallel_loop3A_100 = arith.index_cast %parallel_loop3A_82 : i32 to index
      %parallel_loop3A_101 = tpu.vector_load %arg6[%parallel_loop3A_99, %parallel_loop3A_100] {strides = array<i32>} : memref<32x1024xf32, #tpu.memory_space<vmem>>, vector<1x16xf32>,
      %parallel_loop3A_102 = vector.shape_cast %parallel_loop3A_101 : vector<1x16xf32> to vector<16xf32>
      %parallel_loop3A_103 = arith.constant 4 : i32
      %parallel_loop3A_104 = arith.index_cast %parallel_loop3A_103 : i32 to index
      %parallel_loop3A_105 = arith.index_cast %parallel_loop3A_82 : i32 to index
      %parallel_loop3A_106 = tpu.vector_load %arg6[%parallel_loop3A_104, %parallel_loop3A_105] {strides = array<i32>} : memref<32x1024xf32, #tpu.memory_space<vmem>>, vector<1x16xf32>,
      %parallel_loop3A_107 = vector.shape_cast %parallel_loop3A_106 : vector<1x16xf32> to vector<16xf32>
      %parallel_loop3A_108 = arith.constant 5 : i32
      %parallel_loop3A_109 = arith.index_cast %parallel_loop3A_108 : i32 to index
      %parallel_loop3A_110 = arith.index_cast %parallel_loop3A_82 : i32 to index
      %parallel_loop3A_111 = tpu.vector_load %arg6[%parallel_loop3A_109, %parallel_loop3A_110] {strides = array<i32>} : memref<32x1024xf32, #tpu.memory_space<vmem>>, vector<1x16xf32>,
      %parallel_loop3A_112 = vector.shape_cast %parallel_loop3A_111 : vector<1x16xf32> to vector<16xf32>
      %parallel_loop3A_113 = arith.constant 6 : i32
      %parallel_loop3A_114 = arith.index_cast %parallel_loop3A_113 : i32 to index
      %parallel_loop3A_115 = arith.index_cast %parallel_loop3A_82 : i32 to index
      %parallel_loop3A_116 = tpu.vector_load %arg6[%parallel_loop3A_114, %parallel_loop3A_115] {strides = array<i32>} : memref<32x1024xf32, #tpu.memory_space<vmem>>, vector<1x16xf32>,
      %parallel_loop3A_117 = vector.shape_cast %parallel_loop3A_116 : vector<1x16xf32> to vector<16xf32>
      %parallel_loop3A_118 = arith.constant 7 : i32
      %parallel_loop3A_119 = arith.index_cast %parallel_loop3A_118 : i32 to index
      %parallel_loop3A_120 = arith.index_cast %parallel_loop3A_82 : i32 to index
      %parallel_loop3A_121 = tpu.vector_load %arg6[%parallel_loop3A_119, %parallel_loop3A_120] {strides = array<i32>} : memref<32x1024xf32, #tpu.memory_space<vmem>>, vector<1x16xf32>,
      %parallel_loop3A_122 = vector.shape_cast %parallel_loop3A_121 : vector<1x16xf32> to vector<16xf32>
      %parallel_loop3A_123 = arith.constant 8 : i32
      %parallel_loop3A_124 = arith.index_cast %parallel_loop3A_123 : i32 to index
      %parallel_loop3A_125 = arith.index_cast %parallel_loop3A_82 : i32 to index
      %parallel_loop3A_126 = tpu.vector_load %arg6[%parallel_loop3A_124, %parallel_loop3A_125] {strides = array<i32>} : memref<32x1024xf32, #tpu.memory_space<vmem>>, vector<1x16xf32>,
      %parallel_loop3A_127 = vector.shape_cast %parallel_loop3A_126 : vector<1x16xf32> to vector<16xf32>
      %parallel_loop3A_128 = arith.constant 9 : i32
      %parallel_loop3A_129 = arith.index_cast %parallel_loop3A_128 : i32 to index
      %parallel_loop3A_130 = arith.index_cast %parallel_loop3A_82 : i32 to index
      %parallel_loop3A_131 = tpu.vector_load %arg6[%parallel_loop3A_129, %parallel_loop3A_130] {strides = array<i32>} : memref<32x1024xf32, #tpu.memory_space<vmem>>, vector<1x16xf32>,
      %parallel_loop3A_132 = vector.shape_cast %parallel_loop3A_131 : vector<1x16xf32> to vector<16xf32>
      %parallel_loop3A_133 = arith.constant 10 : i32
      %parallel_loop3A_134 = arith.index_cast %parallel_loop3A_133 : i32 to index
      %parallel_loop3A_135 = arith.index_cast %parallel_loop3A_82 : i32 to index
      %parallel_loop3A_136 = tpu.vector_load %arg6[%parallel_loop3A_134, %parallel_loop3A_135] {strides = array<i32>} : memref<32x1024xf32, #tpu.memory_space<vmem>>, vector<1x16xf32>,
      %parallel_loop3A_137 = vector.shape_cast %parallel_loop3A_136 : vector<1x16xf32> to vector<16xf32>
      %parallel_loop3A_138 = arith.constant 11 : i32
      %parallel_loop3A_139 = arith.index_cast %parallel_loop3A_138 : i32 to index
      %parallel_loop3A_140 = arith.index_cast %parallel_loop3A_82 : i32 to index
      %parallel_loop3A_141 = tpu.vector_load %arg6[%parallel_loop3A_139, %parallel_loop3A_140] {strides = array<i32>} : memref<32x1024xf32, #tpu.memory_space<vmem>>, vector<1x16xf32>,
      %parallel_loop3A_142 = vector.shape_cast %parallel_loop3A_141 : vector<1x16xf32> to vector<16xf32>
      %parallel_loop3A_143 = arith.constant 12 : i32
      %parallel_loop3A_144 = arith.index_cast %parallel_loop3A_143 : i32 to index
      %parallel_loop3A_145 = arith.index_cast %parallel_loop3A_82 : i32 to index
      %parallel_loop3A_146 = tpu.vector_load %arg6[%parallel_loop3A_144, %parallel_loop3A_145] {strides = array<i32>} : memref<32x1024xf32, #tpu.memory_space<vmem>>, vector<1x16xf32>,
      %parallel_loop3A_147 = vector.shape_cast %parallel_loop3A_146 : vector<1x16xf32> to vector<16xf32>
      %parallel_loop3A_148 = arith.constant 13 : i32
      %parallel_loop3A_149 = arith.index_cast %parallel_loop3A_148 : i32 to index
      %parallel_loop3A_150 = arith.index_cast %parallel_loop3A_82 : i32 to index
      %parallel_loop3A_151 = tpu.vector_load %arg6[%parallel_loop3A_149, %parallel_loop3A_150] {strides = array<i32>} : memref<32x1024xf32, #tpu.memory_space<vmem>>, vector<1x16xf32>,
      %parallel_loop3A_152 = vector.shape_cast %parallel_loop3A_151 : vector<1x16xf32> to vector<16xf32>
      %parallel_loop3A_153 = arith.constant 14 : i32
      %parallel_loop3A_154 = arith.index_cast %parallel_loop3A_153 : i32 to index
      %parallel_loop3A_155 = arith.index_cast %parallel_loop3A_82 : i32 to index
      %parallel_loop3A_156 = tpu.vector_load %arg6[%parallel_loop3A_154, %parallel_loop3A_155] {strides = array<i32>} : memref<32x1024xf32, #tpu.memory_space<vmem>>, vector<1x16xf32>,
      %parallel_loop3A_157 = vector.shape_cast %parallel_loop3A_156 : vector<1x16xf32> to vector<16xf32>
      %parallel_loop3A_158 = arith.constant 15 : i32
      %parallel_loop3A_159 = arith.index_cast %parallel_loop3A_158 : i32 to index
      %parallel_loop3A_160 = arith.index_cast %parallel_loop3A_82 : i32 to index
      %parallel_loop3A_161 = tpu.vector_load %arg6[%parallel_loop3A_159, %parallel_loop3A_160] {strides = array<i32>} : memref<32x1024xf32, #tpu.memory_space<vmem>>, vector<1x16xf32>,
      %parallel_loop3A_162 = vector.shape_cast %parallel_loop3A_161 : vector<1x16xf32> to vector<16xf32>
      %parallel_loop3A_163 = arith.constant 16 : i32
      %parallel_loop3A_164 = arith.index_cast %parallel_loop3A_163 : i32 to index
      %parallel_loop3A_165 = arith.index_cast %parallel_loop3A_82 : i32 to index
      %parallel_loop3A_166 = tpu.vector_load %arg6[%parallel_loop3A_164, %parallel_loop3A_165] {strides = array<i32>} : memref<32x1024xf32, #tpu.memory_space<vmem>>, vector<1x16xf32>,
      %parallel_loop3A_167 = vector.shape_cast %parallel_loop3A_166 : vector<1x16xf32> to vector<16xf32>
      %parallel_loop3A_168 = arith.constant 17 : i32
      %parallel_loop3A_169 = arith.index_cast %parallel_loop3A_168 : i32 to index
      %parallel_loop3A_170 = arith.index_cast %parallel_loop3A_82 : i32 to index
      %parallel_loop3A_171 = tpu.vector_load %arg6[%parallel_loop3A_169, %parallel_loop3A_170] {strides = array<i32>} : memref<32x1024xf32, #tpu.memory_space<vmem>>, vector<1x16xf32>,
      %parallel_loop3A_172 = vector.shape_cast %parallel_loop3A_171 : vector<1x16xf32> to vector<16xf32>
      %parallel_loop3A_173 = arith.constant 18 : i32
      %parallel_loop3A_174 = arith.index_cast %parallel_loop3A_173 : i32 to index
      %parallel_loop3A_175 = arith.index_cast %parallel_loop3A_82 : i32 to index
      %parallel_loop3A_176 = tpu.vector_load %arg6[%parallel_loop3A_174, %parallel_loop3A_175] {strides = array<i32>} : memref<32x1024xf32, #tpu.memory_space<vmem>>, vector<1x16xf32>,
      %parallel_loop3A_177 = vector.shape_cast %parallel_loop3A_176 : vector<1x16xf32> to vector<16xf32>
      %parallel_loop3A_178 = arith.constant 19 : i32
      %parallel_loop3A_179 = arith.index_cast %parallel_loop3A_178 : i32 to index
      %parallel_loop3A_180 = arith.index_cast %parallel_loop3A_82 : i32 to index
      %parallel_loop3A_181 = tpu.vector_load %arg6[%parallel_loop3A_179, %parallel_loop3A_180] {strides = array<i32>} : memref<32x1024xf32, #tpu.memory_space<vmem>>, vector<1x16xf32>,
      %parallel_loop3A_182 = vector.shape_cast %parallel_loop3A_181 : vector<1x16xf32> to vector<16xf32>
      %parallel_loop3A_183 = arith.constant 20 : i32
      %parallel_loop3A_184 = arith.index_cast %parallel_loop3A_183 : i32 to index
      %parallel_loop3A_185 = arith.index_cast %parallel_loop3A_82 : i32 to index
      %parallel_loop3A_186 = tpu.vector_load %arg6[%parallel_loop3A_184, %parallel_loop3A_185] {strides = array<i32>} : memref<32x1024xf32, #tpu.memory_space<vmem>>, vector<1x16xf32>,
      %parallel_loop3A_187 = vector.shape_cast %parallel_loop3A_186 : vector<1x16xf32> to vector<16xf32>
      %parallel_loop3A_188 = arith.constant 21 : i32
      %parallel_loop3A_189 = arith.index_cast %parallel_loop3A_188 : i32 to index
      %parallel_loop3A_190 = arith.index_cast %parallel_loop3A_82 : i32 to index
      %parallel_loop3A_191 = tpu.vector_load %arg6[%parallel_loop3A_189, %parallel_loop3A_190] {strides = array<i32>} : memref<32x1024xf32, #tpu.memory_space<vmem>>, vector<1x16xf32>,
      %parallel_loop3A_192 = vector.shape_cast %parallel_loop3A_191 : vector<1x16xf32> to vector<16xf32>
      %parallel_loop3A_193 = arith.constant 22 : i32
      %parallel_loop3A_194 = arith.index_cast %parallel_loop3A_193 : i32 to index
      %parallel_loop3A_195 = arith.index_cast %parallel_loop3A_82 : i32 to index
      %parallel_loop3A_196 = tpu.vector_load %arg6[%parallel_loop3A_194, %parallel_loop3A_195] {strides = array<i32>} : memref<32x1024xf32, #tpu.memory_space<vmem>>, vector<1x16xf32>,
      %parallel_loop3A_197 = vector.shape_cast %parallel_loop3A_196 : vector<1x16xf32> to vector<16xf32>
      %parallel_loop3A_198 = arith.constant 23 : i32
      %parallel_loop3A_199 = arith.index_cast %parallel_loop3A_198 : i32 to index
      %parallel_loop3A_200 = arith.index_cast %parallel_loop3A_82 : i32 to index
      %parallel_loop3A_201 = tpu.vector_load %arg6[%parallel_loop3A_199, %parallel_loop3A_200] {strides = array<i32>} : memref<32x1024xf32, #tpu.memory_space<vmem>>, vector<1x16xf32>,
      %parallel_loop3A_202 = vector.shape_cast %parallel_loop3A_201 : vector<1x16xf32> to vector<16xf32>
      %parallel_loop3A_203 = arith.constant 24 : i32
      %parallel_loop3A_204 = arith.index_cast %parallel_loop3A_203 : i32 to index
      %parallel_loop3A_205 = arith.index_cast %parallel_loop3A_82 : i32 to index
      %parallel_loop3A_206 = tpu.vector_load %arg6[%parallel_loop3A_204, %parallel_loop3A_205] {strides = array<i32>} : memref<32x1024xf32, #tpu.memory_space<vmem>>, vector<1x16xf32>,
      %parallel_loop3A_207 = vector.shape_cast %parallel_loop3A_206 : vector<1x16xf32> to vector<16xf32>
      %parallel_loop3A_208 = arith.constant 25 : i32
      %parallel_loop3A_209 = arith.index_cast %parallel_loop3A_208 : i32 to index
      %parallel_loop3A_210 = arith.index_cast %parallel_loop3A_82 : i32 to index
      %parallel_loop3A_211 = tpu.vector_load %arg6[%parallel_loop3A_209, %parallel_loop3A_210] {strides = array<i32>} : memref<32x1024xf32, #tpu.memory_space<vmem>>, vector<1x16xf32>,
      %parallel_loop3A_212 = vector.shape_cast %parallel_loop3A_211 : vector<1x16xf32> to vector<16xf32>
      %parallel_loop3A_213 = arith.constant 26 : i32
      %parallel_loop3A_214 = arith.index_cast %parallel_loop3A_213 : i32 to index
      %parallel_loop3A_215 = arith.index_cast %parallel_loop3A_82 : i32 to index
      %parallel_loop3A_216 = tpu.vector_load %arg6[%parallel_loop3A_214, %parallel_loop3A_215] {strides = array<i32>} : memref<32x1024xf32, #tpu.memory_space<vmem>>, vector<1x16xf32>,
      %parallel_loop3A_217 = vector.shape_cast %parallel_loop3A_216 : vector<1x16xf32> to vector<16xf32>
      %parallel_loop3A_218 = arith.constant 27 : i32
      %parallel_loop3A_219 = arith.index_cast %parallel_loop3A_218 : i32 to index
      %parallel_loop3A_220 = arith.index_cast %parallel_loop3A_82 : i32 to index
      %parallel_loop3A_221 = tpu.vector_load %arg6[%parallel_loop3A_219, %parallel_loop3A_220] {strides = array<i32>} : memref<32x1024xf32, #tpu.memory_space<vmem>>, vector<1x16xf32>,
      %parallel_loop3A_222 = vector.shape_cast %parallel_loop3A_221 : vector<1x16xf32> to vector<16xf32>
      %parallel_loop3A_223 = arith.constant 28 : i32
      %parallel_loop3A_224 = arith.index_cast %parallel_loop3A_223 : i32 to index
      %parallel_loop3A_225 = arith.index_cast %parallel_loop3A_82 : i32 to index
      %parallel_loop3A_226 = tpu.vector_load %arg6[%parallel_loop3A_224, %parallel_loop3A_225] {strides = array<i32>} : memref<32x1024xf32, #tpu.memory_space<vmem>>, vector<1x16xf32>,
      %parallel_loop3A_227 = vector.shape_cast %parallel_loop3A_226 : vector<1x16xf32> to vector<16xf32>
      %parallel_loop3A_228 = arith.constant 29 : i32
      %parallel_loop3A_229 = arith.index_cast %parallel_loop3A_228 : i32 to index
      %parallel_loop3A_230 = arith.index_cast %parallel_loop3A_82 : i32 to index
      %parallel_loop3A_231 = tpu.vector_load %arg6[%parallel_loop3A_229, %parallel_loop3A_230] {strides = array<i32>} : memref<32x1024xf32, #tpu.memory_space<vmem>>, vector<1x16xf32>,
      %parallel_loop3A_232 = vector.shape_cast %parallel_loop3A_231 : vector<1x16xf32> to vector<16xf32>
      %parallel_loop3A_233 = arith.constant 30 : i32
      %parallel_loop3A_234 = arith.index_cast %parallel_loop3A_233 : i32 to index
      %parallel_loop3A_235 = arith.index_cast %parallel_loop3A_82 : i32 to index
      %parallel_loop3A_236 = tpu.vector_load %arg6[%parallel_loop3A_234, %parallel_loop3A_235] {strides = array<i32>} : memref<32x1024xf32, #tpu.memory_space<vmem>>, vector<1x16xf32>,
      %parallel_loop3A_237 = vector.shape_cast %parallel_loop3A_236 : vector<1x16xf32> to vector<16xf32>
      %parallel_loop3A_238 = arith.constant 31 : i32
      %parallel_loop3A_239 = arith.index_cast %parallel_loop3A_238 : i32 to index
      %parallel_loop3A_240 = arith.index_cast %parallel_loop3A_82 : i32 to index
      %parallel_loop3A_241 = tpu.vector_load %arg6[%parallel_loop3A_239, %parallel_loop3A_240] {strides = array<i32>} : memref<32x1024xf32, #tpu.memory_space<vmem>>, vector<1x16xf32>,
      %parallel_loop3A_242 = vector.shape_cast %parallel_loop3A_241 : vector<1x16xf32> to vector<16xf32>
      %parallel_loop3A_243 = arith.addf %parallel_loop3A_87, %parallel_loop3A_92 : vector<16xf32>
      %parallel_loop3A_244 = arith.addf %parallel_loop3A_97, %parallel_loop3A_102 : vector<16xf32>
      %parallel_loop3A_245 = arith.addf %parallel_loop3A_107, %parallel_loop3A_112 : vector<16xf32>
      %parallel_loop3A_246 = arith.addf %parallel_loop3A_117, %parallel_loop3A_122 : vector<16xf32>
      %parallel_loop3A_247 = arith.addf %parallel_loop3A_127, %parallel_loop3A_132 : vector<16xf32>
      %parallel_loop3A_248 = arith.addf %parallel_loop3A_137, %parallel_loop3A_142 : vector<16xf32>
      %parallel_loop3A_249 = arith.addf %parallel_loop3A_147, %parallel_loop3A_152 : vector<16xf32>
      %parallel_loop3A_250 = arith.addf %parallel_loop3A_157, %parallel_loop3A_162 : vector<16xf32>
      %parallel_loop3A_251 = arith.addf %parallel_loop3A_167, %parallel_loop3A_172 : vector<16xf32>
      %parallel_loop3A_252 = arith.addf %parallel_loop3A_177, %parallel_loop3A_182 : vector<16xf32>
      %parallel_loop3A_253 = arith.addf %parallel_loop3A_187, %parallel_loop3A_192 : vector<16xf32>
      %parallel_loop3A_254 = arith.addf %parallel_loop3A_197, %parallel_loop3A_202 : vector<16xf32>
      %parallel_loop3A_255 = arith.addf %parallel_loop3A_207, %parallel_loop3A_212 : vector<16xf32>
      %parallel_loop3A_256 = arith.addf %parallel_loop3A_217, %parallel_loop3A_222 : vector<16xf32>
      %parallel_loop3A_257 = arith.addf %parallel_loop3A_227, %parallel_loop3A_232 : vector<16xf32>
      %parallel_loop3A_258 = arith.addf %parallel_loop3A_237, %parallel_loop3A_242 : vector<16xf32>
      %parallel_loop3A_259 = arith.addf %parallel_loop3A_243, %parallel_loop3A_244 : vector<16xf32>
      %parallel_loop3A_260 = arith.addf %parallel_loop3A_245, %parallel_loop3A_246 : vector<16xf32>
      %parallel_loop3A_261 = arith.addf %parallel_loop3A_247, %parallel_loop3A_248 : vector<16xf32>
      %parallel_loop3A_262 = arith.addf %parallel_loop3A_249, %parallel_loop3A_250 : vector<16xf32>
      %parallel_loop3A_263 = arith.addf %parallel_loop3A_251, %parallel_loop3A_252 : vector<16xf32>
      %parallel_loop3A_264 = arith.addf %parallel_loop3A_253, %parallel_loop3A_254 : vector<16xf32>
      %parallel_loop3A_265 = arith.addf %parallel_loop3A_255, %parallel_loop3A_256 : vector<16xf32>
      %parallel_loop3A_266 = arith.addf %parallel_loop3A_257, %parallel_loop3A_258 : vector<16xf32>
      %parallel_loop3A_267 = arith.addf %parallel_loop3A_259, %parallel_loop3A_260 : vector<16xf32>
      %parallel_loop3A_268 = arith.addf %parallel_loop3A_261, %parallel_loop3A_262 : vector<16xf32>
      %parallel_loop3A_269 = arith.addf %parallel_loop3A_263, %parallel_loop3A_264 : vector<16xf32>
      %parallel_loop3A_270 = arith.addf %parallel_loop3A_265, %parallel_loop3A_266 : vector<16xf32>
      %parallel_loop3A_271 = arith.addf %parallel_loop3A_267, %parallel_loop3A_268 : vector<16xf32>
      %parallel_loop3A_272 = arith.addf %parallel_loop3A_269, %parallel_loop3A_270 : vector<16xf32>
      %parallel_loop3A_273 = arith.addf %parallel_loop3A_271, %parallel_loop3A_272 : vector<16xf32>
      %parallel_loop3A_274 = arith.index_cast %parallel_loop3A_82 : i32 to index
      %parallel_loop3A_275 = tpu.vector_load %arg8[%parallel_loop3A_274] {strides = array<i32>} : memref<1024xf32, #tpu.memory_space<vmem>>, vector<16xf32>,
      %parallel_loop3A_276 = vector.shape_cast %parallel_loop3A_275 : vector<16xf32> to vector<16xf32>
      %parallel_loop3A_277 = arith.addf %parallel_loop3A_276, %parallel_loop3A_273 : vector<16xf32>
      %parallel_loop3A_278 = arith.index_cast %parallel_loop3A_82 : i32 to index
      %parallel_loop3A_279 = tpu.vector_load %arg8[%parallel_loop3A_278] {strides = array<i32>} : memref<1024xf32, #tpu.memory_space<vmem>>, vector<16xf32>,
      %parallel_loop3A_280 = vector.shape_cast %parallel_loop3A_279 : vector<16xf32> to vector<16xf32>
      %parallel_loop3A_281 = vector.shape_cast %parallel_loop3A_277 : vector<16xf32> to vector<16xf32>
      tpu.vector_store %arg8[%parallel_loop3A_278], %parallel_loop3A_281 {strides = array<i32>} : memref<1024xf32, #tpu.memory_space<vmem>>, vector<16xf32>,
    } {sc.loop_unroll_factor = 2 : i64, sc.parallel_access}
    %sub3A_69 = arith.constant 2048 : i32
    %sub3A_70 = arith.subi %sub3A_69, %squeeze3A : i32
    %convert_element_type3A = arith.sitofp %sub3A_70 : i32 to f32
    %broadcast_in_dim3A = vector.broadcast %convert_element_type3A : f32 to vector<16xf32>
    %div3A_71 = arith.constant 1.000000e+00 : f32
    %div3A_72 = vector.broadcast %div3A_71 : f32 to vector<16xf32>
    %div3A_73 = arith.divf %div3A_72, %broadcast_in_dim3A : vector<16xf32>
    %scan3A_74 = arith.constant 0 : i32
    %scan3A_75 = arith.constant 0 : i32
    %scan3A_76 = arith.constant 64 : i32
    %scan3A_77 = arith.addi %scan3A_75, %scan3A_76 : i32
    %scan3A_78 = arith.constant 1 : i32
    scf.for %scan3A_80 = %scan3A_75 to %scan3A_77 step %scan3A_78  : i32 {
      %mul3A_81 = arith.constant 16 : i32
      %mul3A_82 = arith.muli %scan3A_80, %mul3A_81 : i32
      %get3A_83 = arith.index_cast %mul3A_82 : i32 to index
      %get3A_84 = tpu.vector_load %arg8[%get3A_83] {strides = array<i32>} : memref<1024xf32, #tpu.memory_space<vmem>>, vector<16xf32>,
      %get3A_85 = vector.shape_cast %get3A_84 : vector<16xf32> to vector<16xf32>
      %mul3A_86 = arith.mulf %get3A_85, %div3A_73 : vector<16xf32>
      %swap3A = arith.index_cast %mul3A_82 : i32 to index
      %swap3A_87 = tpu.vector_load %arg8[%swap3A] {strides = array<i32>} : memref<1024xf32, #tpu.memory_space<vmem>>, vector<16xf32>,
      %swap3A_88 = vector.shape_cast %swap3A_87 : vector<16xf32> to vector<16xf32>
      %swap3A_89 = vector.shape_cast %mul3A_86 : vector<16xf32> to vector<16xf32>
      tpu.vector_store %arg8[%swap3A], %swap3A_89 {strides = array<i32>} : memref<1024xf32, #tpu.memory_space<vmem>>, vector<16xf32>,
    }
    %scan3A_79 = arith.constant 64 : i32
    "tpu.region"() ({
      %run_scoped3A = tpu.sem_alloc : memref<!tpu.dma_semaphore, #tpu.memory_space<semaphore_mem>>
      %dma_start3A_80 = tpu.memref_slice %arg4[%select_n3A, %mul3A_36] : memref<16x2048xf32, #tpu.memory_space<hbm>> -> memref<1x1024xf32, #tpu.memory_space<hbm>>
      %dma_start3A_81 = tpu.memref_squeeze %dma_start3A_80 : memref<1x1024xf32, #tpu.memory_space<hbm>> -> memref<1024xf32, #tpu.memory_space<hbm>>
      %dma_start3A_82 = tpu.memref_slice %arg4[%select_n3A, %mul3A_36] : memref<16x2048xf32, #tpu.memory_space<hbm>> -> memref<1x1024xf32, #tpu.memory_space<hbm>>
      %dma_start3A_83 = tpu.memref_squeeze %dma_start3A_82 : memref<1x1024xf32, #tpu.memory_space<hbm>> -> memref<1024xf32, #tpu.memory_space<hbm>>
      tpu.enqueue_dma source(%arg8 : memref<1024xf32, #tpu.memory_space<vmem>>) target(%dma_start3A_83 : memref<1024xf32, #tpu.memory_space<hbm>>) target_semaphore(%run_scoped3A : memref<!tpu.dma_semaphore, #tpu.memory_space<semaphore_mem>>)
      %dma_wait3A_84 = tpu.memref_slice %arg4[%select_n3A, %mul3A_36] : memref<16x2048xf32, #tpu.memory_space<hbm>> -> memref<1x1024xf32, #tpu.memory_space<hbm>>
      %dma_wait3A_85 = tpu.memref_squeeze %dma_wait3A_84 : memref<1x1024xf32, #tpu.memory_space<hbm>> -> memref<1024xf32, #tpu.memory_space<hbm>>
      %dma_wait3A_86 = tpu.memref_slice %arg4[%select_n3A, %mul3A_36] : memref<16x2048xf32, #tpu.memory_space<hbm>> -> memref<1x1024xf32, #tpu.memory_space<hbm>>
      %dma_wait3A_87 = tpu.memref_squeeze %dma_wait3A_86 : memref<1x1024xf32, #tpu.memory_space<hbm>> -> memref<1024xf32, #tpu.memory_space<hbm>>
      tpu.wait_dma2 semaphore(%run_scoped3A : memref<!tpu.dma_semaphore, #tpu.memory_space<semaphore_mem>>) src(%arg8 : memref<1024xf32, #tpu.memory_space<vmem>>) dst(%dma_wait3A_87 : memref<1024xf32, #tpu.memory_space<hbm>>)
      tpu.yield
    }) : () -> ()
    return
  }
}

module attributes {stable_mosaic.version = 14 : i64} {
  func.func @_tc_body(%arg0: i32, %arg1: i32, %arg2: memref<16xi32, #tpu.memory_space<smem>>, %arg3: memref<512x2048xf32, #tpu.memory_space<vmem>>, %arg4: memref<1x1x2048xf32, #tpu.memory_space<vmem>>) attributes {dimension_semantics = [#tpu.dimension_semantics<parallel>, #tpu.dimension_semantics<arbitrary>], iteration_bounds = array<i64: 16, 3>, scalar_prefetch = 1 : i64, scratch_operands = 0 : i64, tpu.core_type = #tpu.core_type<tc>, window_params = [{transform_indices = @transform_0, window_bounds = array<i64: 512, 2048>}, {transform_indices = @transform_1, window_bounds = array<i64: 1, 1, 2048>}]} {
    %get3A = arith.index_cast %arg0 : i32 to index
    %get3A_0 = memref.load %arg2[%get3A] : memref<16xi32, #tpu.memory_space<smem>>
    %mul3A = arith.constant 512 : i32
    %mul3A_1 = arith.muli %arg1, %mul3A : i32
    %iota3A = tpu.iota {dimensions = array<i32: 1>} : vector<1x512xi32>
    %add3A = vector.broadcast %mul3A_1 : i32 to vector<1x512xi32>
    %add3A_2 = arith.addi %add3A, %iota3A : vector<1x512xi32>
    %ge3A = vector.broadcast %get3A_0 : i32 to vector<1x512xi32>
    %ge3A_3 = arith.cmpi sge, %add3A_2, %ge3A : vector<1x512xi32>
    %convert_element_type3A = arith.extui %ge3A_3 : vector<1x512xi1> to vector<1x512xi32>
    %convert_element_type3A_4 = arith.sitofp %convert_element_type3A : vector<1x512xi32> to vector<1x512xf32>
    %get3A_5 = arith.constant 0 : index
    %get3A_6 = arith.constant 0 : index
    %get3A_7 = vector.load %arg3[%get3A_5, %get3A_6] : memref<512x2048xf32, #tpu.memory_space<vmem>>, vector<512x2048xf32>
    %dot_general3A = arith.constant dense<0.000000e+00> : vector<1x2048xf32>
    %dot_general3A_8 = tpu.matmul %convert_element_type3A_4, %get3A_7, %dot_general3A {dimension_numbers = #tpu.dot_dimension_numbers<[1], [0], [0], [1], [0, 0, 1, 1], [], []>, transpose_lhs_hint = false} : vector<1x512xf32>, vector<512x2048xf32>, vector<1x2048xf32> -> vector<1x2048xf32>
    %eq3A = arith.constant 0 : i32
    %eq3A_9 = arith.cmpi eq, %arg1, %eq3A : i32
    %convert_element_type3A_10 = arith.extui %eq3A_9 : i1 to i32
    %cond3A = arith.constant 0 : i32
    %cond3A_11 = arith.cmpi ne, %convert_element_type3A_10, %cond3A : i32
    scf.if %cond3A_11 {
      %broadcast_in_dim3A_25 = arith.constant 0.000000e+00 : f32
      %broadcast_in_dim3A_26 = vector.broadcast %broadcast_in_dim3A_25 : f32 to vector<1x1x2048xf32>
      %swap3A_27 = arith.constant 0 : index
      %swap3A_28 = arith.constant 0 : index
      %swap3A_29 = arith.constant 0 : index
      %swap3A_30 = vector.load %arg4[%swap3A_27, %swap3A_28, %swap3A_29] : memref<1x1x2048xf32, #tpu.memory_space<vmem>>, vector<1x1x2048xf32>
      tpu.vector_store %arg4[%swap3A_27, %swap3A_28, %swap3A_29], %broadcast_in_dim3A_26 {strides = array<i32>} : memref<1x1x2048xf32, #tpu.memory_space<vmem>>, vector<1x1x2048xf32>,
    } else {
    }
    %get3A_12 = arith.constant 0 : index
    %get3A_13 = arith.constant 0 : index
    %get3A_14 = arith.constant 0 : index
    %get3A_15 = vector.load %arg4[%get3A_12, %get3A_13, %get3A_14] : memref<1x1x2048xf32, #tpu.memory_space<vmem>>, vector<1x1x2048xf32>
    %broadcast_in_dim3A = vector.shape_cast %dot_general3A_8 : vector<1x2048xf32> to vector<1x1x2048xf32>
    %add3A_16 = arith.addf %get3A_15, %broadcast_in_dim3A : vector<1x1x2048xf32>
    %swap3A = arith.constant 0 : index
    %swap3A_17 = arith.constant 0 : index
    %swap3A_18 = arith.constant 0 : index
    %swap3A_19 = vector.load %arg4[%swap3A, %swap3A_17, %swap3A_18] : memref<1x1x2048xf32, #tpu.memory_space<vmem>>, vector<1x1x2048xf32>
    tpu.vector_store %arg4[%swap3A, %swap3A_17, %swap3A_18], %add3A_16 {strides = array<i32>} : memref<1x1x2048xf32, #tpu.memory_space<vmem>>, vector<1x1x2048xf32>,
    %eq3A_20 = arith.constant 2 : i32
    %eq3A_21 = arith.cmpi eq, %arg1, %eq3A_20 : i32
    %convert_element_type3A_22 = arith.extui %eq3A_21 : i1 to i32
    %cond3A_23 = arith.constant 0 : i32
    %cond3A_24 = arith.cmpi ne, %convert_element_type3A_22, %cond3A_23 : i32
    scf.if %cond3A_24 {
      %get3A_25 = arith.constant 0 : index
      %get3A_26 = arith.constant 0 : index
      %get3A_27 = arith.constant 0 : index
      %get3A_28 = vector.load %arg4[%get3A_25, %get3A_26, %get3A_27] : memref<1x1x2048xf32, #tpu.memory_space<vmem>>, vector<1x1x2048xf32>
      %convert_element_type3A_29 = arith.sitofp %get3A_0 : i32 to f32
      %sub3A = arith.constant 2.048000e+03 : f32
      %sub3A_30 = arith.subf %sub3A, %convert_element_type3A_29 : f32
      %div3A = vector.broadcast %sub3A_30 : f32 to vector<1x1x2048xf32>
      %div3A_31 = arith.divf %get3A_28, %div3A : vector<1x1x2048xf32>
      %swap3A_32 = arith.constant 0 : index
      %swap3A_33 = arith.constant 0 : index
      %swap3A_34 = arith.constant 0 : index
      %swap3A_35 = vector.load %arg4[%swap3A_32, %swap3A_33, %swap3A_34] : memref<1x1x2048xf32, #tpu.memory_space<vmem>>, vector<1x1x2048xf32>
      tpu.vector_store %arg4[%swap3A_32, %swap3A_33, %swap3A_34], %div3A_31 {strides = array<i32>} : memref<1x1x2048xf32, #tpu.memory_space<vmem>>, vector<1x1x2048xf32>,
    } else {
    }
    return
  }
  func.func @transform_0(%arg0: i32, %arg1: i32, %arg2: memref<16xi32, #tpu.memory_space<smem>>) -> (i32, i32) {
    %mul3A = arith.constant 4 : i32
    %mul3A_0 = arith.muli %arg0, %mul3A : i32
    %add3A = arith.addi %mul3A_0, %arg1 : i32
    %c0_i32 = arith.constant 0 : i32
    %c0_i32_1 = arith.constant 0 : i32
    return %add3A, %c0_i32 : i32, i32
  }
  func.func @transform_1(%arg0: i32, %arg1: i32, %arg2: memref<16xi32, #tpu.memory_space<smem>>) -> (i32, i32, i32) {
    %c0_i32 = arith.constant 0 : i32
    %c0_i32_0 = arith.constant 0 : i32
    %c0_i32_1 = arith.constant 0 : i32
    return %arg0, %c0_i32, %c0_i32_0 : i32, i32, i32
  }
}

</mosaic_0001>

<sc_bundles>
// kernel: kernel.4.cloned.1.call-start
scs
__scs_entry_jumppad:
0x0: {  	(pc) =	sbr.rel $0x88, $3  }
0x1: {  	(tag) =	ssettag $0x0;
	lr =	simm.s32 $0x1  }
0x2: {  	[smem:$0x3F9F] =	sst lr;
	_ =	strace $0xD0000000  }
0x3: {  	_ = 	snop  }
0x4: {  	_ = 	snop  }
0x5: {  	_ = 	snop  }
0x6: {  	_ = 	snop  }
0x7: {  	_ = 	snop  }
__scs_overlays_trampoline_lowered:
0x8: {  	[smem:$0x3FAE] =	sst s0  }
0x9: {  	[smem:$0x3FAF] =	sst s1  }
0xa: {  	[smem:$0x3FB0] =	sst s2  }
0xb: {  	[smem:$0x3FB1] =	sst s3  }
0xc: {  	[smem:$0x3FB2] =	sst s4  }
0xd: {  	[smem:$0x3FB3] =	sst s5  }
0xe: {  	[smem:$0x3FB4] =	sst s6  }
0xf: {  	[smem:$0x3FB5] =	sst s7  }
0x10: {  	[smem:$0x3FB6] =	sst s8  }
0x11: {  	[smem:$0x3FB7] =	sst s9;
	s0 =	simm.s32 @!p0 $0x0  }
0x12: {  	s1 =	sld [smem:$0x3F9D];
	s0 =	simm.s32 @p0 $0x1  }
0x13: {  	[smem:$0x3FB8] =	sst s0;
	s0 =	simm.s32 @!p1 $0x0  }
0x14: {  	s2 =	sld [smem:$0x3F9C];
	s0 =	simm.s32 @p1 $0x1  }
0x15: {  	[smem:$0x3FB9] =	sst s0;
	s0 =	simm.s32 @!p2 $0x0  }
0x16: {  	s3 =	sld [smem:$0x3FDB];
	s0 =	simm.s32 @p2 $0x1  }
0x17: {  	s4 =	simm.s32 $0x1BF5;
	[smem:$0x3FBB] =	sst s0  }
0x18: {  	s0 =	sld [smem:$0x3F9E];
	_ =	swait.ge [sflag:s4], $0x0  }
0x19: {  	s7 =	sld [smem:$0x3F9F]  }
0x1a: {  	s8 =	sadd.s32 $0xFFFFE003, lr  }
0x1b: {  	s9 =	sadd.s32 $0xFFFFFEF7, lr;
	s5 =	simm.s32 $0xFFFFFFFF;
	p2 =	slt.u32 s8, $0xFFFFF086  }
0x1c: {  	p1 =	slt.u32 s9, $0xF7A;
	s5 =	simm.s32 @!p2 $0x0  }
0x1d: {  	s5 =	simm.s32 @p1 $0x1;
	p0 =	seq.s32 s7, s2  }
0x1e: {  	s7 =	smul.u32 @!p0 $0xF7A, s2;
	p2 =	seq.s32 @!p0 s5, $0x0  }
0x1f: {  	s9 =	smul.u32 $0xF7A, s1;
	s8 =	simm.s32 @!p0 $0x1BF5;
	p2 =	por !p2, p0  }
0x20: {  	[sflag:s8] =	ssyncset.s32 @!p0 $0xFFFFF086;
	s6 =	sadd.s32 @!p0 s3, s7;
	s7 =	simm.s32 @!p0 $0x108  }
0x21: {  	s3 =	sadd.s32 s3, s9;
	s6 =	sadd.s32 @!p0 $0x88, s6;
	s7 =	simm.s32 @p2 $0x1082  }
0x22: {  	[simem:s7], [sflag:s8] =	dma.local @!p0 [hbm:s6], $0xF7A  }
0x23: {  	s9 =	sor.u32 $0xD0000000, s2;
	s6 =	simm.s32 $0x108;
	_ =	swait.ge @!p0 [sflag:s8], $0x0  }
0x24: {  	s3 =	sadd.s32 $0x88, s3;
	s6 =	simm.s32 @!p1 $0x1082;
	[sflag:s4] =	ssyncset.s32 $0xFFFFF086  }
0x25: {  	[simem:s6], [sflag:s4] =	dma.local [hbm:s3], $0xF7A  }
0x26: {  	[smem:$0x3F9F] =	sst s1;
	(tag) =	ssettag s2;
	_ =	strace s9  }
0x27: {  	s1 =	sld [smem:$0x3FAF]  }
0x28: {  	s2 =	sld [smem:$0x3FB0]  }
0x29: {  	s4 =	sld [smem:$0x3FB2]  }
0x2a: {  	p0 =	seq.s32 s5, $0x0;
	s5 =	sld [smem:$0x3FB3]  }
0x2b: {  	s6 =	sld [smem:$0x3FB4]  }
0x2c: {  	s7 =	sld [smem:$0x3FB5]  }
0x2d: {  	s3 =	simm.s32 $0x108;
	s8 =	sld [smem:$0x3FB6]  }
0x2e: {  	s3 =	simm.s32 @!p0 $0x1082;
	s9 =	sld [smem:$0x3FB7]  }
0x2f: {  	lr =	sadd.s32 s0, s3;
	s0 =	sld [smem:$0x3FAE]  }
0x30: {  	s3 =	sld [smem:$0x3FB1]  }
0x31: {  	[smem:$0x3FBA] =	sst s10  }
0x32: {  	s10 =	sld [smem:$0x3FB8];
	_ =	sdelay $0x3  }
0x33: {  	p0 =	seq.s32 s10, $0x1;
	s10 =	sld [smem:$0x3FBA];
	_ =	sdelay $0x3  }
0x34: {  	[smem:$0x3FBA] =	sst s10  }
0x35: {  	s10 =	sld [smem:$0x3FB9];
	_ =	sdelay $0x3  }
0x36: {  	p1 =	seq.s32 s10, $0x1;
	s10 =	sld [smem:$0x3FBA];
	_ =	sdelay $0x3  }
0x37: {  	[smem:$0x3FBA] =	sst s10  }
0x38: {  	s10 =	sld [smem:$0x3FBB]  }
0x39: {  	_ = 	snop;
	(pc) =	sbr.ind lr, $3  }
0x3a: {  	_ = 	snop  }
0x3b: {  	_ = 	snop  }
0x3c: {  	p2 =	seq.s32 s10, $0x1;
	s10 =	sld [smem:$0x3FBA]  }
0x3d: {  	_ =	shalt  }
0x3e: {  	_ =	shalt  }
0x3f: {  	_ =	shalt  }
0x40: {  	_ =	shalt  }
0x41: {  	_ =	shalt  }
0x42: {  	_ =	shalt  }
0x43: {  	_ =	shalt  }
0x44: {  	_ =	shalt  }
0x45: {  	_ =	shalt  }
0x46: {  	_ =	shalt  }
0x47: {  	_ =	shalt  }
0x48: {  	_ =	shalt  }
0x49: {  	_ =	shalt  }
0x4a: {  	_ =	shalt  }
0x4b: {  	_ =	shalt  }
0x4c: {  	_ =	shalt  }
0x4d: {  	_ =	shalt  }
0x4e: {  	_ =	shalt  }
0x4f: {  	_ =	shalt  }
0x50: {  	_ =	shalt  }
0x51: {  	_ =	shalt  }
0x52: {  	_ =	shalt  }
0x53: {  	_ =	shalt  }
0x54: {  	_ =	shalt  }
0x55: {  	_ =	shalt  }
0x56: {  	_ =	shalt  }
0x57: {  	_ =	shalt  }
0x58: {  	_ =	shalt  }
0x59: {  	_ =	shalt  }
0x5a: {  	_ =	shalt  }
0x5b: {  	_ =	shalt  }
0x5c: {  	_ =	shalt  }
0x5d: {  	_ =	shalt  }
0x5e: {  	_ =	shalt  }
0x5f: {  	_ =	shalt  }
0x60: {  	_ =	shalt  }
0x61: {  	_ =	shalt  }
0x62: {  	_ =	shalt  }
0x63: {  	_ =	shalt  }
0x64: {  	_ =	shalt  }
0x65: {  	_ =	shalt  }
0x66: {  	_ =	shalt  }
0x67: {  	_ =	shalt  }
0x68: {  	_ =	shalt  }
0x69: {  	_ =	shalt  }
0x6a: {  	_ =	shalt  }
0x6b: {  	_ =	shalt  }
0x6c: {  	_ =	shalt  }
0x6d: {  	_ =	shalt  }
0x6e: {  	_ =	shalt  }
0x6f: {  	_ =	shalt  }
0x70: {  	_ =	shalt  }
0x71: {  	_ =	shalt  }
0x72: {  	_ =	shalt  }
0x73: {  	_ =	shalt  }
0x74: {  	_ =	shalt  }
0x75: {  	_ =	shalt  }
0x76: {  	_ =	shalt  }
0x77: {  	_ =	shalt  }
0x78: {  	_ =	shalt  }
0x79: {  	_ =	shalt  }
0x7a: {  	_ =	shalt  }
0x7b: {  	_ =	shalt  }
0x7c: {  	_ =	shalt  }
0x7d: {  	_ =	shalt  }
0x7e: {  	_ =	shalt  }
0x7f: {  	_ =	shalt  }
0x80: {  	_ =	shalt  }
0x81: {  	_ =	shalt  }
0x82: {  	_ =	shalt  }
0x83: {  	_ =	shalt  }
0x84: {  	_ =	shalt  }
0x85: {  	_ =	shalt  }
0x86: {  	_ =	shalt  }
0x87: {  	_ =	shalt  }
.Lfunc_end0:
.L_simem_size_0:
called_computation_lowered:
.L_overlay_start_0:
0x88: {  	s2 =	sld [smem:$0x3FD9]  }
0x89: {  	s3 =	sld [smem:$0x3FFE];
	_ =	sdelay $0x1  }
0x8a: {  	s1 =	srdreg.scid  }
0x8b: {  	s0 =	sand.u32 $0x1, s1  }
0x8c: {  	s18 =	sshll.u32 s0, $0xA;
	s2 =	sadd.s32 s3, s2  }
0x8d: {  	s2 =	sadd.s32 s2, s18  }
0x8e: {  	[smem:$0x3FC6] =	sst s2  }
0x8f: {  	_ = 	snop  }
0x90: {  	s2 =	sld [smem:$0x3FC9]  }
0x91: {  	s19 =	sld [smem:$0x3FC8]  }
0x92: {  	s4 =	sld [smem:$0x3FD0];
	(tm) =	ssettm $0x1  }
0x93: {  	s5 =	sld [smem:$0x3FFB];
	_ =	sdelay $0x3  }
0x94: {  	_ =	strace s5  }
0x95: {  	s5 =	sld [smem:$0x3FFC];
	_ =	sdelay $0x3  }
0x96: {  	_ =	strace s5  }
0x97: {  	s5 =	sld [smem:$0x3FFD];
	_ =	sdelay $0x3  }
0x98: {  	_ =	strace s5  }
0x99: {  	_ =	strace $0x8FFFFFFF  }
0x9a: {  	s20 =	sld [smem:$0x3FDB];
	_ =	sdelay $0x1  }
0x9b: {  	s6 =	simm.s32 $_scs_section_size  }
0x9c: {  	s7 =	simm.s32 $_size__tile_overlayer_lowered;
	s8 =	simm.s32 $_tile_overlayer_lowered  }
0x9d: {  	s23 =	simm.s32 $0x1BFF;
	s22 =	sshll.u32 s8, $0x1;
	s5 =	sadd.s32 s6, s20  }
0x9e: {  	s9 =	simm.s32 $0x0;
	s21 =	sshll.u32 s7, $0x1;
	s7 =	sadd.s32 s22, s5  }
0x9f: {  	[timem:s9], [sflag:s23] =	dma.local [hbm:s7], s21  }
0xa0: {  	_ =	swait.ge [sflag:s23], s21  }
0xa1: {  	s6 =	ssub.s32 $0x0, s21;
	[sflag:s23] =	ssyncset.done $0x0  }
0xa2: {  	[sflag:s23] =	ssyncadd.s32 s6;
	_ =	sdelay $0x1  }
0xa3: {  	s24 =	simm.s32 $0x1B8B  }
0xa4: {  	_ =	swait.ge [sflag:s24], $0x1  }
0xa5: {  	[sflag:s24] =	ssyncset.done $0x0  }
0xa6: {  	s25 =	simm.s32 $0x1B8E;
	[sflag:s24] =	ssyncadd.s32 $0xFFFFFFFF  }
0xa7: {  	s26 =	simm.s32 $execute0_lowered;
	[smem:$0x3FD2] =	sst s25  }
0xa8: {  	s6 =	sshll.u32 s26, $0x1;
	_ =	strace $0x80000046;
	[dreg:$0x1] =	wrdreg $0xFFFFFFFF  }
0xa9: {  	s28 =	simm.s32 $_size_execute0_lowered;
	s5 =	sadd.s32 s5, s6;
	[dreg:$0x0] =	wrdreg $0x0  }
0xaa: {  	s6 =	sshll.u32 s28, $0x1;
	[dreg:$0x2] =	wrdreg s5  }
0xab: {  	[dreg:$0x3] =	wrdreg s6  }
0xac: {  	[dreg:$0x4] =	wrdreg $0xC0  }
0xad: {  	_ =	task [dreg:s9], $0x5FFFF  }
0xae: {  	[dreg:$0x1] =	wrdreg $0xFFFFFFFF  }
0xaf: {  	[dreg:$0x0] =	wrdreg $0x60  }
0xb0: {  	[dreg:$0x2] =	wrdreg s2  }
0xb1: {  	[dreg:$0x3] =	wrdreg s19  }
0xb2: {  	[dreg:$0x4] =	wrdreg s4  }
0xb3: {  	[dreg:$0x5] =	wrdreg $0x9  }
0xb4: {  	_ =	task.clear_ibuf [dreg:s9], $0x6FFFF;
	_ =	strace $0x90000046  }
0xb5: {  	s29 =	simm.s32 $0x9;
	_ =	strace $0x80000048  }
0xb6: {  	_ =	swait.ge [sflag:s29], $0x1  }
0xb7: {  	[sflag:s29] =	ssyncadd.s32 $0xFFFFFFFF  }
0xb8: {  	_ =	strace $0x90000048  }
0xb9: {  	_ =	sfence  }
0xba: {  	s30 =	sld [smem:$0x0];
	_ =	sdelay $0x2  }
0xbb: {  	s31 =	sshll.u32 s1, $0xD;
	s1 =	sshrl.u32 s1, $0x2  }
0xbc: {  	s3 =	sand.u32 $0x4000, s31;
	s1 =	sadd.s32 s1, s30  }
0xbd: {  	s0 =	sor.u32 s3, s0;
	s1 =	sshll.u32 s1, $0x11  }
0xbe: {  	s0 =	sor.u32 s1, s0  }
0xbf: {  	s0 =	sadd.s32 $0x8F2B, s0  }
0xc0: {  	[sflag:s0] =	ssyncadd.remote.s32 $0x1  }
0xc1: {  	_ =	sfence.sel $0xFFFF  }
0xc2: {  	[dreg:$0x0] =	wrdreg $0xFFFFFFFF;
	(pc) =	sbr.abs _section_cstart, $3  }
0xc3: {  	[dreg:$0x1] =	wrdreg $0xFFFFFFFF  }
0xc4: {  	_ =	task.clear_ibuf [dreg:s9], $0x2FFFF;
	_ =	strace $0x9FFFFFFF  }
0xc5: {  	(tm) =	ssettm $0x7FFFFFFF  }
tec
execute0_lowered:
.L_overlay_start_1:
0x0: {  	(tag) =	ssettag $0x1  }
0x1: {  	s0 =	srdreg.scid  }
0x2: {  	s6 =	rddreg [dreg:$0x0];
	s5 =	stileid.u32;
	s0 =	sand.u32 $0x1, s0  }
0x3: {  	s2 =	rddreg [dreg:$0x2];
	s3 =	simm.s32 $0x0;
	s1 =	sor.u32 s0, s5  }
0x4: {  	[smem:$0x7FF] =	sst s3;
	p1 =	seq.s32 s0, $0x1;
	p0 =	seq.s32 s1, $0x0  }
0x5: {  	s21 =	ssub.s32 $0x2, s0;
	_ =	strace $0x80000047;
	p0 =	por !p0, !p1  }
0x6: {  	s1 =	simm.s32 $0x1;
	s4 =	sshrl.u32 s21, $0x1;
	p0 =	por !p0, !p0  }
0x7: {  	s7 =	sshll.u32 s0, $0xD;
	s22 =	ssub.s32 s21, s4;
	s1 =	simm.s32 @!p0 $0x0  }
0x8: {  	[dreg:$0xd] =	wrdreg s7;
	s31 =	smax.u32 s22, $0x1;
	s5 =	ssub.s32 s5, s1  }
0x9: {  	[dreg:$0x13] =	wrdreg s31;
	s23 =	sshll.u32 s5, $0x16;
	s24 =	sshll.u32 s5, $0xB  }
0xa: {  	[dreg:$0xc] =	wrdreg s5;
	s25 =	sshll.u32 s5, $0x7;
	s0 =	sor.u32 s7, s23  }
0xb: {  	s26 =	sand.u32 $0xFFFFC000, s24;
	s4 =	sand.u32 $0x380, s25;
	s30 =	sor.u32 $0x640, s24  }
0xc: {  	s3 =	sor.u32 $0x660, s24;
	s0 =	sshrl.u32 s0, $0x3;
	[dreg:$0x10] =	wrdreg s30  }
0xd: {  	s4 =	sor.u32 s26, s4;
	[dreg:$0x11] =	wrdreg s3;
	s0 =	sadd.s32 s0, s6  }
0xe: {  	s29 =	sor.u32 s7, s4;
	s28 =	sadd.s32 $0x60000, s0;
	s0 =	sadd.s32 $0x62000, s0  }
0xf: {  	[dreg:$0xf] =	wrdreg s0;
	s0 =	sshrl.u32 s29, $0x3  }
0x10: {  	[dreg:$0xe] =	wrdreg s28;
	s0 =	sadd.s32 s2, s0  }
0x11: {  	v0 =	vimm.f32 $0.0e+00;
	s1 =	simm.s32 $0x0;
	s3 =	simm.s32 $0x3;
	[dreg:$0x12] =	wrdreg s0  }
.LBB2_1:
0x12: {  	[dreg:$0x14] =	wrdreg s1  }
0x13: {  	s0 =	rddreg [dreg:$0x1];
	s30 =	simm.s32 $0x0;
	s2 =	simm.s32 $0x10000  }
0x14: {  	[tilespmem:s2], [sflag:$0x3] =	stream.linear.gather [hbm4b:s0+s30], $0x10, $0x38;
	[tilespmem:$0x10480] =	vst v63  }
0x15: {  	_ =	swait.ge [sflag:s3], $0x10  }
0x16: {  	[sflag:s3] =	ssyncset.done $0x0  }
0x17: {  	s31 =	rddreg [dreg:$0xc];
	[sflag:s3] =	ssyncadd.s32 $0xFFFFFFF0  }
0x18: {  	v1 =	vld [tilespmem:s31+$0x10000];
	_ =	sdelay $0x4  }
0x19: {  	s1 =	simm.s32 $0x0;
	s0 =	simm.s32 $0x40;
	[tilespmem:$0x1FFF0] =	vst v1  }
.LBB2_2:
0x1a: {  	p0 =	sne.s32 s0, $0xFC0;
	[tilespmem:s1+$0x10080] =	vst v0;
	s1 =	smov.u32 s0;
	s0 =	sadd.s32 $0x40, s0  }
.Ltmp0:
0x1b: {  	(pc) =	sbr.rel @p0 .LBB2_2-.Ltmp0, $2  }
0x1c: {  	_ =	sdelay $0x2  }
0x1d: {  	s1 =	sshra.s32 s1, $0x2  }
0x1e: {  	s3 =	simm.s32 $0x0;
	s0 =	rddreg [dreg:$0xe];
	s28 =	simm.s32 $0x2000  }
0x1f: {  	[tilespmem:s1+$0x10080] =	vst v0;
	s2 =	simm.s32 $0x4000;
	s29 =	rddreg [dreg:$0xf];
	s31 =	simm.s32 $0x0  }
0x20: {  	[tilespmem:s3], [sflag:$0x1] =	stream.strided.gather [hbm4b:s0+s28], $0x8000, s2, s28, $0x38;
	[tilespmem:$0x10480] =	vst v63  }
0x21: {  	s30 =	simm.s32 $0x8000;
	[dreg:$0x15] =	wrdreg s31  }
0x22: {  	[tilespmem:s30], [sflag:$0x2] =	stream.strided.gather [hbm4b:s29+s28], $0x8000, s2, s28, $0x38;
	[tilespmem:$0x10480] =	vst v63  }
.LBB2_4:
0x23: {  	s2 =	simm.s32 $0x1;
	s31 =	simm.s32 $0x0  }
0x24: {  	_ =	swait.ge [sflag:s2], $0x8000;
	s0 =	sand.u32 $0x60, s31  }
0x25: {  	s1 =	sand.u32 $0x1C00, s31;
	[sflag:s2] =	ssyncset.done $0x0;
	s28 =	sor.u32 $0x10, s0  }
0x26: {  	[sflag:s2] =	ssyncadd.s32 $0xFFFF8000;
	s4 =	sor.u32 s28, s1  }
0x27: {  	v0 =	vld [tilespmem:s4+$0x0];
	_ =	sdelay $0x4  }
0x28: {  	[tilespmem:$0x1FF80] =	vst v0  }
0x29: {  	v10 =	vld [tilespmem:s4+$0x80]  }
0x2a: {  	v11 =	vld [tilespmem:s4+$0x100]  }
0x2b: {  	v13 =	vld [tilespmem:s4+$0x180]  }
0x2c: {  	v9 =	vld [tilespmem:s4+$0x200]  }
0x2d: {  	v12 =	vld [tilespmem:s4+$0x280]  }
0x2e: {  	s2 =	sor.u32 $0x2000, s1;
	v14 =	vld [tilespmem:s4+$0x300]  }
0x2f: {  	s3 =	sor.u32 $0x2080, s1;
	s5 =	sor.u32 s28, s2;
	v16 =	vld [tilespmem:s4+$0x380]  }
0x30: {  	s15 =	sor.u32 $0x4200, s1;
	s6 =	sor.u32 s28, s3;
	v15 =	vld [tilespmem:s5+$0x0]  }
0x31: {  	s18 =	sor.u32 s28, s15;
	v17 =	vld [tilespmem:s6+$0x0]  }
0x32: {  	s2 =	sor.u32 s0, s2;
	v52 =	vld [tilespmem:s18+$0x0]  }
0x33: {  	s3 =	sor.u32 s0, s3;
	s4 =	sor.u32 $0x2100, s1;
	v21 =	vld [tilespmem:s2+$0x0]  }
0x34: {  	s5 =	sor.u32 $0x2180, s1;
	v24 =	vld [tilespmem:s3+$0x0];
	s7 =	sor.u32 s28, s4  }
0x35: {  	s6 =	sor.u32 $0x2200, s1;
	s8 =	sor.u32 s28, s5;
	v18 =	vld [tilespmem:s7+$0x0]  }
0x36: {  	s18 =	sor.u32 $0x4380, s1;
	s9 =	sor.u32 s28, s6;
	v20 =	vld [tilespmem:s8+$0x0]  }
0x37: {  	s21 =	sor.u32 s28, s18;
	s7 =	sor.u32 $0x2280, s1;
	v19 =	vld [tilespmem:s9+$0x0]  }
0x38: {  	s8 =	sor.u32 $0x2300, s1;
	v55 =	vld [tilespmem:s21+$0x0];
	s10 =	sor.u32 s28, s7  }
0x39: {  	s9 =	sor.u32 $0x2380, s1;
	s11 =	sor.u32 s28, s8;
	v22 =	vld [tilespmem:s10+$0x0]  }
0x3a: {  	s21 =	sor.u32 $0x6100, s1;
	s12 =	sor.u32 s28, s9;
	v23 =	vld [tilespmem:s11+$0x0]  }
0x3b: {  	s24 =	sor.u32 s28, s21;
	s10 =	sor.u32 $0x4000, s1;
	v32 =	vld [tilespmem:s12+$0x0]  }
0x3c: {  	s11 =	sor.u32 $0x4080, s1;
	v58 =	vld [tilespmem:s24+$0x0];
	s13 =	sor.u32 s28, s10  }
0x3d: {  	s12 =	sor.u32 $0x4100, s1;
	s14 =	sor.u32 s28, s11;
	v27 =	vld [tilespmem:s13+$0x0]  }
0x3e: {  	s16 =	sor.u32 s28, s12;
	s13 =	sor.u32 $0x4180, s1;
	v44 =	vld [tilespmem:s14+$0x0]  }
0x3f: {  	v50 =	vld [tilespmem:s16+$0x0];
	s16 =	sor.u32 $0x4280, s1;
	s17 =	sor.u32 s28, s13  }
0x40: {  	s19 =	sor.u32 s28, s16;
	v51 =	vld [tilespmem:s17+$0x0];
	s17 =	sor.u32 $0x4300, s1  }
0x41: {  	v53 =	vld [tilespmem:s19+$0x0];
	s19 =	sor.u32 $0x6000, s1;
	s20 =	sor.u32 s28, s17  }
0x42: {  	s22 =	sor.u32 s28, s19;
	v54 =	vld [tilespmem:s20+$0x0];
	s20 =	sor.u32 $0x6080, s1  }
0x43: {  	v56 =	vld [tilespmem:s22+$0x0];
	s22 =	sor.u32 $0x6180, s1;
	s23 =	sor.u32 s28, s20  }
0x44: {  	s24 =	sor.u32 $0x6280, s1;
	s25 =	sor.u32 s28, s22;
	v57 =	vld [tilespmem:s23+$0x0]  }
0x45: {  	s23 =	sor.u32 $0x6200, s1;
	v59 =	vld [tilespmem:s25+$0x0];
	s25 =	sor.u32 s28, s24  }
0x46: {  	s14 =	sor.u32 $0x6300, s1;
	s26 =	sor.u32 s28, s23;
	v61 =	vld [tilespmem:s25+$0x0]  }
0x47: {  	s25 =	sor.u32 $0x6380, s1;
	v60 =	vld [tilespmem:s26+$0x0];
	s26 =	sor.u32 s28, s14  }
0x48: {  	v62 =	vld [tilespmem:s26+$0x0];
	s26 =	sor.u32 s28, s25  }
0x49: {  	v63 =	vld [tilespmem:s26+$0x0];
	s26 =	sor.u32 s0, s4  }
0x4a: {  	s4 =	sor.u32 s0, s5;
	v25 =	vld [tilespmem:s26+$0x0]  }
0x4b: {  	s5 =	sor.u32 s0, s6;
	v33 =	vld [tilespmem:s4+$0x0]  }
0x4c: {  	s6 =	sor.u32 s0, s7;
	v26 =	vld [tilespmem:s5+$0x0]  }
0x4d: {  	s7 =	sor.u32 s0, s8;
	v34 =	vld [tilespmem:s6+$0x0]  }
0x4e: {  	s8 =	sor.u32 s0, s9;
	v36 =	vld [tilespmem:s7+$0x0]  }
0x4f: {  	s9 =	sor.u32 s0, s10;
	v4 =	vld [tilespmem:s8+$0x0]  }
0x50: {  	s10 =	sor.u32 s0, s11;
	v37 =	vld [tilespmem:s9+$0x0]  }
0x51: {  	s11 =	sor.u32 s0, s12;
	v6 =	vld [tilespmem:s10+$0x0]  }
0x52: {  	s12 =	sor.u32 s0, s13;
	v28 =	vld [tilespmem:s11+$0x0]  }
0x53: {  	s13 =	sor.u32 s0, s15;
	v38 =	vld [tilespmem:s12+$0x0]  }
0x54: {  	s15 =	sor.u32 s0, s16;
	v29 =	vld [tilespmem:s13+$0x0]  }
0x55: {  	s16 =	sor.u32 s0, s17;
	v39 =	vld [tilespmem:s15+$0x0]  }
0x56: {  	s17 =	sor.u32 s0, s18;
	v45 =	vld [tilespmem:s16+$0x0]  }
0x57: {  	s18 =	sor.u32 s0, s19;
	v3 =	vld [tilespmem:s17+$0x0]  }
0x58: {  	s19 =	sor.u32 s0, s20;
	v40 =	vld [tilespmem:s18+$0x0]  }
0x59: {  	s20 =	sor.u32 s0, s21;
	v7 =	vld [tilespmem:s19+$0x0]  }
0x5a: {  	s21 =	sor.u32 s0, s22;
	v30 =	vld [tilespmem:s20+$0x0]  }
0x5b: {  	s22 =	sor.u32 s0, s23;
	v41 =	vld [tilespmem:s21+$0x0]  }
0x5c: {  	s23 =	sor.u32 s0, s24;
	v31 =	vld [tilespmem:s22+$0x0]  }
0x5d: {  	s24 =	sor.u32 s0, s14;
	v42 =	vld [tilespmem:s23+$0x0]  }
0x5e: {  	s26 =	sor.u32 s0, s25;
	v46 =	vld [tilespmem:s24+$0x0]  }
0x5f: {  	s0 =	sor.u32 s0, s1;
	v1 =	vld [tilespmem:s26+$0x0]  }
0x60: {  	v43 =	vld [tilespmem:s0+$0x0]  }
0x61: {  	v47 =	vld [tilespmem:s0+$0x80]  }
0x62: {  	v48 =	vld [tilespmem:s0+$0x100]  }
0x63: {  	v5 =	vld [tilespmem:s0+$0x180];
	s26 =	simm.s32 $0x20  }
0x64: {  	s3 =	simm.s32 $0x100;
	v35 =	vld [tilespmem:s0+$0x200];
	s29 =	sand.u32 $0x60, s26  }
0x65: {  	s30 =	sand.u32 $0x1C00, s3;
	s4 =	simm.s32 $0x100;
	v49 =	vld [tilespmem:s0+$0x280];
	s2 =	sor.u32 $0x10, s29  }
0x66: {  	v2 =	vld [tilespmem:s0+$0x300];
	[dreg:$0x4] =	wrdreg s4;
	s5 =	sor.u32 s2, s30  }
0x67: {  	v8 =	vld [tilespmem:s5+$0x0];
	_ =	sdelay $0x4  }
0x68: {  	v0 =	vld [tilespmem:s0+$0x380];
	[tilespmem:$0x1FF90] =	vst v8  }
0x69: {  	v8 =	vld [tilespmem:s5+$0x80];
	_ =	sdelay $0x4  }
0x6a: {  	[tilespmem:$0x1FFA0] =	vst v8  }
0x6b: {  	v8 =	vld [tilespmem:s5+$0x100];
	_ =	sdelay $0x4  }
0x6c: {  	[tilespmem:$0x1FFB0] =	vst v8  }
0x6d: {  	v8 =	vld [tilespmem:s5+$0x180];
	_ =	sdelay $0x4  }
0x6e: {  	[tilespmem:$0x1FFC0] =	vst v8  }
0x6f: {  	v21 =	vadd.f32 v24, v21;
	v8 =	vld [tilespmem:s5+$0x200]  }
0x70: {  	v19 =	vadd.f32 v22, v19;
	v32 =	vadd.f32 v32, v23  }
0x71: {  	v27 =	vadd.f32 v44, v27;
	v44 =	vadd.f32 v51, v50  }
0x72: {  	v50 =	vadd.f32 v53, v52;
	v51 =	vadd.f32 v55, v54  }
0x73: {  	v52 =	vadd.f32 v57, v56;
	v53 =	vadd.f32 v59, v58  }
0x74: {  	v54 =	vadd.f32 v61, v60;
	v57 =	vadd.f32 v63, v62;
	[tilespmem:$0x1FFD0] =	vst v8  }
0x75: {  	v59 =	vadd.f32 v32, v19;
	v60 =	vadd.f32 v44, v27;
	v8 =	vld [tilespmem:s5+$0x280]  }
0x76: {  	v62 =	vadd.f32 v53, v52;
	v63 =	vadd.f32 v57, v54  }
0x77: {  	v44 =	vadd.f32 v33, v25;
	v31 =	vadd.f32 v42, v31;
	v42 =	vld [tilespmem:$0x1FFB0]  }
0x78: {  	v19 =	vadd.f32 v63, v62;
	v62 =	vadd.f32 v47, v43;
	v43 =	vld [tilespmem:$0x1FFC0]  }
0x79: {  	v21 =	vadd.f32 v44, v21;
	v44 =	vld [tilespmem:$0x1FFD0]  }
0x7a: {  	s6 =	sor.u32 $0x2000, s30;
	[tilespmem:$0x1FFE0] =	vst v8;
	v8 =	vld [tilespmem:$0x1FF80]  }
0x7b: {  	v12 =	vadd.f32 v12, v9;
	s0 =	sor.u32 $0x2080, s30;
	s7 =	sor.u32 s2, s6;
	v9 =	vld [tilespmem:s5+$0x380]  }
0x7c: {  	v18 =	vadd.f32 v20, v18;
	s1 =	sor.u32 $0x2100, s30;
	s8 =	sor.u32 s2, s0;
	v20 =	vld [tilespmem:s7+$0x0]  }
0x7d: {  	s3 =	sor.u32 $0x2180, s30;
	s9 =	sor.u32 s2, s1;
	v23 =	vld [tilespmem:s8+$0x0]  }
0x7e: {  	s4 =	sor.u32 $0x2200, s30;
	s10 =	sor.u32 s2, s3;
	v22 =	vld [tilespmem:s9+$0x0]  }
0x7f: {  	v11 =	vadd.f32 v13, v11;
	s11 =	sor.u32 s2, s4;
	v13 =	vld [tilespmem:s10+$0x0]  }
0x80: {  	v16 =	vadd.f32 v16, v14;
	v17 =	vadd.f32 v17, v15;
	v14 =	vld [tilespmem:s11+$0x0];
	s8 =	sor.u32 $0x2380, s30  }
0x81: {  	v3 =	vadd.f32 v3, v45;
	s9 =	sor.u32 $0x4000, s30;
	v45 =	vld [tilespmem:$0x1FFE0];
	s14 =	sor.u32 s2, s8  }
0x82: {  	v58 =	vadd.f32 v18, v17;
	s10 =	sor.u32 $0x4080, s30;
	s15 =	sor.u32 s2, s9;
	v18 =	vld [tilespmem:s14+$0x0]  }
0x83: {  	s16 =	sor.u32 s2, s10;
	v32 =	vld [tilespmem:s15+$0x0]  }
0x84: {  	v61 =	vadd.f32 v51, v50;
	v51 =	vld [tilespmem:s16+$0x0];
	s14 =	sor.u32 $0x4280, s30  }
0x85: {  	s15 =	sor.u32 $0x4300, s30;
	s20 =	sor.u32 s2, s14;
	v10 =	vadd.f32 v10, v8;
	v8 =	vld [tilespmem:s5+$0x300]  }
0x86: {  	s16 =	sor.u32 $0x4380, s30;
	s21 =	sor.u32 s2, s15;
	v52 =	vld [tilespmem:s20+$0x0]  }
0x87: {  	s22 =	sor.u32 s2, s16;
	s5 =	sor.u32 $0x2280, s30;
	v53 =	vld [tilespmem:s21+$0x0]  }
0x88: {  	v17 =	vadd.f32 v61, v60;
	s7 =	sor.u32 $0x2300, s30;
	v55 =	vld [tilespmem:s22+$0x0];
	s12 =	sor.u32 s2, s5  }
0x89: {  	v26 =	vadd.f32 v34, v26;
	v4 =	vadd.f32 v4, v36;
	s11 =	sor.u32 $0x4100, s30;
	s13 =	sor.u32 s2, s7;
	v15 =	vld [tilespmem:s12+$0x0]  }
0x8a: {  	s17 =	sor.u32 s2, s11;
	v10 =	vadd.f32 v11, v10;
	v11 =	vadd.f32 v16, v12;
	v12 =	vld [tilespmem:s13+$0x0];
	s12 =	sor.u32 $0x4180, s30  }
0x8b: {  	v6 =	vadd.f32 v6, v37;
	v29 =	vadd.f32 v39, v29;
	s13 =	sor.u32 $0x4200, s30;
	v16 =	vld [tilespmem:s17+$0x0];
	s18 =	sor.u32 s2, s12  }
0x8c: {  	v7 =	vadd.f32 v7, v40;
	v54 =	vadd.f32 v38, v28;
	s17 =	sor.u32 $0x6000, s30;
	s19 =	sor.u32 s2, s13;
	v27 =	vld [tilespmem:s18+$0x0]  }
0x8d: {  	v1 =	vadd.f32 v1, v46;
	v5 =	vadd.f32 v5, v48;
	s23 =	sor.u32 s2, s17;
	v50 =	vld [tilespmem:s19+$0x0];
	s18 =	sor.u32 $0x6080, s30  }
0x8e: {  	v35 =	vadd.f32 v49, v35;
	v4 =	vadd.f32 v4, v26;
	s19 =	sor.u32 $0x6100, s30;
	v56 =	vld [tilespmem:s23+$0x0];
	s24 =	sor.u32 s2, s18  }
0x8f: {  	v3 =	vadd.f32 v3, v29;
	v6 =	vadd.f32 v54, v6;
	s23 =	sor.u32 $0x6180, s30;
	s25 =	sor.u32 s2, s19;
	v57 =	vld [tilespmem:s24+$0x0]  }
0x90: {  	v10 =	vadd.f32 v11, v10;
	v11 =	vadd.f32 v59, v58;
	s21 =	sor.u32 s2, s23;
	v58 =	vld [tilespmem:s25+$0x0]  }
0x91: {  	s0 =	sor.u32 s29, s0;
	v0 =	vadd.f32 v0, v2;
	s20 =	sor.u32 $0x6280, s30;
	v59 =	vadd.f32 v41, v30;
	v60 =	vld [tilespmem:s21+$0x0]  }
0x92: {  	v3 =	vadd.f32 v3, v6;
	s24 =	sor.u32 $0x6200, s30;
	s25 =	sor.u32 s2, s20;
	v6 =	vadd.f32 v11, v10;
	v11 =	vld [tilespmem:s0+$0x0]  }
0x93: {  	v1 =	vadd.f32 v1, v31;
	s21 =	sor.u32 $0x6300, s30;
	v7 =	vadd.f32 v59, v7;
	s22 =	sor.u32 s2, s24;
	v63 =	vld [tilespmem:s25+$0x0]  }
0x94: {  	v0 =	vadd.f32 v0, v35;
	v5 =	vadd.f32 v5, v62;
	s25 =	sor.u32 s2, s21;
	v61 =	vld [tilespmem:s22+$0x0];
	s22 =	sor.u32 $0x6380, s30  }
0x95: {  	v4 =	vadd.f32 v4, v21;
	v2 =	vld [tilespmem:s25+$0x0];
	v1 =	vadd.f32 v1, v7;
	s25 =	sor.u32 s2, s22  }
0x96: {  	s1 =	sor.u32 s29, s1;
	v0 =	vadd.f32 v0, v5;
	v7 =	vadd.f32 v19, v17;
	v40 =	vld [tilespmem:s25+$0x0]  }
0x97: {  	v1 =	vadd.f32 v1, v3;
	v3 =	vld [tilespmem:s1+$0x0]  }
0x98: {  	v0 =	vadd.f32 v4, v0;
	s25 =	sor.u32 s29, s6;
	v4 =	vadd.f32 v7, v6;
	v7 =	vld [tilespmem:$0x1FF90]  }
0x99: {  	s1 =	sor.u32 s29, s4;
	s4 =	sor.u32 s29, s7;
	s7 =	sor.u32 s29, s9;
	v41 =	vld [tilespmem:s25+$0x0]  }
0x9a: {  	s9 =	sor.u32 s29, s11;
	v47 =	vld [tilespmem:s7+$0x0]  }
0x9b: {  	s11 =	sor.u32 s29, s13;
	v49 =	vld [tilespmem:s9+$0x0]  }
0x9c: {  	v50 =	vadd.f32 v52, v50;
	s13 =	sor.u32 s29, s15;
	v52 =	vld [tilespmem:s11+$0x0]  }
0x9d: {  	s6 =	sand.u32 $0x380, s31;
	s15 =	sor.u32 s29, s17;
	v26 =	vadd.f32 v57, v56;
	v56 =	vld [tilespmem:s13+$0x0]  }
0x9e: {  	s17 =	sor.u32 s29, s19;
	s19 =	sor.u32 s29, s24;
	s24 =	sor.u32 s29, s20;
	v57 =	vld [tilespmem:s15+$0x0]  }
0x9f: {  	v13 =	vadd.f32 v13, v22;
	v48 =	vadd.f32 v51, v32;
	s6 =	sor.u32 s28, s6;
	s28 =	simm.s32 $0x10080;
	v62 =	vld [tilespmem:s24+$0x0]  }
0xa0: {  	v8 =	vadd.f32 v9, v8;
	v9 =	vadd.f32 v23, v20;
	v10 =	vld [tilespmem:s28+$0x0]  }
0xa1: {  	v24 =	vadd.f32 v55, v53;
	v14 =	vadd.f32 v15, v14;
	s25 =	sor.u32 s29, s3;
	v5 =	vld [tilespmem:s6+$0x10080]  }
0xa2: {  	v12 =	vadd.f32 v18, v12;
	v9 =	vadd.f32 v13, v9;
	v6 =	vld [tilespmem:s25+$0x0]  }
0xa3: {  	v17 =	vadd.f32 v43, v42;
	s3 =	sor.u32 s29, s5;
	s5 =	sor.u32 s29, s8;
	v0 =	vadd.f32 v1, v0;
	v1 =	vld [tilespmem:s1+$0x0]  }
0xa4: {  	v19 =	vadd.f32 v45, v44;
	v16 =	vadd.f32 v27, v16;
	v46 =	vld [tilespmem:s5+$0x0]  }
0xa5: {  	v12 =	vadd.f32 v12, v14;
	s8 =	sor.u32 s29, s10;
	v0 =	vadd.f32 v0, v10;
	v10 =	vld [tilespmem:$0x1FFA0]  }
0xa6: {  	v8 =	vadd.f32 v8, v19;
	s10 =	sor.u32 s29, s12;
	v53 =	vadd.f32 v60, v58;
	s12 =	sor.u32 s29, s14;
	s14 =	sor.u32 s29, s16;
	v15 =	vld [tilespmem:s8+$0x0]  }
0xa7: {  	v14 =	vadd.f32 v16, v48;
	v58 =	vadd.f32 v24, v50;
	v13 =	vld [tilespmem:s14+$0x0]  }
0xa8: {  	v51 =	vld [tilespmem:s10+$0x0];
	v54 =	vadd.f32 v63, v61;
	v59 =	vadd.f32 v53, v26  }
0xa9: {  	v55 =	vld [tilespmem:s12+$0x0];
	v2 =	vadd.f32 v40, v2;
	v11 =	vadd.f32 v11, v41  }
0xaa: {  	v4 =	vadd.f32 v4, v5;
	v5 =	vld [tilespmem:s3+$0x0];
	v7 =	vadd.f32 v10, v7  }
0xab: {  	s16 =	sor.u32 s29, s18;
	v2 =	vadd.f32 v2, v54;
	v3 =	vadd.f32 v6, v3;
	v10 =	vld [tilespmem:s4+$0x0]  }
0xac: {  	v60 =	vld [tilespmem:s16+$0x0];
	v13 =	vadd.f32 v13, v56;
	v7 =	vadd.f32 v17, v7  }
0xad: {  	s18 =	sor.u32 s29, s23;
	v61 =	vld [tilespmem:s17+$0x0];
	v2 =	vadd.f32 v2, v59;
	v3 =	vadd.f32 v3, v11  }
0xae: {  	v7 =	vadd.f32 v8, v7;
	v8 =	vadd.f32 v12, v9;
	v12 =	vld [tilespmem:s18+$0x0]  }
0xaf: {  	s23 =	sand.u32 $0x380, s26;
	s25 =	sor.u32 s29, s21;
	v11 =	vadd.f32 v55, v52;
	v9 =	vadd.f32 v58, v14;
	v14 =	vld [tilespmem:s19+$0x0]  }
0xb0: {  	s1 =	sor.u32 s2, s23;
	v1 =	vadd.f32 v5, v1;
	v5 =	vadd.f32 v46, v10;
	v10 =	vld [tilespmem:s25+$0x0]  }
0xb1: {  	s26 =	sor.u32 s29, s22;
	v6 =	vadd.f32 v8, v7;
	v7 =	vld [tilespmem:s1+$0x10080];
	v2 =	vadd.f32 v2, v9  }
0xb2: {  	s29 =	sor.u32 s29, s30;
	v9 =	vadd.f32 v15, v47;
	v15 =	vld [tilespmem:s26+$0x0];
	v1 =	vadd.f32 v5, v1  }
0xb3: {  	v5 =	vadd.f32 v51, v49;
	v6 =	vadd.f32 v2, v6;
	v2 =	vld [tilespmem:s29+$0x0]  }
0xb4: {  	[tilespmem:s6+$0x10080] =	vst v4;
	v4 =	vadd.f32 v60, v57;
	v8 =	vadd.f32 v1, v3;
	v3 =	vld [tilespmem:s29+$0x100]  }
0xb5: {  	v1 =	vadd.f32 v5, v9;
	v5 =	vadd.f32 v13, v11;
	v9 =	vld [tilespmem:s29+$0x180]  }
0xb6: {  	v12 =	vadd.f32 v12, v61;
	v63 =	vadd.f32 v6, v7;
	v7 =	vld [tilespmem:s29+$0x80]  }
0xb7: {  	[tilespmem:s28+$0x0] =	vst v0;
	v11 =	vadd.f32 v62, v14;
	v5 =	vadd.f32 v5, v1;
	v6 =	vld [tilespmem:s29+$0x200]  }
0xb8: {  	s31 =	simm.s32 $0x40;
	s30 =	simm.s32 $0x2;
	v4 =	vadd.f32 v12, v4;
	v12 =	vadd.f32 v15, v10;
	v10 =	vld [tilespmem:s29+$0x280];
	[tilespmem:s1+$0x10080] =	vst v63  }
.LBB2_5:
0xb9: {  	s1 =	rddreg [dreg:$0x4]  }
0xba: {  	s0 =	sand.u32 $0x60, s31;
	v0 =	vld [tilespmem:s29+$0x300];
	s28 =	sadd.s32 $0x20, s28;
	s1 =	sadd.s32 $0x100, s1  }
0xbb: {  	s2 =	sor.u32 $0x10, s0;
	[dreg:$0x4] =	wrdreg s1;
	s1 =	sand.u32 $0x1C00, s1;
	v1 =	vadd.f32 v7, v2;
	v7 =	vld [tilespmem:s29+$0x380]  }
0xbc: {  	s4 =	sor.u32 s2, s1;
	v2 =	vadd.f32 v12, v11;
	v12 =	vld [tilespmem:s28+$0x0]  }
0xbd: {  	s12 =	sor.u32 $0x2380, s1;
	v9 =	vadd.f32 v9, v3;
	v3 =	vld [tilespmem:s4+$0x80]  }
0xbe: {  	s14 =	sor.u32 $0x4000, s1;
	s21 =	sor.u32 $0x4080, s1;
	v10 =	vadd.f32 v10, v6;
	v6 =	vld [tilespmem:s4+$0x180];
	s20 =	sor.u32 s2, s12  }
0xbf: {  	s23 =	sor.u32 $0x4100, s1;
	s25 =	sor.u32 $0x4180, s1;
	s24 =	sor.u32 s2, s21;
	v16 =	vld [tilespmem:s20+$0x0]  }
0xc0: {  	s13 =	sor.u32 s0, s14;
	s22 =	sor.u32 s2, s14;
	s14 =	sor.u32 s2, s23;
	v17 =	vld [tilespmem:s24+$0x0]  }
0xc1: {  	s26 =	sor.u32 s2, s25;
	v18 =	vld [tilespmem:s14+$0x0]  }
0xc2: {  	v19 =	vld [tilespmem:s26+$0x0]  }
0xc3: {  	s18 =	sor.u32 $0x4280, s1;
	v11 =	vadd.f32 v2, v4;
	v2 =	vld [tilespmem:s4+$0x0]  }
0xc4: {  	s14 =	sor.u32 s0, s18;
	s18 =	sor.u32 s2, s18;
	s20 =	sor.u32 $0x4380, s1;
	v4 =	vld [tilespmem:s4+$0x100]  }
0xc5: {  	v21 =	vld [tilespmem:s18+$0x0];
	s18 =	sor.u32 s0, s20;
	s20 =	sor.u32 s2, s20  }
0xc6: {  	v1 =	vadd.f32 v9, v1;
	v23 =	vld [tilespmem:s20+$0x0]  }
0xc7: {  	v9 =	vadd.f32 v11, v5;
	v5 =	vld [tilespmem:s4+$0x200];
	v0 =	vadd.f32 v7, v0  }
0xc8: {  	s5 =	sor.u32 $0x2000, s1;
	v11 =	vld [tilespmem:s4+$0x380]  }
0xc9: {  	s6 =	sor.u32 $0x2080, s1;
	s7 =	sor.u32 $0x2100, s1;
	s8 =	sor.u32 $0x2180, s1;
	v7 =	vld [tilespmem:s4+$0x280];
	v0 =	vadd.f32 v0, v10  }
0xca: {  	s9 =	sor.u32 $0x2200, s1;
	v10 =	vld [tilespmem:s4+$0x300];
	s4 =	sor.u32 s0, s6;
	s6 =	sor.u32 s2, s6  }
0xcb: {  	s10 =	sor.u32 $0x2280, s1;
	s3 =	sor.u32 s0, s5;
	s5 =	sor.u32 s2, s5;
	v13 =	vld [tilespmem:s6+$0x0];
	v0 =	vadd.f32 v0, v1  }
0xcc: {  	s11 =	sor.u32 $0x2300, s1;
	s6 =	sor.u32 s0, s8;
	s8 =	sor.u32 s2, s8;
	v1 =	vld [tilespmem:s5+$0x0]  }
0xcd: {  	s15 =	sor.u32 $0x4200, s1;
	s5 =	sor.u32 s0, s7;
	s7 =	sor.u32 s2, s7;
	v14 =	vld [tilespmem:s8+$0x0];
	v0 =	vadd.f32 v8, v0  }
0xce: {  	s19 =	sor.u32 s2, s11;
	v8 =	vld [tilespmem:s7+$0x0];
	s7 =	sor.u32 s0, s9;
	s9 =	sor.u32 s2, s9  }
0xcf: {  	s8 =	sor.u32 s0, s10;
	s10 =	sor.u32 s2, s10;
	v0 =	vadd.f32 v9, v0;
	v9 =	vld [tilespmem:s9+$0x0];
	s9 =	sor.u32 s0, s11  }
0xd0: {  	v15 =	vld [tilespmem:s10+$0x0];
	s11 =	sor.u32 s0, s12;
	s12 =	sor.u32 s0, s15;
	s15 =	sor.u32 s2, s15  }
0xd1: {  	v20 =	vld [tilespmem:s15+$0x0];
	v0 =	vadd.f32 v0, v12  }
0xd2: {  	s16 =	sor.u32 s0, s21;
	v12 =	vld [tilespmem:s19+$0x0];
	s19 =	sor.u32 $0x4300, s1  }
0xd3: {  	s21 =	sor.u32 $0x6000, s1;
	s15 =	sor.u32 s0, s19;
	s19 =	sor.u32 s2, s19;
	[tilespmem:s28+$0x0] =	vst v0;
	v0 =	vld [tilespmem:s22+$0x0]  }
0xd4: {  	v22 =	vld [tilespmem:s19+$0x0];
	s19 =	sor.u32 s0, s21;
	s21 =	sor.u32 s2, s21  }
0xd5: {  	v2 =	vadd.f32 v3, v2;
	v24 =	vld [tilespmem:s21+$0x0]  }
0xd6: {  	v3 =	vadd.f32 v6, v4;
	v8 =	vadd.f32 v14, v8;
	v14 =	vld [tilespmem:s5+$0x0]  }
0xd7: {  	v5 =	vadd.f32 v7, v5;
	v6 =	vadd.f32 v11, v10;
	v59 =	vld [tilespmem:s6+$0x0]  }
0xd8: {  	s29 =	sor.u32 s0, s1;
	s17 =	sor.u32 s0, s23;
	v1 =	vadd.f32 v13, v1;
	v62 =	vld [tilespmem:s7+$0x0]  }
0xd9: {  	s23 =	sor.u32 $0x6100, s1;
	[dreg:$0x9] =	wrdreg s3;
	v2 =	vadd.f32 v3, v2;
	v3 =	vadd.f32 v6, v5;
	s22 =	sor.u32 $0x6080, s1;
	v5 =	vld [tilespmem:s9+$0x0]  }
0xda: {  	s24 =	sor.u32 $0x6180, s1;
	s20 =	sor.u32 s0, s22;
	s22 =	sor.u32 s2, s22;
	v1 =	vadd.f32 v8, v1;
	v8 =	vld [tilespmem:s11+$0x0]  }
0xdb: {  	s10 =	sor.u32 s0, s25;
	s21 =	sor.u32 s0, s23;
	s23 =	sor.u32 s2, s23;
	v25 =	vld [tilespmem:s22+$0x0]  }
0xdc: {  	s25 =	sor.u32 $0x6200, s1;
	s22 =	sor.u32 s0, s24;
	v26 =	vld [tilespmem:s23+$0x0];
	s24 =	sor.u32 s2, s24  }
0xdd: {  	s26 =	sor.u32 $0x6280, s1;
	s23 =	sor.u32 s0, s25;
	s25 =	sor.u32 s2, s25;
	v27 =	vld [tilespmem:s24+$0x0]  }
0xde: {  	s3 =	sor.u32 $0x6300, s1;
	s24 =	sor.u32 s0, s26;
	v28 =	vld [tilespmem:s25+$0x0];
	s26 =	sor.u32 s2, s26  }
0xdf: {  	v13 =	vadd.f32 v19, v18;
	s1 =	sor.u32 $0x6380, s1;
	s25 =	sor.u32 s0, s3;
	s3 =	sor.u32 s2, s3;
	v29 =	vld [tilespmem:s26+$0x0]  }
0xe0: {  	v2 =	vadd.f32 v3, v2;
	v9 =	vadd.f32 v15, v9;
	s0 =	sor.u32 s0, s1;
	s1 =	sor.u32 s2, s1;
	v4 =	vld [tilespmem:s3+$0x0]  }
0xe1: {  	v15 =	vadd.f32 v21, v20;
	v11 =	vadd.f32 v16, v12;
	v7 =	vld [tilespmem:s1+$0x0]  }
0xe2: {  	v3 =	vld [tilespmem:s17+$0x0];
	v0 =	vadd.f32 v17, v0;
	v58 =	vadd.f32 v23, v22  }
0xe3: {  	v12 =	vld [tilespmem:s4+$0x0];
	s3 =	rddreg [dreg:$0x9];
	v6 =	vadd.f32 v11, v9;
	v60 =	vadd.f32 v25, v24  }
0xe4: {  	v10 =	vld [tilespmem:s3+$0x0];
	v0 =	vadd.f32 v13, v0;
	v9 =	vadd.f32 v58, v15  }
0xe5: {  	v11 =	vld [tilespmem:s13+$0x0];
	v1 =	vadd.f32 v6, v1;
	v61 =	vadd.f32 v27, v26  }
0xe6: {  	v15 =	vld [tilespmem:s16+$0x0];
	v63 =	vadd.f32 v29, v28;
	v4 =	vadd.f32 v7, v4  }
0xe7: {  	v7 =	vld [tilespmem:s8+$0x0];
	v0 =	vadd.f32 v9, v0;
	v1 =	vadd.f32 v1, v2  }
0xe8: {  	s26 =	sand.u32 $0x380, s31;
	v2 =	vld [tilespmem:s12+$0x0];
	v13 =	vadd.f32 v61, v60;
	v4 =	vadd.f32 v4, v63  }
0xe9: {  	s1 =	sor.u32 s2, s26;
	v9 =	vadd.f32 v59, v14;
	v6 =	vadd.f32 v12, v10;
	v12 =	vld [tilespmem:s10+$0x0]  }
0xea: {  	v10 =	vld [tilespmem:s1+$0x10080];
	v4 =	vadd.f32 v4, v13  }
0xeb: {  	v6 =	vadd.f32 v9, v6;
	v9 =	vld [tilespmem:s19+$0x0]  }
0xec: {  	v5 =	vadd.f32 v8, v5;
	v13 =	vld [tilespmem:s0+$0x0];
	v0 =	vadd.f32 v4, v0  }
0xed: {  	v11 =	vadd.f32 v15, v11;
	v4 =	vadd.f32 v7, v62;
	v7 =	vld [tilespmem:s14+$0x0]  }
0xee: {  	v3 =	vadd.f32 v12, v3;
	v0 =	vadd.f32 v0, v1;
	v1 =	vld [tilespmem:s15+$0x0]  }
0xef: {  	v4 =	vadd.f32 v5, v4;
	v5 =	vld [tilespmem:s18+$0x0]  }
0xf0: {  	v3 =	vadd.f32 v3, v11;
	v11 =	vld [tilespmem:s24+$0x0]  }
0xf1: {  	v8 =	vadd.f32 v4, v6;
	v4 =	vld [tilespmem:s20+$0x0]  }
0xf2: {  	v0 =	vadd.f32 v0, v10;
	v6 =	vld [tilespmem:s22+$0x0]  }
0xf3: {  	v10 =	vld [tilespmem:s23+$0x0]  }
0xf4: {  	[tilespmem:s1+$0x10080] =	vst v0;
	v0 =	vld [tilespmem:s21+$0x0]  }
0xf5: {  	s30 =	sadd.s32 $0x2, s30;
	v12 =	vld [tilespmem:s25+$0x0];
	v2 =	vadd.f32 v7, v2;
	v1 =	vadd.f32 v5, v1  }
0xf6: {  	p0 =	slt.u32 s30, $0x3E;
	v7 =	vld [tilespmem:s29+$0x80]  }
.Ltmp1:
0xf7: {  	v1 =	vadd.f32 v1, v2;
	v2 =	vld [tilespmem:s29+$0x0];
	(pc) =	sbr.rel @p0 .LBB2_5-.Ltmp1, $4  }
0xf8: {  	v4 =	vadd.f32 v4, v9;
	v9 =	vld [tilespmem:s29+$0x180]  }
0xf9: {  	v11 =	vadd.f32 v11, v10;
	v10 =	vld [tilespmem:s29+$0x280];
	v0 =	vadd.f32 v6, v0  }
0xfa: {  	v5 =	vadd.f32 v1, v3;
	v3 =	vld [tilespmem:s29+$0x100]  }
0xfb: {  	s31 =	sadd.s32 $0x20, s31;
	v12 =	vadd.f32 v13, v12;
	v6 =	vld [tilespmem:s29+$0x200];
	v4 =	vadd.f32 v0, v4  }
0xfc: {  	v0 =	vld [tilespmem:s29+$0x300]  }
0xfd: {  	v1 =	vld [tilespmem:s29+$0x380];
	_ =	sdelay $0x3  }
0xfe: {  	v2 =	vadd.f32 v7, v2;
	v3 =	vadd.f32 v9, v3  }
0xff: {  	v6 =	vadd.f32 v10, v6;
	v0 =	vadd.f32 v1, v0  }
0x100: {  	v1 =	vadd.f32 v12, v11  }
0x101: {  	v2 =	vadd.f32 v3, v2;
	v0 =	vadd.f32 v0, v6;
	_ =	sdelay $0x1  }
0x102: {  	s0 =	sadd.s32 $0x20, s28;
	v1 =	vadd.f32 v1, v4;
	v0 =	vadd.f32 v0, v2  }
0x103: {  	v2 =	vld [tilespmem:s0+$0x0]  }
0x104: {  	s1 =	rddreg [dreg:$0x15];
	v1 =	vadd.f32 v1, v5;
	v0 =	vadd.f32 v8, v0  }
0x105: {  	s20 =	rddreg [dreg:$0x10];
	s2 =	sshll.u32 s1, $0x6  }
0x106: {  	s1 =	sadd.s32 s2, s20;
	v0 =	vadd.f32 v1, v0  }
0x107: {  	s21 =	rddreg [dreg:$0xd];
	s1 =	sshll.u32 s1, $0xB  }
0x108: {  	s22 =	rddreg [dreg:$0x0];
	s28 =	simm.s32 $0x0;
	s1 =	sor.u32 s21, s1;
	v0 =	vadd.f32 v0, v2  }
0x109: {  	s23 =	simm.s32 $0x2000;
	s1 =	sshrl.u32 s1, $0x3;
	[dreg:$0x16] =	wrdreg s2  }
0x10a: {  	s24 =	simm.s32 $0x4000;
	s25 =	simm.s32 $0x2;
	[tilespmem:s0+$0x0] =	vst v0;
	s0 =	sadd.s32 s22, s1  }
0x10b: {  	[tilespmem:s28], [sflag:$0x1] =	stream.strided.gather [hbm4b:s0+s23], $0x8000, s24, s23, $0x38;
	[tilespmem:$0x10480] =	vst v63  }
0x10c: {  	s5 =	sand.u32 $0x1C00, s28;
	s0 =	sand.u32 $0x60, s28;
	_ =	swait.ge [sflag:s25], $0x8000  }
0x10d: {  	s1 =	sor.u32 $0x8000, s5;
	s29 =	sor.u32 $0x10, s0;
	[sflag:s25] =	ssyncset.done $0x0  }
0x10e: {  	s4 =	sor.u32 s29, s1;
	[sflag:s25] =	ssyncadd.s32 $0xFFFF8000  }
0x10f: {  	v0 =	vld [tilespmem:s4+$0x0];
	_ =	sdelay $0x4  }
0x110: {  	[tilespmem:$0x1FF20] =	vst v0  }
0x111: {  	v8 =	vld [tilespmem:s4+$0x80]  }
0x112: {  	v9 =	vld [tilespmem:s4+$0x100]  }
0x113: {  	v11 =	vld [tilespmem:s4+$0x180]  }
0x114: {  	v10 =	vld [tilespmem:s4+$0x200]  }
0x115: {  	v12 =	vld [tilespmem:s4+$0x280]  }
0x116: {  	s2 =	sor.u32 $0xA000, s5;
	v13 =	vld [tilespmem:s4+$0x300]  }
0x117: {  	s3 =	sor.u32 $0xA080, s5;
	s6 =	sor.u32 s29, s2;
	v14 =	vld [tilespmem:s4+$0x380]  }
0x118: {  	s7 =	sor.u32 s29, s3;
	v15 =	vld [tilespmem:s6+$0x0]  }
0x119: {  	s1 =	sor.u32 s0, s1;
	v16 =	vld [tilespmem:s7+$0x0]  }
0x11a: {  	v27 =	vld [tilespmem:s1+$0x0]  }
0x11b: {  	v35 =	vld [tilespmem:s1+$0x80]  }
0x11c: {  	v36 =	vld [tilespmem:s1+$0x100]  }
0x11d: {  	v43 =	vld [tilespmem:s1+$0x180]  }
0x11e: {  	v24 =	vld [tilespmem:s1+$0x200]  }
0x11f: {  	v28 =	vld [tilespmem:s1+$0x280]  }
0x120: {  	v29 =	vld [tilespmem:s1+$0x300]  }
0x121: {  	s2 =	sor.u32 s0, s2;
	v37 =	vld [tilespmem:s1+$0x380]  }
0x122: {  	s3 =	sor.u32 s0, s3;
	s4 =	sor.u32 $0xA100, s5;
	v25 =	vld [tilespmem:s2+$0x0]  }
0x123: {  	s6 =	sor.u32 $0xA180, s5;
	v38 =	vld [tilespmem:s3+$0x0];
	s8 =	sor.u32 s29, s4  }
0x124: {  	s7 =	sor.u32 $0xA200, s5;
	s9 =	sor.u32 s29, s6;
	v17 =	vld [tilespmem:s8+$0x0]  }
0x125: {  	s10 =	sor.u32 s29, s7;
	v23 =	vld [tilespmem:s9+$0x0]  }
0x126: {  	s4 =	sor.u32 s0, s4;
	v18 =	vld [tilespmem:s10+$0x0]  }
0x127: {  	s6 =	sor.u32 s0, s6;
	v19 =	vld [tilespmem:s4+$0x0]  }
0x128: {  	s7 =	sor.u32 s0, s7;
	s8 =	sor.u32 $0xA280, s5;
	v30 =	vld [tilespmem:s6+$0x0]  }
0x129: {  	s9 =	sor.u32 $0xA300, s5;
	v20 =	vld [tilespmem:s7+$0x0];
	s11 =	sor.u32 s29, s8  }
0x12a: {  	s10 =	sor.u32 $0xA380, s5;
	s12 =	sor.u32 s29, s9;
	v34 =	vld [tilespmem:s11+$0x0]  }
0x12b: {  	s13 =	sor.u32 s29, s10;
	v44 =	vld [tilespmem:s12+$0x0]  }
0x12c: {  	s8 =	sor.u32 s0, s8;
	v51 =	vld [tilespmem:s13+$0x0]  }
0x12d: {  	s9 =	sor.u32 s0, s9;
	v31 =	vld [tilespmem:s8+$0x0]  }
0x12e: {  	s10 =	sor.u32 s0, s10;
	s11 =	sor.u32 $0xC000, s5;
	v39 =	vld [tilespmem:s9+$0x0]  }
0x12f: {  	s12 =	sor.u32 $0xC080, s5;
	v45 =	vld [tilespmem:s10+$0x0];
	s14 =	sor.u32 s29, s11  }
0x130: {  	s13 =	sor.u32 $0xC100, s5;
	s15 =	sor.u32 s29, s12;
	v50 =	vld [tilespmem:s14+$0x0]  }
0x131: {  	s16 =	sor.u32 s29, s13;
	v5 =	vld [tilespmem:s15+$0x0]  }
0x132: {  	s11 =	sor.u32 s0, s11;
	v4 =	vld [tilespmem:s16+$0x0]  }
0x133: {  	s12 =	sor.u32 s0, s12;
	v26 =	vld [tilespmem:s11+$0x0]  }
0x134: {  	s13 =	sor.u32 s0, s13;
	s14 =	sor.u32 $0xC180, s5;
	v40 =	vld [tilespmem:s12+$0x0]  }
0x135: {  	s15 =	sor.u32 $0xC200, s5;
	v21 =	vld [tilespmem:s13+$0x0];
	s17 =	sor.u32 s29, s14  }
0x136: {  	s16 =	sor.u32 $0xC280, s5;
	s18 =	sor.u32 s29, s15;
	v53 =	vld [tilespmem:s17+$0x0]  }
0x137: {  	s19 =	sor.u32 s29, s16;
	v54 =	vld [tilespmem:s18+$0x0]  }
0x138: {  	s14 =	sor.u32 s0, s14;
	v55 =	vld [tilespmem:s19+$0x0]  }
0x139: {  	s15 =	sor.u32 s0, s15;
	v32 =	vld [tilespmem:s14+$0x0]  }
0x13a: {  	s16 =	sor.u32 s0, s16;
	s17 =	sor.u32 $0xC300, s5;
	v22 =	vld [tilespmem:s15+$0x0]  }
0x13b: {  	s18 =	sor.u32 $0xC380, s5;
	v33 =	vld [tilespmem:s16+$0x0];
	s20 =	sor.u32 s29, s17  }
0x13c: {  	s19 =	sor.u32 $0xE000, s5;
	s21 =	sor.u32 s29, s18;
	v56 =	vld [tilespmem:s20+$0x0]  }
0x13d: {  	s22 =	sor.u32 s29, s19;
	v57 =	vld [tilespmem:s21+$0x0]  }
0x13e: {  	s17 =	sor.u32 s0, s17;
	v58 =	vld [tilespmem:s22+$0x0]  }
0x13f: {  	s18 =	sor.u32 s0, s18;
	v41 =	vld [tilespmem:s17+$0x0]  }
0x140: {  	s19 =	sor.u32 s0, s19;
	s20 =	sor.u32 $0xE080, s5;
	v46 =	vld [tilespmem:s18+$0x0]  }
0x141: {  	s21 =	sor.u32 $0xE100, s5;
	v42 =	vld [tilespmem:s19+$0x0];
	s26 =	sor.u32 s29, s20  }
0x142: {  	s22 =	sor.u32 $0xE180, s5;
	s23 =	sor.u32 s29, s21;
	v59 =	vld [tilespmem:s26+$0x0]  }
0x143: {  	s24 =	sor.u32 s29, s22;
	v60 =	vld [tilespmem:s23+$0x0]  }
0x144: {  	s20 =	sor.u32 s0, s20;
	v61 =	vld [tilespmem:s24+$0x0]  }
0x145: {  	s3 =	sor.u32 s0, s22;
	s23 =	sor.u32 $0xE200, s5;
	v47 =	vld [tilespmem:s20+$0x0]  }
0x146: {  	s8 =	simm.s32 $0x20;
	s24 =	sor.u32 $0xE280, s5;
	v52 =	vld [tilespmem:s3+$0x0];
	s25 =	sor.u32 s29, s23  }
0x147: {  	s7 =	simm.s32 $0x100;
	s30 =	sand.u32 $0x60, s8;
	s26 =	sor.u32 s29, s24;
	v62 =	vld [tilespmem:s25+$0x0]  }
0x148: {  	s4 =	sor.u32 s0, s23;
	s6 =	sor.u32 s0, s24;
	s24 =	sand.u32 $0x1C00, s7;
	v63 =	vld [tilespmem:s26+$0x0]  }
0x149: {  	s31 =	sor.u32 $0x10, s30;
	v49 =	vld [tilespmem:s4+$0x0];
	s11 =	sor.u32 $0x8000, s24  }
0x14a: {  	s25 =	sor.u32 $0xE300, s5;
	v6 =	vld [tilespmem:s6+$0x0];
	s10 =	sor.u32 s31, s11  }
0x14b: {  	s26 =	sor.u32 s29, s25;
	v7 =	vld [tilespmem:s10+$0x0]  }
0x14c: {  	s5 =	sor.u32 $0xE380, s5;
	s9 =	sor.u32 s0, s25;
	v1 =	vld [tilespmem:s26+$0x0]  }
0x14d: {  	s26 =	sor.u32 s29, s5;
	v3 =	vld [tilespmem:s9+$0x0]  }
0x14e: {  	v0 =	vld [tilespmem:s26+$0x0];
	s26 =	sor.u32 s0, s21  }
0x14f: {  	s0 =	sor.u32 s0, s5;
	v48 =	vld [tilespmem:s26+$0x0]  }
0x150: {  	v2 =	vld [tilespmem:s0+$0x0];
	[tilespmem:$0x1FF30] =	vst v7  }
0x151: {  	v7 =	vld [tilespmem:s10+$0x80];
	_ =	sdelay $0x4  }
0x152: {  	[tilespmem:$0x1FF40] =	vst v7  }
0x153: {  	v7 =	vld [tilespmem:s10+$0x100];
	_ =	sdelay $0x4  }
0x154: {  	[tilespmem:$0x1FF50] =	vst v7  }
0x155: {  	v7 =	vld [tilespmem:s10+$0x180];
	_ =	sdelay $0x4  }
0x156: {  	v18 =	vadd.f32 v34, v18;
	v34 =	vadd.f32 v51, v44;
	[tilespmem:$0x1FF60] =	vst v7  }
0x157: {  	v5 =	vadd.f32 v5, v50;
	v44 =	vadd.f32 v53, v4;
	v7 =	vld [tilespmem:s10+$0x200]  }
0x158: {  	v36 =	vadd.f32 v43, v36;
	v43 =	vadd.f32 v37, v29;
	v37 =	vld [tilespmem:$0x1FF30]  }
0x159: {  	v25 =	vadd.f32 v38, v25;
	v5 =	vadd.f32 v44, v5;
	v38 =	vld [tilespmem:$0x1FF40]  }
0x15a: {  	v44 =	vadd.f32 v45, v39;
	v45 =	vadd.f32 v40, v26;
	v40 =	vld [tilespmem:$0x1FF50]  }
0x15b: {  	v53 =	vadd.f32 v46, v41;
	v41 =	vld [tilespmem:$0x1FF60]  }
0x15c: {  	[tilespmem:$0x1FF70] =	vst v7;
	v7 =	vld [tilespmem:$0x1FF20]  }
0x15d: {  	v9 =	vadd.f32 v11, v9;
	v11 =	vadd.f32 v14, v13;
	s0 =	sor.u32 $0xA000, s24;
	v14 =	vld [tilespmem:s10+$0x300]  }
0x15e: {  	v23 =	vadd.f32 v23, v17;
	s3 =	sor.u32 $0xA080, s24;
	s12 =	sor.u32 s31, s0;
	v17 =	vld [tilespmem:s10+$0x380]  }
0x15f: {  	v15 =	vadd.f32 v16, v15;
	s4 =	sor.u32 $0xA100, s24;
	s13 =	sor.u32 s31, s3;
	v16 =	vld [tilespmem:s12+$0x0]  }
0x160: {  	v10 =	vadd.f32 v12, v10;
	s2 =	sor.u32 $0xA180, s24;
	s14 =	sor.u32 s31, s4;
	v51 =	vadd.f32 v57, v56;
	v4 =	vld [tilespmem:s13+$0x0]  }
0x161: {  	s15 =	sor.u32 s31, s2;
	s5 =	sor.u32 $0xA200, s24;
	v57 =	vadd.f32 v59, v58;
	v58 =	vadd.f32 v61, v60;
	v12 =	vld [tilespmem:s14+$0x0]  }
0x162: {  	s9 =	sor.u32 $0xA300, s24;
	s16 =	sor.u32 s31, s5;
	v59 =	vadd.f32 v63, v62;
	v0 =	vadd.f32 v0, v1;
	v13 =	vld [tilespmem:s15+$0x0]  }
0x163: {  	v50 =	vadd.f32 v55, v54;
	s7 =	sor.u32 $0xC000, s24;
	s18 =	sor.u32 s31, s9;
	v60 =	vadd.f32 v34, v18;
	v1 =	vld [tilespmem:s16+$0x0]  }
0x164: {  	s20 =	sor.u32 s31, s7;
	v62 =	vadd.f32 v58, v57;
	v0 =	vadd.f32 v0, v59;
	v18 =	vld [tilespmem:s18+$0x0]  }
0x165: {  	s11 =	sor.u32 s30, s11;
	v61 =	vadd.f32 v51, v50;
	v50 =	vld [tilespmem:s20+$0x0]  }
0x166: {  	v24 =	vadd.f32 v28, v24;
	v0 =	vadd.f32 v0, v62;
	v62 =	vld [tilespmem:s11+$0x0]  }
0x167: {  	v20 =	vadd.f32 v31, v20;
	v55 =	vadd.f32 v47, v42;
	v42 =	vld [tilespmem:s11+$0x280]  }
0x168: {  	v24 =	vadd.f32 v43, v24;
	v21 =	vadd.f32 v32, v21;
	v43 =	vld [tilespmem:$0x1FF70]  }
0x169: {  	v20 =	vadd.f32 v44, v20;
	v44 =	vld [tilespmem:s11+$0x300]  }
0x16a: {  	v21 =	vadd.f32 v21, v45;
	s0 =	sor.u32 s30, s0;
	v45 =	vld [tilespmem:s11+$0x380]  }
0x16b: {  	s3 =	sor.u32 s30, s3;
	s18 =	sor.u32 $0xC180, s24;
	v46 =	vld [tilespmem:s0+$0x0]  }
0x16c: {  	s12 =	sor.u32 $0xC200, s24;
	v47 =	vld [tilespmem:s3+$0x0];
	s23 =	sor.u32 s31, s18  }
0x16d: {  	v63 =	vadd.f32 v35, v27;
	s13 =	sor.u32 $0xC280, s24;
	s25 =	sor.u32 s31, s12;
	v35 =	vld [tilespmem:s23+$0x0]  }
0x16e: {  	s15 =	sor.u32 $0xC300, s24;
	s26 =	sor.u32 s31, s13;
	v29 =	vld [tilespmem:s25+$0x0]  }
0x16f: {  	s14 =	sor.u32 s31, s15;
	v27 =	vld [tilespmem:s26+$0x0]  }
0x170: {  	s8 =	sor.u32 $0xA280, s24;
	v28 =	vld [tilespmem:s14+$0x0];
	v8 =	vadd.f32 v8, v7  }
0x171: {  	v19 =	vadd.f32 v30, v19;
	s17 =	sor.u32 s31, s8;
	v7 =	vld [tilespmem:s10+$0x280];
	s10 =	sor.u32 $0xA380, s24  }
0x172: {  	s16 =	sor.u32 $0xC100, s24;
	s19 =	sor.u32 s31, s10;
	v8 =	vadd.f32 v9, v8;
	v9 =	vadd.f32 v11, v10;
	v10 =	vld [tilespmem:s17+$0x0]  }
0x173: {  	v19 =	vadd.f32 v19, v25;
	v22 =	vadd.f32 v33, v22;
	s22 =	sor.u32 s31, s16;
	v34 =	vld [tilespmem:s19+$0x0]  }
0x174: {  	s6 =	sor.u32 $0xE080, s24;
	v5 =	vadd.f32 v61, v5;
	v11 =	vadd.f32 v23, v15;
	v15 =	vld [tilespmem:s22+$0x0]  }
0x175: {  	s1 =	sor.u32 $0xC080, s24;
	v6 =	vadd.f32 v6, v49;
	v23 =	vadd.f32 v36, v63;
	s22 =	sor.u32 s31, s6;
	v63 =	vld [tilespmem:s11+$0x80]  }
0x176: {  	s21 =	sor.u32 s31, s1;
	v56 =	vadd.f32 v52, v48;
	v2 =	vadd.f32 v2, v3;
	s17 =	sor.u32 $0xC380, s24;
	v26 =	vld [tilespmem:s22+$0x0]  }
0x177: {  	s19 =	sor.u32 $0xE000, s24;
	s20 =	sor.u32 s31, s17;
	v8 =	vadd.f32 v9, v8;
	v9 =	vadd.f32 v60, v11;
	v11 =	vld [tilespmem:s21+$0x0]  }
0x178: {  	v59 =	vadd.f32 v56, v55;
	v2 =	vadd.f32 v2, v6;
	s22 =	sor.u32 $0xE200, s24;
	v31 =	vld [tilespmem:s20+$0x0];
	s21 =	sor.u32 s31, s19  }
0x179: {  	v22 =	vadd.f32 v53, v22;
	v19 =	vadd.f32 v20, v19;
	s20 =	sor.u32 $0xE100, s24;
	s26 =	sor.u32 s31, s22;
	v36 =	vld [tilespmem:s21+$0x0]  }
0x17a: {  	v2 =	vadd.f32 v2, v59;
	v0 =	vadd.f32 v0, v5;
	s23 =	sor.u32 s31, s20;
	v57 =	vld [tilespmem:s26+$0x0]  }
0x17b: {  	v14 =	vadd.f32 v17, v14;
	v60 =	vadd.f32 v22, v21;
	s26 =	sand.u32 $0x380, s28;
	s28 =	sor.u32 s30, s2;
	v51 =	vld [tilespmem:s23+$0x0]  }
0x17c: {  	v4 =	vadd.f32 v4, v16;
	v12 =	vadd.f32 v13, v12;
	s17 =	sor.u32 s30, s17;
	s21 =	sor.u32 $0xE180, s24;
	v49 =	vld [tilespmem:s28+$0x0]  }
0x17d: {  	v17 =	vadd.f32 v45, v44;
	s25 =	sor.u32 s31, s21;
	v2 =	vadd.f32 v2, v60;
	v60 =	vld [tilespmem:s17+$0x0]  }
0x17e: {  	v13 =	vadd.f32 v47, v46;
	v23 =	vadd.f32 v24, v23;
	s23 =	sor.u32 $0xE280, s24;
	s26 =	sor.u32 s29, s26;
	v54 =	vld [tilespmem:s25+$0x0]  }
0x17f: {  	v27 =	vadd.f32 v27, v29;
	v8 =	vadd.f32 v9, v8;
	s14 =	sor.u32 s31, s23;
	v61 =	vld [tilespmem:s26+$0x10080]  }
0x180: {  	v21 =	vadd.f32 v38, v37;
	v9 =	vadd.f32 v19, v23;
	v3 =	vld [tilespmem:s14+$0x0]  }
0x181: {  	v22 =	vadd.f32 v41, v40;
	s25 =	sor.u32 $0xE300, s24;
	v0 =	vadd.f32 v0, v8;
	v8 =	vld [tilespmem:s11+$0x100]  }
0x182: {  	v4 =	vadd.f32 v12, v4;
	s24 =	sor.u32 $0xE380, s24;
	s14 =	sor.u32 s31, s25;
	v2 =	vadd.f32 v2, v9;
	v9 =	vld [tilespmem:s11+$0x180]  }
0x183: {  	v7 =	vadd.f32 v7, v43;
	v21 =	vadd.f32 v22, v21;
	v58 =	vld [tilespmem:s14+$0x0];
	s14 =	sor.u32 s31, s24  }
0x184: {  	v1 =	vadd.f32 v10, v1;
	v10 =	vadd.f32 v34, v18;
	v6 =	vld [tilespmem:s14+$0x0];
	s14 =	simm.s32 $0x10080  }
0x185: {  	s2 =	sor.u32 s30, s5;
	v15 =	vadd.f32 v35, v15;
	v7 =	vadd.f32 v14, v7;
	v5 =	vld [tilespmem:s14+$0x0]  }
0x186: {  	s5 =	sor.u32 s30, s10;
	v11 =	vadd.f32 v11, v50;
	v28 =	vadd.f32 v31, v28;
	v50 =	vld [tilespmem:s2+$0x0]  }
0x187: {  	s3 =	sor.u32 s30, s8;
	v1 =	vadd.f32 v10, v1;
	v10 =	vld [tilespmem:s5+$0x0];
	v7 =	vadd.f32 v7, v21  }
0x188: {  	s7 =	sor.u32 s30, s7;
	v26 =	vadd.f32 v26, v36;
	v30 =	vadd.f32 v54, v51;
	v51 =	vld [tilespmem:s3+$0x0]  }
0x189: {  	v11 =	vadd.f32 v15, v11;
	v53 =	vadd.f32 v28, v27;
	v54 =	vld [tilespmem:s7+$0x0]  }
0x18a: {  	v1 =	vadd.f32 v1, v4;
	v5 =	vadd.f32 v2, v5;
	v2 =	vld [tilespmem:s11+$0x200];
	s11 =	sor.u32 s30, s4  }
0x18b: {  	v3 =	vadd.f32 v3, v57;
	v6 =	vadd.f32 v6, v58;
	s4 =	sor.u32 s30, s9;
	v48 =	vld [tilespmem:s11+$0x0]  }
0x18c: {  	s8 =	sor.u32 s30, s1;
	v0 =	vadd.f32 v0, v61;
	v4 =	vadd.f32 v53, v11;
	v52 =	vld [tilespmem:s4+$0x0]  }
0x18d: {  	s10 =	sor.u32 s30, s18;
	v55 =	vadd.f32 v30, v26;
	v3 =	vadd.f32 v6, v3;
	v6 =	vld [tilespmem:s8+$0x0];
	s11 =	simm.s32 $0x20  }
0x18e: {  	s12 =	sor.u32 s30, s12;
	v11 =	vld [tilespmem:s10+$0x0];
	v57 =	vadd.f32 v63, v62;
	v8 =	vadd.f32 v9, v8;
	s1 =	sand.u32 $0x380, s11  }
0x18f: {  	v1 =	vadd.f32 v1, v7;
	v7 =	vld [tilespmem:s12+$0x0];
	v3 =	vadd.f32 v3, v55;
	s1 =	sor.u32 s31, s1  }
0x190: {  	v8 =	vadd.f32 v8, v57;
	s9 =	sor.u32 s30, s16;
	v61 =	vadd.f32 v51, v50;
	v9 =	vld [tilespmem:s1+$0x10080]  }
0x191: {  	s13 =	sor.u32 s30, s13;
	v56 =	vld [tilespmem:s9+$0x0];
	v3 =	vadd.f32 v3, v4;
	v4 =	vadd.f32 v42, v2  }
0x192: {  	v58 =	vld [tilespmem:s13+$0x0];
	s16 =	sor.u32 s30, s15;
	v10 =	vadd.f32 v10, v52;
	v63 =	vadd.f32 v6, v54  }
0x193: {  	s18 =	sor.u32 s30, s19;
	v59 =	vld [tilespmem:s16+$0x0];
	v1 =	vadd.f32 v3, v1;
	v3 =	vadd.f32 v49, v48  }
0x194: {  	s21 =	sor.u32 s30, s21;
	v2 =	vld [tilespmem:s18+$0x0];
	v62 =	vadd.f32 v17, v4;
	v10 =	vadd.f32 v10, v61  }
0x195: {  	s19 =	sor.u32 s30, s6;
	v6 =	vld [tilespmem:s21+$0x0];
	v1 =	vadd.f32 v1, v9;
	v9 =	vadd.f32 v3, v13  }
0x196: {  	s20 =	sor.u32 s30, s20;
	v11 =	vadd.f32 v11, v56;
	v4 =	vld [tilespmem:s19+$0x0]  }
0x197: {  	[tilespmem:s26+$0x10080] =	vst v0;
	s26 =	sor.u32 s30, s22;
	v3 =	vld [tilespmem:s20+$0x0];
	v0 =	vadd.f32 v62, v8;
	v8 =	vadd.f32 v10, v9  }
0x198: {  	s29 =	simm.s32 $0x2;
	s28 =	sor.u32 s30, s23;
	s10 =	sor.u32 s30, s25;
	[tilespmem:s14+$0x0] =	vst v5;
	v5 =	vadd.f32 v11, v63;
	v9 =	vadd.f32 v58, v7;
	v7 =	vld [tilespmem:s26+$0x0]  }
0x199: {  	s11 =	sor.u32 s30, s24;
	s30 =	simm.s32 $0x200;
	s31 =	simm.s32 $0x40;
	v11 =	vadd.f32 v60, v59;
	[tilespmem:s1+$0x10080] =	vst v1;
	v10 =	vld [tilespmem:s28+$0x0];
	v8 =	vadd.f32 v8, v0  }
.LBB2_7:
0x19a: {  	s13 =	sand.u32 $0x60, s31;
	s18 =	sand.u32 $0x1C00, s30  }
0x19b: {  	v0 =	vld [tilespmem:s10+$0x0];
	s14 =	sadd.s32 $0x20, s14;
	s2 =	sor.u32 $0x10, s13;
	s22 =	sor.u32 $0xA080, s18  }
0x19c: {  	v12 =	vld [tilespmem:s14+$0x0];
	s26 =	sor.u32 $0xA180, s18;
	s25 =	sor.u32 s2, s22  }
0x19d: {  	s9 =	sor.u32 $0xA300, s18;
	s7 =	sor.u32 s2, s26;
	v13 =	vld [tilespmem:s25+$0x0]  }
0x19e: {  	s1 =	sor.u32 $0x8000, s18;
	s3 =	sor.u32 $0xA000, s18;
	s12 =	sor.u32 s2, s9;
	v14 =	vld [tilespmem:s7+$0x0]  }
0x19f: {  	s24 =	sor.u32 $0xA100, s18;
	s15 =	sor.u32 $0xC000, s18;
	s19 =	sor.u32 $0xC100, s18;
	v49 =	vld [tilespmem:s12+$0x0]  }
0x1a0: {  	s0 =	sor.u32 s13, s1;
	s1 =	sor.u32 s2, s1;
	s4 =	sor.u32 s13, s3;
	v1 =	vadd.f32 v4, v2;
	v2 =	vadd.f32 v11, v9;
	v9 =	vld [tilespmem:s11+$0x0]  }
0x1a1: {  	s23 =	sor.u32 s2, s3;
	s21 =	sor.u32 s13, s22;
	s22 =	sor.u32 s13, s24;
	v4 =	vadd.f32 v6, v3;
	v3 =	vld [tilespmem:s1+$0x80]  }
0x1a2: {  	s28 =	sor.u32 s2, s24;
	s5 =	sor.u32 s13, s26;
	s17 =	sor.u32 s2, s15;
	v6 =	vld [tilespmem:s1+$0x180]  }
0x1a3: {  	s24 =	sor.u32 $0xC180, s18;
	[dreg:$0x5] =	wrdreg s5;
	s25 =	sor.u32 s2, s19;
	v10 =	vadd.f32 v10, v7;
	v7 =	vld [tilespmem:s1+$0x280]  }
0x1a4: {  	s5 =	sor.u32 $0xA280, s18;
	s12 =	sor.u32 s13, s15;
	s26 =	sor.u32 s2, s24;
	v18 =	vld [tilespmem:s25+$0x0]  }
0x1a5: {  	s15 =	sor.u32 s13, s19;
	s7 =	sor.u32 $0xC200, s18;
	s10 =	sor.u32 s2, s5;
	v19 =	vld [tilespmem:s26+$0x0]  }
0x1a6: {  	s19 =	sor.u32 $0xC380, s18;
	s3 =	sor.u32 s13, s7;
	s7 =	sor.u32 s2, s7;
	v15 =	vld [tilespmem:s10+$0x0]  }
0x1a7: {  	s26 =	sor.u32 s2, s19;
	v20 =	vld [tilespmem:s7+$0x0]  }
0x1a8: {  	v23 =	vld [tilespmem:s26+$0x0]  }
0x1a9: {  	v11 =	vadd.f32 v2, v5;
	v2 =	vld [tilespmem:s1+$0x0]  }
0x1aa: {  	s11 =	sor.u32 $0xA380, s18;
	v1 =	vadd.f32 v4, v1;
	v4 =	vld [tilespmem:s1+$0x100]  }
0x1ab: {  	s16 =	sor.u32 s2, s11;
	v5 =	vld [tilespmem:s1+$0x200];
	v0 =	vadd.f32 v9, v0  }
0x1ac: {  	v16 =	vld [tilespmem:s16+$0x0]  }
0x1ad: {  	s6 =	sor.u32 $0xA200, s18;
	v9 =	vld [tilespmem:s1+$0x300];
	v0 =	vadd.f32 v0, v10  }
0x1ae: {  	s20 =	sor.u32 s13, s6;
	s8 =	sor.u32 s2, s6;
	s6 =	sor.u32 $0xC080, s18;
	v10 =	vld [tilespmem:s1+$0x380]  }
0x1af: {  	[dreg:$0x7] =	wrdreg s4;
	v0 =	vadd.f32 v0, v1;
	v1 =	vld [tilespmem:s23+$0x0];
	s23 =	sor.u32 s2, s6  }
0x1b0: {  	s4 =	sor.u32 s13, s5;
	s5 =	sor.u32 s13, s6;
	s10 =	sor.u32 $0xC300, s18;
	v17 =	vld [tilespmem:s23+$0x0]  }
0x1b1: {  	s25 =	sor.u32 $0xE000, s18;
	s23 =	sor.u32 s13, s24;
	s24 =	sor.u32 s2, s10;
	v0 =	vadd.f32 v0, v11;
	v11 =	vld [tilespmem:s28+$0x0]  }
0x1b2: {  	s7 =	sor.u32 s13, s19;
	s28 =	sor.u32 $0xC280, s18;
	v22 =	vld [tilespmem:s24+$0x0];
	s24 =	sor.u32 s2, s25  }
0x1b3: {  	s19 =	sor.u32 s13, s25;
	s25 =	sor.u32 $0xE100, s18;
	s16 =	sor.u32 s13, s28;
	v24 =	vld [tilespmem:s24+$0x0]  }
0x1b4: {  	s24 =	sor.u32 s13, s25;
	s25 =	sor.u32 s2, s25;
	v0 =	vadd.f32 v0, v8;
	v8 =	vld [tilespmem:s8+$0x0];
	s8 =	sor.u32 s13, s9  }
0x1b5: {  	s9 =	sor.u32 s13, s11;
	s11 =	sor.u32 s2, s28;
	s28 =	sor.u32 $0xE080, s18;
	v26 =	vld [tilespmem:s25+$0x0]  }
0x1b6: {  	v21 =	vld [tilespmem:s11+$0x0];
	s6 =	sor.u32 s13, s28;
	s26 =	sor.u32 s2, s28;
	s28 =	sor.u32 $0xE180, s18  }
0x1b7: {  	s11 =	sor.u32 $0xE280, s18;
	v25 =	vld [tilespmem:s26+$0x0];
	s26 =	sor.u32 s13, s28;
	s28 =	sor.u32 s2, s28  }
0x1b8: {  	v0 =	vadd.f32 v0, v12;
	s1 =	sor.u32 s13, s11;
	s11 =	sor.u32 s2, s11;
	v27 =	vld [tilespmem:s28+$0x0]  }
0x1b9: {  	v29 =	vld [tilespmem:s11+$0x0]  }
0x1ba: {  	v2 =	vadd.f32 v3, v2;
	[tilespmem:s14+$0x0] =	vst v0;
	v0 =	vld [tilespmem:s17+$0x0]  }
0x1bb: {  	v3 =	vadd.f32 v6, v4;
	v6 =	vadd.f32 v10, v9;
	v10 =	vld [tilespmem:s0+$0x0]  }
0x1bc: {  	v50 =	vld [tilespmem:s0+$0x80]  }
0x1bd: {  	v52 =	vld [tilespmem:s0+$0x100]  }
0x1be: {  	v5 =	vadd.f32 v7, v5;
	s17 =	sor.u32 s13, s10;
	s10 =	sor.u32 $0xE200, s18;
	v55 =	vld [tilespmem:s0+$0x180]  }
0x1bf: {  	v51 =	vadd.f32 v19, v18;
	v2 =	vadd.f32 v3, v2;
	s28 =	sor.u32 $0xE300, s18;
	s25 =	sor.u32 s13, s10;
	s10 =	sor.u32 s2, s10;
	v58 =	vld [tilespmem:s0+$0x200]  }
0x1c0: {  	v1 =	vadd.f32 v13, v1;
	v3 =	vadd.f32 v6, v5;
	s18 =	sor.u32 $0xE380, s18;
	v28 =	vld [tilespmem:s10+$0x0];
	s10 =	sor.u32 s13, s28;
	s28 =	sor.u32 s2, s28  }
0x1c1: {  	v9 =	vadd.f32 v14, v11;
	v11 =	vadd.f32 v16, v49;
	v4 =	vld [tilespmem:s28+$0x0];
	s28 =	sor.u32 s2, s18  }
0x1c2: {  	v54 =	vadd.f32 v23, v22;
	v2 =	vadd.f32 v3, v2;
	v7 =	vld [tilespmem:s28+$0x0]  }
0x1c3: {  	v8 =	vadd.f32 v15, v8;
	v5 =	vld [tilespmem:s0+$0x300];
	v1 =	vadd.f32 v9, v1  }
0x1c4: {  	v61 =	vld [tilespmem:s21+$0x0];
	v53 =	vadd.f32 v21, v20;
	v56 =	vadd.f32 v25, v24  }
0x1c5: {  	v3 =	vld [tilespmem:s22+$0x0];
	v6 =	vadd.f32 v11, v8;
	v57 =	vadd.f32 v27, v26  }
0x1c6: {  	s11 =	sor.u32 s13, s18;
	v8 =	vld [tilespmem:s0+$0x380];
	s18 =	rddreg [dreg:$0x7];
	v9 =	vadd.f32 v54, v53;
	v0 =	vadd.f32 v17, v0  }
0x1c7: {  	v11 =	vld [tilespmem:s18+$0x0];
	v59 =	vadd.f32 v29, v28;
	v4 =	vadd.f32 v7, v4  }
0x1c8: {  	v63 =	vld [tilespmem:s7+$0x0];
	v1 =	vadd.f32 v6, v1;
	v60 =	vadd.f32 v57, v56  }
0x1c9: {  	s28 =	rddreg [dreg:$0x5];
	v0 =	vadd.f32 v51, v0;
	v7 =	vld [tilespmem:s0+$0x280];
	v4 =	vadd.f32 v4, v59  }
0x1ca: {  	v62 =	vld [tilespmem:s28+$0x0];
	v1 =	vadd.f32 v1, v2  }
0x1cb: {  	s21 =	sand.u32 $0x380, s31;
	v2 =	vld [tilespmem:s20+$0x0];
	v0 =	vadd.f32 v9, v0;
	v4 =	vadd.f32 v4, v60  }
0x1cc: {  	v5 =	vadd.f32 v8, v5;
	s0 =	sor.u32 s2, s21;
	v8 =	vadd.f32 v61, v11;
	v11 =	vld [tilespmem:s17+$0x0]  }
0x1cd: {  	v6 =	vadd.f32 v50, v10;
	v10 =	vld [tilespmem:s0+$0x10080];
	v0 =	vadd.f32 v4, v0  }
0x1ce: {  	v9 =	vadd.f32 v55, v52;
	v4 =	vadd.f32 v7, v58;
	v7 =	vld [tilespmem:s4+$0x0]  }
0x1cf: {  	v0 =	vadd.f32 v0, v1;
	v1 =	vld [tilespmem:s8+$0x0]  }
0x1d0: {  	v6 =	vadd.f32 v9, v6;
	v4 =	vadd.f32 v5, v4;
	v5 =	vld [tilespmem:s9+$0x0]  }
0x1d1: {  	v9 =	vld [tilespmem:s12+$0x0]  }
0x1d2: {  	v0 =	vadd.f32 v0, v10;
	v10 =	vadd.f32 v4, v6;
	v4 =	vld [tilespmem:s5+$0x0]  }
0x1d3: {  	v6 =	vld [tilespmem:s23+$0x0]  }
0x1d4: {  	v2 =	vadd.f32 v7, v2;
	v7 =	vld [tilespmem:s3+$0x0]  }
0x1d5: {  	v3 =	vadd.f32 v62, v3;
	[tilespmem:s0+$0x10080] =	vst v0;
	v0 =	vld [tilespmem:s15+$0x0];
	v1 =	vadd.f32 v5, v1  }
0x1d6: {  	s29 =	sadd.s32 $0x2, s29;
	v5 =	vld [tilespmem:s16+$0x0]  }
0x1d7: {  	p0 =	slt.u32 s29, $0x3E;
	v3 =	vadd.f32 v3, v8;
	v1 =	vadd.f32 v1, v2;
	v2 =	vld [tilespmem:s19+$0x0]  }
.Ltmp2:
0x1d8: {  	v8 =	vadd.f32 v4, v9;
	v4 =	vld [tilespmem:s6+$0x0];
	(pc) =	sbr.rel @p0 .LBB2_7-.Ltmp2, $4  }
0x1d9: {  	v1 =	vadd.f32 v1, v3;
	v3 =	vld [tilespmem:s24+$0x0]  }
0x1da: {  	v0 =	vadd.f32 v6, v0;
	v6 =	vld [tilespmem:s26+$0x0]  }
0x1db: {  	v11 =	vadd.f32 v63, v11;
	v9 =	vadd.f32 v5, v7;
	v7 =	vld [tilespmem:s25+$0x0]  }
0x1dc: {  	s30 =	sadd.s32 $0x100, s30;
	s31 =	sadd.s32 $0x20, s31;
	v5 =	vadd.f32 v0, v8;
	v8 =	vadd.f32 v1, v10;
	v10 =	vld [tilespmem:s1+$0x0]  }
0x1dd: {  	v0 =	vld [tilespmem:s10+$0x0]  }
0x1de: {  	v1 =	vld [tilespmem:s11+$0x0];
	_ =	sdelay $0x3  }
0x1df: {  	v2 =	vadd.f32 v4, v2;
	v3 =	vadd.f32 v6, v3  }
0x1e0: {  	v61 =	vadd.f32 v10, v7;
	v0 =	vadd.f32 v1, v0  }
0x1e1: {  	v62 =	vadd.f32 v11, v9  }
0x1e2: {  	v2 =	vadd.f32 v3, v2;
	v0 =	vadd.f32 v0, v61;
	_ =	sdelay $0x1  }
0x1e3: {  	s0 =	sadd.s32 $0x20, s14;
	v1 =	vadd.f32 v62, v5;
	v0 =	vadd.f32 v0, v2  }
0x1e4: {  	v63 =	vld [tilespmem:s0+$0x0]  }
0x1e5: {  	s1 =	rddreg [dreg:$0x11];
	v0 =	vadd.f32 v0, v1  }
0x1e6: {  	s2 =	rddreg [dreg:$0x16]  }
0x1e7: {  	s1 =	sadd.s32 s2, s1;
	v0 =	vadd.f32 v0, v8  }
0x1e8: {  	s26 =	rddreg [dreg:$0xd];
	s1 =	sshll.u32 s1, $0xB  }
0x1e9: {  	s1 =	sor.u32 s26, s1;
	v0 =	vadd.f32 v0, v63  }
0x1ea: {  	s28 =	rddreg [dreg:$0x0];
	s29 =	simm.s32 $0x2000;
	s1 =	sshrl.u32 s1, $0x3  }
0x1eb: {  	s30 =	simm.s32 $0x4000;
	s3 =	simm.s32 $0x8000;
	[tilespmem:s0+$0x0] =	vst v0;
	s0 =	sadd.s32 s28, s1  }
0x1ec: {  	[tilespmem:s3], [sflag:$0x2] =	stream.strided.gather [hbm4b:s0+s29], $0x8000, s30, s29, $0x38;
	[tilespmem:$0x10480] =	vst v63  }
0x1ed: {  	s31 =	rddreg [dreg:$0x15]  }
0x1ee: {  	s0 =	sadd.s32 $0x1, s31  }
0x1ef: {  	p0 =	sne.s32 s0, $0x7  }
.Ltmp3:
0x1f0: {  	_ = 	snop;
	(pc) =	sbr.rel @p0 .LBB2_4-.Ltmp3, $2  }
0x1f1: {  	_ =	sdelay $0x2  }
0x1f2: {  	[dreg:$0x15] =	wrdreg s0  }
0x1f3: {  	s25 =	simm.s32 $0x0;
	s2 =	simm.s32 $0x1  }
0x1f4: {  	_ =	swait.ge [sflag:s2], $0x8000;
	s0 =	sand.u32 $0x60, s25  }
0x1f5: {  	s1 =	sand.u32 $0x1C00, s25;
	[sflag:s2] =	ssyncset.done $0x0;
	s26 =	sor.u32 $0x10, s0  }
0x1f6: {  	[sflag:s2] =	ssyncadd.s32 $0xFFFF8000;
	s4 =	sor.u32 s26, s1  }
0x1f7: {  	v0 =	vld [tilespmem:s4+$0x0];
	_ =	sdelay $0x4  }
0x1f8: {  	[tilespmem:$0x1FEB0] =	vst v0  }
0x1f9: {  	v10 =	vld [tilespmem:s4+$0x80]  }
0x1fa: {  	v11 =	vld [tilespmem:s4+$0x100]  }
0x1fb: {  	v13 =	vld [tilespmem:s4+$0x180]  }
0x1fc: {  	v9 =	vld [tilespmem:s4+$0x200]  }
0x1fd: {  	v12 =	vld [tilespmem:s4+$0x280]  }
0x1fe: {  	s2 =	sor.u32 $0x2000, s1;
	v14 =	vld [tilespmem:s4+$0x300]  }
0x1ff: {  	s3 =	sor.u32 $0x2080, s1;
	s5 =	sor.u32 s26, s2;
	v16 =	vld [tilespmem:s4+$0x380]  }
0x200: {  	s15 =	sor.u32 $0x4200, s1;
	s6 =	sor.u32 s26, s3;
	v15 =	vld [tilespmem:s5+$0x0]  }
0x201: {  	s16 =	sor.u32 $0x4280, s1;
	s20 =	sor.u32 s26, s15;
	v17 =	vld [tilespmem:s6+$0x0]  }
0x202: {  	s17 =	sor.u32 $0x4300, s1;
	s21 =	sor.u32 s26, s16;
	v51 =	vld [tilespmem:s20+$0x0]  }
0x203: {  	s22 =	sor.u32 s26, s17;
	v52 =	vld [tilespmem:s21+$0x0]  }
0x204: {  	s2 =	sor.u32 s0, s2;
	s4 =	sor.u32 $0x2100, s1;
	v53 =	vld [tilespmem:s22+$0x0]  }
0x205: {  	s5 =	sor.u32 $0x2180, s1;
	v21 =	vld [tilespmem:s2+$0x0];
	s7 =	sor.u32 s26, s4  }
0x206: {  	s6 =	sor.u32 $0x2200, s1;
	s8 =	sor.u32 s26, s5;
	v18 =	vld [tilespmem:s7+$0x0]  }
0x207: {  	s20 =	sor.u32 $0x6080, s1;
	s9 =	sor.u32 s26, s6;
	v20 =	vld [tilespmem:s8+$0x0]  }
0x208: {  	s21 =	sor.u32 $0x6100, s1;
	s30 =	sor.u32 s26, s20;
	v19 =	vld [tilespmem:s9+$0x0]  }
0x209: {  	s31 =	sor.u32 s26, s21;
	v56 =	vld [tilespmem:s30+$0x0]  }
0x20a: {  	v57 =	vld [tilespmem:s31+$0x0];
	s31 =	sor.u32 s0, s3  }
0x20b: {  	s3 =	sor.u32 s0, s4;
	v23 =	vld [tilespmem:s31+$0x0]  }
0x20c: {  	s4 =	sor.u32 s0, s5;
	v25 =	vld [tilespmem:s3+$0x0]  }
0x20d: {  	s7 =	sor.u32 $0x2280, s1;
	s5 =	sor.u32 s0, s6;
	v33 =	vld [tilespmem:s4+$0x0]  }
0x20e: {  	s8 =	sor.u32 $0x2300, s1;
	s10 =	sor.u32 s26, s7;
	v26 =	vld [tilespmem:s5+$0x0]  }
0x20f: {  	s9 =	sor.u32 $0x2380, s1;
	s11 =	sor.u32 s26, s8;
	v22 =	vld [tilespmem:s10+$0x0]  }
0x210: {  	s30 =	sor.u32 $0x6300, s1;
	s12 =	sor.u32 s26, s9;
	v24 =	vld [tilespmem:s11+$0x0]  }
0x211: {  	s29 =	sor.u32 s26, s30;
	v32 =	vld [tilespmem:s12+$0x0]  }
0x212: {  	s6 =	sor.u32 s0, s7;
	v61 =	vld [tilespmem:s29+$0x0]  }
0x213: {  	s7 =	sor.u32 s0, s8;
	v34 =	vld [tilespmem:s6+$0x0]  }
0x214: {  	s8 =	sor.u32 s0, s9;
	v37 =	vld [tilespmem:s7+$0x0]  }
0x215: {  	s30 =	sor.u32 s0, s30;
	s10 =	sor.u32 $0x4000, s1;
	v63 =	vld [tilespmem:s8+$0x0]  }
0x216: {  	s11 =	sor.u32 $0x4080, s1;
	v47 =	vld [tilespmem:s30+$0x0];
	s13 =	sor.u32 s26, s10  }
0x217: {  	s12 =	sor.u32 $0x4100, s1;
	s14 =	sor.u32 s26, s11;
	v27 =	vld [tilespmem:s13+$0x0]  }
0x218: {  	s18 =	sor.u32 s26, s12;
	v44 =	vld [tilespmem:s14+$0x0]  }
0x219: {  	s9 =	sor.u32 s0, s10;
	v5 =	vld [tilespmem:s18+$0x0]  }
0x21a: {  	s10 =	sor.u32 s0, s11;
	v38 =	vld [tilespmem:s9+$0x0]  }
0x21b: {  	s11 =	sor.u32 s0, s12;
	s13 =	sor.u32 $0x4180, s1;
	v6 =	vld [tilespmem:s10+$0x0]  }
0x21c: {  	s18 =	sor.u32 $0x4380, s1;
	v28 =	vld [tilespmem:s11+$0x0];
	s19 =	sor.u32 s26, s13  }
0x21d: {  	s14 =	sor.u32 $0x6280, s1;
	s23 =	sor.u32 s26, s18;
	v1 =	vld [tilespmem:s19+$0x0]  }
0x21e: {  	s28 =	sor.u32 s26, s14;
	v54 =	vld [tilespmem:s23+$0x0]  }
0x21f: {  	s12 =	sor.u32 s0, s13;
	v60 =	vld [tilespmem:s28+$0x0]  }
0x220: {  	s13 =	sor.u32 s0, s15;
	v39 =	vld [tilespmem:s12+$0x0]  }
0x221: {  	s15 =	sor.u32 s0, s16;
	v29 =	vld [tilespmem:s13+$0x0]  }
0x222: {  	s16 =	sor.u32 s0, s17;
	v40 =	vld [tilespmem:s15+$0x0]  }
0x223: {  	s17 =	sor.u32 s0, s18;
	s19 =	sor.u32 $0x6000, s1;
	v45 =	vld [tilespmem:s16+$0x0]  }
0x224: {  	s28 =	sor.u32 $0x6380, s1;
	v2 =	vld [tilespmem:s17+$0x0];
	s24 =	sor.u32 s26, s19  }
0x225: {  	s29 =	sor.u32 s26, s28;
	v55 =	vld [tilespmem:s24+$0x0]  }
0x226: {  	s18 =	sor.u32 s0, s19;
	v62 =	vld [tilespmem:s29+$0x0]  }
0x227: {  	s19 =	sor.u32 s0, s20;
	v35 =	vld [tilespmem:s18+$0x0]  }
0x228: {  	s22 =	sor.u32 $0x6180, s1;
	s20 =	sor.u32 s0, s21;
	v46 =	vld [tilespmem:s19+$0x0]  }
0x229: {  	s21 =	sor.u32 s0, s22;
	v30 =	vld [tilespmem:s20+$0x0]  }
0x22a: {  	s31 =	sor.u32 s0, s28;
	v41 =	vld [tilespmem:s21+$0x0]  }
0x22b: {  	s23 =	sor.u32 $0x6200, s1;
	s24 =	sor.u32 s26, s22;
	v3 =	vld [tilespmem:s31+$0x0]  }
0x22c: {  	s22 =	sor.u32 s0, s23;
	v58 =	vld [tilespmem:s24+$0x0]  }
0x22d: {  	s24 =	sor.u32 s26, s23;
	v31 =	vld [tilespmem:s22+$0x0]  }
0x22e: {  	s23 =	sor.u32 s0, s14;
	v59 =	vld [tilespmem:s24+$0x0]  }
0x22f: {  	s4 =	simm.s32 $0x20;
	s0 =	sor.u32 s0, s1;
	v42 =	vld [tilespmem:s23+$0x0]  }
0x230: {  	s28 =	sand.u32 $0x60, s4;
	v43 =	vld [tilespmem:s0+$0x0];
	s24 =	simm.s32 $0x100  }
0x231: {  	s2 =	sor.u32 $0x10, s28;
	v48 =	vld [tilespmem:s0+$0x80];
	s29 =	sand.u32 $0x1C00, s24  }
0x232: {  	v49 =	vld [tilespmem:s0+$0x100];
	s5 =	sor.u32 s2, s29  }
0x233: {  	v8 =	vld [tilespmem:s5+$0x0]  }
0x234: {  	v7 =	vld [tilespmem:s0+$0x180]  }
0x235: {  	v36 =	vld [tilespmem:s0+$0x200]  }
0x236: {  	v50 =	vld [tilespmem:s0+$0x280]  }
0x237: {  	v4 =	vld [tilespmem:s0+$0x300]  }
0x238: {  	v0 =	vld [tilespmem:s0+$0x380];
	[tilespmem:$0x1FEC0] =	vst v8  }
0x239: {  	v8 =	vld [tilespmem:s5+$0x80];
	_ =	sdelay $0x4  }
0x23a: {  	[tilespmem:$0x1FED0] =	vst v8  }
0x23b: {  	v8 =	vld [tilespmem:s5+$0x100];
	_ =	sdelay $0x4  }
0x23c: {  	[tilespmem:$0x1FEE0] =	vst v8  }
0x23d: {  	v8 =	vld [tilespmem:s5+$0x180];
	_ =	sdelay $0x4  }
0x23e: {  	[tilespmem:$0x1FEF0] =	vst v8  }
0x23f: {  	v8 =	vld [tilespmem:s5+$0x200]  }
0x240: {  	v17 =	vadd.f32 v17, v15  }
0x241: {  	v24 =	vadd.f32 v32, v24;
	v32 =	vadd.f32 v52, v51  }
0x242: {  	v27 =	vadd.f32 v44, v27;
	v44 =	vadd.f32 v54, v53  }
0x243: {  	v51 =	vadd.f32 v56, v55;
	v62 =	vadd.f32 v62, v61  }
0x244: {  	v52 =	vadd.f32 v58, v57;
	v53 =	vadd.f32 v60, v59;
	[tilespmem:$0x1FF00] =	vst v8  }
0x245: {  	v20 =	vadd.f32 v20, v18;
	v29 =	vadd.f32 v40, v29;
	v8 =	vld [tilespmem:s5+$0x280]  }
0x246: {  	v60 =	vadd.f32 v52, v51;
	v61 =	vadd.f32 v62, v53;
	v40 =	vld [tilespmem:$0x1FED0]  }
0x247: {  	v57 =	vadd.f32 v20, v17;
	v31 =	vadd.f32 v42, v31;
	v42 =	vld [tilespmem:$0x1FEE0]  }
0x248: {  	v17 =	vadd.f32 v61, v60;
	v61 =	vadd.f32 v48, v43;
	v43 =	vld [tilespmem:$0x1FEF0]  }
0x249: {  	v2 =	vadd.f32 v2, v45;
	v45 =	vld [tilespmem:$0x1FF00]  }
0x24a: {  	s6 =	sor.u32 $0x2000, s29;
	[tilespmem:$0x1FF10] =	vst v8;
	v8 =	vld [tilespmem:$0x1FEB0]  }
0x24b: {  	v12 =	vadd.f32 v12, v9;
	s0 =	sor.u32 $0x2080, s29;
	s7 =	sor.u32 s2, s6;
	v9 =	vld [tilespmem:s5+$0x380]  }
0x24c: {  	s1 =	sor.u32 $0x2100, s29;
	s8 =	sor.u32 s2, s0;
	v18 =	vld [tilespmem:s7+$0x0]  }
0x24d: {  	v22 =	vadd.f32 v22, v19;
	s3 =	sor.u32 $0x2180, s29;
	s9 =	sor.u32 s2, s1;
	v19 =	vld [tilespmem:s8+$0x0]  }
0x24e: {  	v5 =	vadd.f32 v1, v5;
	s4 =	sor.u32 $0x2200, s29;
	s10 =	sor.u32 s2, s3;
	v1 =	vld [tilespmem:s9+$0x0]  }
0x24f: {  	v11 =	vadd.f32 v13, v11;
	s11 =	sor.u32 s2, s4;
	v13 =	vld [tilespmem:s10+$0x0]  }
0x250: {  	v16 =	vadd.f32 v16, v14;
	v14 =	vld [tilespmem:s11+$0x0];
	s8 =	sor.u32 $0x2380, s29  }
0x251: {  	v56 =	vadd.f32 v46, v35;
	s9 =	sor.u32 $0x4000, s29;
	v46 =	vld [tilespmem:$0x1FF10];
	s14 =	sor.u32 s2, s8  }
0x252: {  	s10 =	sor.u32 $0x4080, s29;
	s15 =	sor.u32 s2, s9;
	v20 =	vld [tilespmem:s14+$0x0]  }
0x253: {  	v58 =	vadd.f32 v24, v22;
	s16 =	sor.u32 s2, s10;
	v24 =	vld [tilespmem:s15+$0x0]  }
0x254: {  	v59 =	vadd.f32 v44, v32;
	v44 =	vld [tilespmem:s16+$0x0];
	s14 =	sor.u32 $0x4280, s29  }
0x255: {  	s15 =	sor.u32 $0x4300, s29;
	s20 =	sor.u32 s2, s14;
	v10 =	vadd.f32 v10, v8;
	v8 =	vld [tilespmem:s5+$0x300]  }
0x256: {  	s16 =	sor.u32 $0x4380, s29;
	s21 =	sor.u32 s2, s15;
	v51 =	vld [tilespmem:s20+$0x0]  }
0x257: {  	v21 =	vadd.f32 v23, v21;
	s22 =	sor.u32 s2, s16;
	s5 =	sor.u32 $0x2280, s29;
	v23 =	vld [tilespmem:s21+$0x0]  }
0x258: {  	s7 =	sor.u32 $0x2300, s29;
	v53 =	vld [tilespmem:s22+$0x0];
	s12 =	sor.u32 s2, s5  }
0x259: {  	s11 =	sor.u32 $0x4100, s29;
	s13 =	sor.u32 s2, s7;
	v15 =	vld [tilespmem:s12+$0x0]  }
0x25a: {  	s17 =	sor.u32 s2, s11;
	v10 =	vadd.f32 v11, v10;
	v11 =	vadd.f32 v16, v12;
	v12 =	vld [tilespmem:s13+$0x0];
	s12 =	sor.u32 $0x4180, s29  }
0x25b: {  	v26 =	vadd.f32 v34, v26;
	s13 =	sor.u32 $0x4200, s29;
	v16 =	vld [tilespmem:s17+$0x0];
	s18 =	sor.u32 s2, s12  }
0x25c: {  	v37 =	vadd.f32 v63, v37;
	v5 =	vadd.f32 v5, v27;
	s17 =	sor.u32 $0x6000, s29;
	s19 =	sor.u32 s2, s13;
	v22 =	vld [tilespmem:s18+$0x0]  }
0x25d: {  	v7 =	vadd.f32 v7, v49;
	v62 =	vadd.f32 v33, v25;
	s21 =	sor.u32 $0x6100, s29;
	s23 =	sor.u32 s2, s17;
	v25 =	vld [tilespmem:s19+$0x0]  }
0x25e: {  	v36 =	vadd.f32 v50, v36;
	v0 =	vadd.f32 v0, v4;
	s31 =	sor.u32 s2, s21;
	s18 =	sor.u32 $0x6080, s29;
	v54 =	vld [tilespmem:s23+$0x0]  }
0x25f: {  	v10 =	vadd.f32 v11, v10;
	v11 =	vadd.f32 v58, v57;
	s23 =	sor.u32 $0x6180, s29;
	v57 =	vld [tilespmem:s31+$0x0];
	s30 =	sor.u32 s2, s18  }
0x260: {  	v6 =	vadd.f32 v6, v38;
	v5 =	vadd.f32 v59, v5;
	s31 =	sor.u32 $0x6200, s29;
	s20 =	sor.u32 s2, s23;
	v55 =	vld [tilespmem:s30+$0x0]  }
0x261: {  	v0 =	vadd.f32 v0, v36;
	v7 =	vadd.f32 v7, v61;
	s22 =	sor.u32 s2, s31;
	v59 =	vld [tilespmem:s20+$0x0]  }
0x262: {  	v3 =	vadd.f32 v3, v47;
	s0 =	sor.u32 s28, s0;
	v52 =	vadd.f32 v39, v28;
	s19 =	sor.u32 $0x6280, s29;
	v60 =	vld [tilespmem:s22+$0x0]  }
0x263: {  	v0 =	vadd.f32 v0, v7;
	s20 =	sor.u32 $0x6300, s29;
	s30 =	sor.u32 s2, s19;
	v7 =	vadd.f32 v11, v10;
	v11 =	vld [tilespmem:s0+$0x0]  }
0x264: {  	v21 =	vadd.f32 v62, v21;
	v58 =	vadd.f32 v41, v30;
	s22 =	sor.u32 $0x6380, s29;
	v62 =	vld [tilespmem:s30+$0x0];
	s30 =	sor.u32 s2, s20  }
0x265: {  	v2 =	vadd.f32 v2, v29;
	v3 =	vadd.f32 v3, v31;
	v4 =	vld [tilespmem:s30+$0x0];
	s30 =	sor.u32 s2, s22  }
0x266: {  	s25 =	sand.u32 $0x380, s25;
	v6 =	vadd.f32 v52, v6;
	v27 =	vadd.f32 v58, v56;
	v63 =	vld [tilespmem:s30+$0x0];
	s30 =	sor.u32 s28, s6  }
0x267: {  	v26 =	vadd.f32 v37, v26;
	s6 =	sor.u32 s26, s25;
	v38 =	vld [tilespmem:s30+$0x0]  }
0x268: {  	v2 =	vadd.f32 v2, v6;
	v3 =	vadd.f32 v3, v27;
	s25 =	simm.s32 $0x10080;
	v6 =	vld [tilespmem:s6+$0x10080]  }
0x269: {  	s26 =	sor.u32 s28, s1;
	v10 =	vld [tilespmem:s25+$0x0]  }
0x26a: {  	v21 =	vadd.f32 v26, v21;
	s1 =	sor.u32 s28, s4;
	s4 =	sor.u32 s28, s7;
	v2 =	vadd.f32 v3, v2;
	v3 =	vld [tilespmem:s26+$0x0]  }
0x26b: {  	v5 =	vadd.f32 v17, v5;
	s7 =	sor.u32 s28, s9;
	v41 =	vld [tilespmem:s4+$0x0]  }
0x26c: {  	v0 =	vadd.f32 v21, v0;
	v21 =	vadd.f32 v43, v42;
	s9 =	sor.u32 s28, s11;
	v48 =	vld [tilespmem:s7+$0x0]  }
0x26d: {  	v26 =	vadd.f32 v46, v45;
	v1 =	vadd.f32 v13, v1;
	s11 =	sor.u32 s28, s13;
	s13 =	sor.u32 s28, s15;
	v49 =	vld [tilespmem:s9+$0x0]  }
0x26e: {  	v8 =	vadd.f32 v9, v8;
	v23 =	vadd.f32 v53, v23;
	s15 =	sor.u32 s28, s17;
	s17 =	sor.u32 s28, s21;
	s21 =	sor.u32 s28, s31;
	v53 =	vld [tilespmem:s11+$0x0]  }
0x26f: {  	v9 =	vadd.f32 v19, v18;
	v13 =	vadd.f32 v15, v14;
	s30 =	sor.u32 s28, s3;
	v61 =	vld [tilespmem:s21+$0x0]  }
0x270: {  	v12 =	vadd.f32 v20, v12;
	v5 =	vadd.f32 v5, v7;
	s3 =	sor.u32 s28, s5;
	s5 =	sor.u32 s28, s8;
	v7 =	vld [tilespmem:s30+$0x0]  }
0x271: {  	v15 =	vadd.f32 v44, v24;
	v8 =	vadd.f32 v8, v26;
	s8 =	sor.u32 s28, s10;
	v47 =	vld [tilespmem:s5+$0x0]  }
0x272: {  	v1 =	vadd.f32 v1, v9;
	s10 =	sor.u32 s28, s12;
	v14 =	vld [tilespmem:s8+$0x0];
	v0 =	vadd.f32 v2, v0  }
0x273: {  	v16 =	vadd.f32 v22, v16;
	v50 =	vadd.f32 v51, v25;
	v51 =	vld [tilespmem:s10+$0x0]  }
0x274: {  	v12 =	vadd.f32 v12, v13;
	s12 =	sor.u32 s28, s14;
	v0 =	vadd.f32 v0, v10;
	v10 =	vld [tilespmem:$0x1FEC0]  }
0x275: {  	v52 =	vadd.f32 v55, v54;
	v54 =	vadd.f32 v59, v57;
	v56 =	vld [tilespmem:s12+$0x0]  }
0x276: {  	s14 =	sor.u32 s28, s16;
	v57 =	vld [tilespmem:s13+$0x0];
	v13 =	vadd.f32 v16, v15;
	v58 =	vadd.f32 v23, v50  }
0x277: {  	v9 =	vld [tilespmem:s14+$0x0];
	v1 =	vadd.f32 v12, v1;
	v55 =	vadd.f32 v62, v60  }
0x278: {  	v2 =	vld [tilespmem:s1+$0x0];
	v59 =	vadd.f32 v54, v52;
	v4 =	vadd.f32 v63, v4  }
0x279: {  	v5 =	vadd.f32 v5, v6;
	v6 =	vld [tilespmem:s3+$0x0];
	v10 =	vadd.f32 v40, v10  }
0x27a: {  	s16 =	sor.u32 s28, s18;
	v15 =	vld [tilespmem:s15+$0x0];
	v12 =	vadd.f32 v58, v13;
	v4 =	vadd.f32 v4, v55  }
0x27b: {  	s31 =	sor.u32 s28, s22;
	s18 =	sor.u32 s28, s23;
	s23 =	simm.s32 $0x20;
	v60 =	vld [tilespmem:s16+$0x0];
	v11 =	vadd.f32 v11, v38;
	v10 =	vadd.f32 v21, v10  }
0x27c: {  	s1 =	sand.u32 $0x380, s23;
	v62 =	vld [tilespmem:s31+$0x0];
	v3 =	vadd.f32 v7, v3;
	v4 =	vadd.f32 v4, v59  }
0x27d: {  	v13 =	vld [tilespmem:s18+$0x0];
	s1 =	sor.u32 s2, s1;
	v63 =	vadd.f32 v56, v53;
	v8 =	vadd.f32 v8, v10  }
0x27e: {  	s26 =	sor.u32 s28, s19;
	v7 =	vld [tilespmem:s1+$0x10080];
	v4 =	vadd.f32 v4, v12;
	v2 =	vadd.f32 v6, v2  }
0x27f: {  	v6 =	vld [tilespmem:s26+$0x0];
	v1 =	vadd.f32 v1, v8;
	v8 =	vadd.f32 v47, v41  }
0x280: {  	s30 =	sor.u32 s28, s20;
	v3 =	vadd.f32 v3, v11;
	v12 =	vadd.f32 v14, v48;
	v10 =	vld [tilespmem:s17+$0x0]  }
0x281: {  	v14 =	vld [tilespmem:s30+$0x0];
	s26 =	sor.u32 s28, s29;
	v1 =	vadd.f32 v4, v1;
	v4 =	vadd.f32 v8, v2  }
0x282: {  	v9 =	vadd.f32 v9, v57;
	v11 =	vadd.f32 v51, v49;
	v2 =	vld [tilespmem:s26+$0x0]  }
0x283: {  	v1 =	vadd.f32 v1, v7;
	v8 =	vadd.f32 v4, v3;
	v7 =	vld [tilespmem:s26+$0x80]  }
0x284: {  	v4 =	vadd.f32 v11, v12;
	v11 =	vadd.f32 v9, v63;
	v3 =	vld [tilespmem:s26+$0x100]  }
0x285: {  	[tilespmem:s6+$0x10080] =	vst v5;
	v10 =	vadd.f32 v13, v10;
	v12 =	vadd.f32 v60, v15;
	v9 =	vld [tilespmem:s26+$0x180]  }
0x286: {  	[tilespmem:s25+$0x0] =	vst v0;
	v5 =	vadd.f32 v11, v4;
	v11 =	vadd.f32 v6, v61;
	v6 =	vld [tilespmem:s26+$0x200]  }
0x287: {  	s28 =	simm.s32 $0x2;
	s29 =	simm.s32 $0x40;
	[tilespmem:s1+$0x10080] =	vst v1;
	v4 =	vadd.f32 v10, v12;
	v12 =	vadd.f32 v62, v14;
	v10 =	vld [tilespmem:s26+$0x280]  }
.LBB2_10:
0x288: {  	s0 =	sand.u32 $0x60, s29;
	v0 =	vld [tilespmem:s26+$0x300];
	s24 =	sadd.s32 $0x100, s24  }
0x289: {  	s25 =	sadd.s32 $0x20, s25;
	s1 =	sand.u32 $0x1C00, s24;
	s2 =	sor.u32 $0x10, s0;
	v1 =	vadd.f32 v7, v2;
	v7 =	vld [tilespmem:s26+$0x380]  }
0x28a: {  	s4 =	sor.u32 s2, s1;
	v2 =	vadd.f32 v12, v11;
	v12 =	vld [tilespmem:s25+$0x0]  }
0x28b: {  	s6 =	sor.u32 $0x2080, s1;
	v9 =	vadd.f32 v9, v3;
	v3 =	vld [tilespmem:s4+$0x80]  }
0x28c: {  	s12 =	sor.u32 $0x2380, s1;
	s17 =	sor.u32 s0, s6;
	s6 =	sor.u32 s2, s6;
	v10 =	vadd.f32 v10, v6;
	v6 =	vld [tilespmem:s4+$0x180]  }
0x28d: {  	s14 =	sor.u32 $0x4000, s1;
	s20 =	sor.u32 $0x4080, s1;
	s19 =	sor.u32 s2, s12;
	v13 =	vld [tilespmem:s6+$0x0]  }
0x28e: {  	s22 =	sor.u32 $0x4100, s1;
	s30 =	sor.u32 $0x4180, s1;
	s23 =	sor.u32 s2, s20;
	v16 =	vld [tilespmem:s19+$0x0]  }
0x28f: {  	s13 =	sor.u32 s0, s14;
	s21 =	sor.u32 s2, s14;
	s14 =	sor.u32 s2, s22;
	v17 =	vld [tilespmem:s23+$0x0]  }
0x290: {  	s8 =	sor.u32 $0x2180, s1;
	s31 =	sor.u32 s2, s30;
	v18 =	vld [tilespmem:s14+$0x0]  }
0x291: {  	s6 =	sor.u32 s0, s8;
	s8 =	sor.u32 s2, s8;
	v19 =	vld [tilespmem:s31+$0x0]  }
0x292: {  	v14 =	vld [tilespmem:s8+$0x0]  }
0x293: {  	s10 =	sor.u32 $0x2280, s1;
	v11 =	vadd.f32 v2, v4;
	v2 =	vld [tilespmem:s4+$0x0];
	v0 =	vadd.f32 v7, v0  }
0x294: {  	s8 =	sor.u32 s0, s10;
	s10 =	sor.u32 s2, s10;
	v4 =	vld [tilespmem:s4+$0x100]  }
0x295: {  	v1 =	vadd.f32 v9, v1;
	v15 =	vld [tilespmem:s10+$0x0];
	v0 =	vadd.f32 v0, v10  }
0x296: {  	v9 =	vadd.f32 v11, v5;
	v5 =	vld [tilespmem:s4+$0x200]  }
0x297: {  	s5 =	sor.u32 $0x2000, s1;
	v11 =	vld [tilespmem:s4+$0x380];
	v0 =	vadd.f32 v0, v1  }
0x298: {  	s7 =	sor.u32 $0x2100, s1;
	s3 =	sor.u32 s0, s5;
	s5 =	sor.u32 s2, s5;
	v7 =	vld [tilespmem:s4+$0x280]  }
0x299: {  	s9 =	sor.u32 $0x2200, s1;
	v1 =	vld [tilespmem:s5+$0x0];
	s5 =	sor.u32 s0, s7;
	s7 =	sor.u32 s2, s7;
	v0 =	vadd.f32 v8, v0  }
0x29a: {  	s11 =	sor.u32 $0x2300, s1;
	v8 =	vld [tilespmem:s7+$0x0];
	s7 =	sor.u32 s0, s9;
	s9 =	sor.u32 s2, s9  }
0x29b: {  	s15 =	sor.u32 $0x4200, s1;
	s18 =	sor.u32 s2, s11;
	v0 =	vadd.f32 v9, v0;
	v9 =	vld [tilespmem:s9+$0x0];
	s9 =	sor.u32 s0, s11  }
0x29c: {  	v10 =	vld [tilespmem:s4+$0x300];
	s11 =	sor.u32 s0, s12;
	s12 =	sor.u32 s0, s15;
	s15 =	sor.u32 s2, s15  }
0x29d: {  	s19 =	sor.u32 $0x4300, s1;
	v20 =	vld [tilespmem:s15+$0x0]  }
0x29e: {  	s15 =	sor.u32 s0, s19;
	s19 =	sor.u32 s2, s19;
	v0 =	vadd.f32 v0, v12;
	v12 =	vld [tilespmem:s18+$0x0]  }
0x29f: {  	s16 =	sor.u32 s0, s20;
	s18 =	sor.u32 $0x4280, s1;
	v22 =	vld [tilespmem:s19+$0x0]  }
0x2a0: {  	s20 =	sor.u32 $0x4380, s1;
	s14 =	sor.u32 s0, s18;
	s18 =	sor.u32 s2, s18;
	[tilespmem:s25+$0x0] =	vst v0;
	v0 =	vld [tilespmem:s21+$0x0]  }
0x2a1: {  	v21 =	vld [tilespmem:s18+$0x0];
	s18 =	sor.u32 s0, s20;
	s20 =	sor.u32 s2, s20  }
0x2a2: {  	v2 =	vadd.f32 v3, v2;
	v23 =	vld [tilespmem:s20+$0x0]  }
0x2a3: {  	v3 =	vadd.f32 v6, v4;
	v8 =	vadd.f32 v14, v8;
	v14 =	vld [tilespmem:s5+$0x0]  }
0x2a4: {  	[dreg:$0xa] =	wrdreg s3;
	v5 =	vadd.f32 v7, v5;
	v6 =	vadd.f32 v11, v10;
	v59 =	vld [tilespmem:s6+$0x0]  }
0x2a5: {  	s26 =	sor.u32 s0, s1;
	[dreg:$0xb] =	wrdreg s17;
	s17 =	sor.u32 s0, s22;
	v1 =	vadd.f32 v13, v1;
	v62 =	vld [tilespmem:s7+$0x0]  }
0x2a6: {  	s22 =	sor.u32 $0x6080, s1;
	s23 =	sor.u32 $0x6100, s1;
	v2 =	vadd.f32 v3, v2;
	v3 =	vadd.f32 v6, v5;
	s21 =	sor.u32 $0x6000, s1;
	v5 =	vld [tilespmem:s9+$0x0]  }
0x2a7: {  	s31 =	sor.u32 $0x6200, s1;
	s19 =	sor.u32 s0, s21;
	s21 =	sor.u32 s2, s21;
	v1 =	vadd.f32 v8, v1;
	v8 =	vld [tilespmem:s11+$0x0]  }
0x2a8: {  	s10 =	sor.u32 s0, s30;
	s20 =	sor.u32 s0, s22;
	s22 =	sor.u32 s2, s22;
	v24 =	vld [tilespmem:s21+$0x0]  }
0x2a9: {  	s30 =	sor.u32 $0x6180, s1;
	s21 =	sor.u32 s0, s23;
	v25 =	vld [tilespmem:s22+$0x0];
	s23 =	sor.u32 s2, s23  }
0x2aa: {  	s4 =	smov.u32 s24;
	s22 =	sor.u32 s0, s30;
	s30 =	sor.u32 s2, s30;
	v26 =	vld [tilespmem:s23+$0x0]  }
0x2ab: {  	s24 =	sor.u32 $0x6280, s1;
	s23 =	sor.u32 s0, s31;
	v27 =	vld [tilespmem:s30+$0x0];
	s31 =	sor.u32 s2, s31  }
0x2ac: {  	s3 =	sor.u32 $0x6300, s1;
	s30 =	sor.u32 s0, s24;
	s24 =	sor.u32 s2, s24;
	v28 =	vld [tilespmem:s31+$0x0]  }
0x2ad: {  	v13 =	vadd.f32 v19, v18;
	s1 =	sor.u32 $0x6380, s1;
	s31 =	sor.u32 s0, s3;
	v29 =	vld [tilespmem:s24+$0x0];
	s3 =	sor.u32 s2, s3  }
0x2ae: {  	v9 =	vadd.f32 v15, v9;
	v11 =	vadd.f32 v16, v12;
	s0 =	sor.u32 s0, s1;
	s1 =	sor.u32 s2, s1;
	v4 =	vld [tilespmem:s3+$0x0]  }
0x2af: {  	v2 =	vadd.f32 v3, v2;
	v7 =	vld [tilespmem:s1+$0x0];
	v0 =	vadd.f32 v17, v0  }
0x2b0: {  	v3 =	vld [tilespmem:s17+$0x0];
	s24 =	smov.u32 s4;
	s4 =	rddreg [dreg:$0xb];
	v15 =	vadd.f32 v21, v20;
	v6 =	vadd.f32 v11, v9  }
0x2b1: {  	s3 =	rddreg [dreg:$0xa];
	v12 =	vld [tilespmem:s4+$0x0];
	v58 =	vadd.f32 v23, v22;
	v60 =	vadd.f32 v25, v24  }
0x2b2: {  	v10 =	vld [tilespmem:s3+$0x0];
	v0 =	vadd.f32 v13, v0;
	v1 =	vadd.f32 v6, v1  }
0x2b3: {  	v11 =	vld [tilespmem:s13+$0x0];
	v61 =	vadd.f32 v27, v26;
	v9 =	vadd.f32 v58, v15  }
0x2b4: {  	v15 =	vld [tilespmem:s16+$0x0];
	v63 =	vadd.f32 v29, v28;
	v4 =	vadd.f32 v7, v4  }
0x2b5: {  	v1 =	vadd.f32 v1, v2;
	v2 =	vld [tilespmem:s12+$0x0];
	v13 =	vadd.f32 v61, v60  }
0x2b6: {  	s16 =	sand.u32 $0x380, s29;
	v7 =	vld [tilespmem:s8+$0x0];
	v0 =	vadd.f32 v9, v0;
	v4 =	vadd.f32 v4, v63  }
0x2b7: {  	s1 =	sor.u32 s2, s16;
	v9 =	vadd.f32 v59, v14;
	v6 =	vadd.f32 v12, v10;
	v12 =	vld [tilespmem:s10+$0x0]  }
0x2b8: {  	v10 =	vld [tilespmem:s1+$0x10080];
	v4 =	vadd.f32 v4, v13  }
0x2b9: {  	v6 =	vadd.f32 v9, v6;
	v9 =	vld [tilespmem:s19+$0x0]  }
0x2ba: {  	v5 =	vadd.f32 v8, v5;
	v13 =	vld [tilespmem:s0+$0x0];
	v0 =	vadd.f32 v4, v0  }
0x2bb: {  	v11 =	vadd.f32 v15, v11;
	v4 =	vadd.f32 v7, v62;
	v7 =	vld [tilespmem:s14+$0x0]  }
0x2bc: {  	v3 =	vadd.f32 v12, v3;
	v0 =	vadd.f32 v0, v1;
	v1 =	vld [tilespmem:s15+$0x0]  }
0x2bd: {  	v4 =	vadd.f32 v5, v4;
	v5 =	vld [tilespmem:s18+$0x0]  }
0x2be: {  	v3 =	vadd.f32 v3, v11;
	v11 =	vld [tilespmem:s30+$0x0]  }
0x2bf: {  	v8 =	vadd.f32 v4, v6;
	v4 =	vld [tilespmem:s20+$0x0]  }
0x2c0: {  	v0 =	vadd.f32 v0, v10;
	v6 =	vld [tilespmem:s22+$0x0]  }
0x2c1: {  	v10 =	vld [tilespmem:s23+$0x0]  }
0x2c2: {  	[tilespmem:s1+$0x10080] =	vst v0;
	v0 =	vld [tilespmem:s21+$0x0]  }
0x2c3: {  	s28 =	sadd.s32 $0x2, s28;
	v12 =	vld [tilespmem:s31+$0x0];
	v2 =	vadd.f32 v7, v2;
	v1 =	vadd.f32 v5, v1  }
0x2c4: {  	p0 =	slt.u32 s28, $0x3E;
	v7 =	vld [tilespmem:s26+$0x80]  }
.Ltmp4:
0x2c5: {  	v1 =	vadd.f32 v1, v2;
	v2 =	vld [tilespmem:s26+$0x0];
	(pc) =	sbr.rel @p0 .LBB2_10-.Ltmp4, $4  }
0x2c6: {  	v4 =	vadd.f32 v4, v9;
	v9 =	vld [tilespmem:s26+$0x180]  }
0x2c7: {  	v11 =	vadd.f32 v11, v10;
	v10 =	vld [tilespmem:s26+$0x280];
	v0 =	vadd.f32 v6, v0  }
0x2c8: {  	v5 =	vadd.f32 v1, v3;
	v3 =	vld [tilespmem:s26+$0x100]  }
0x2c9: {  	s29 =	sadd.s32 $0x20, s29;
	v12 =	vadd.f32 v13, v12;
	v6 =	vld [tilespmem:s26+$0x200];
	v4 =	vadd.f32 v0, v4  }
0x2ca: {  	v0 =	vld [tilespmem:s26+$0x300]  }
0x2cb: {  	v1 =	vld [tilespmem:s26+$0x380];
	_ =	sdelay $0x3  }
0x2cc: {  	v2 =	vadd.f32 v7, v2;
	v3 =	vadd.f32 v9, v3  }
0x2cd: {  	v6 =	vadd.f32 v10, v6;
	v0 =	vadd.f32 v1, v0  }
0x2ce: {  	v1 =	vadd.f32 v12, v11  }
0x2cf: {  	v2 =	vadd.f32 v3, v2;
	v0 =	vadd.f32 v0, v6;
	_ =	sdelay $0x1  }
0x2d0: {  	s0 =	sadd.s32 $0x20, s25;
	v1 =	vadd.f32 v1, v4;
	v0 =	vadd.f32 v0, v2  }
0x2d1: {  	v2 =	vld [tilespmem:s0+$0x0]  }
0x2d2: {  	v1 =	vadd.f32 v1, v5;
	v0 =	vadd.f32 v8, v0;
	_ =	sdelay $0x1  }
0x2d3: {  	v0 =	vadd.f32 v1, v0;
	_ =	sdelay $0x1  }
0x2d4: {  	v0 =	vadd.f32 v0, v2;
	_ =	sdelay $0x1  }
0x2d5: {  	s24 =	simm.s32 $0x0;
	s2 =	simm.s32 $0x2;
	[tilespmem:s0+$0x0] =	vst v0  }
0x2d6: {  	s4 =	sand.u32 $0x1C00, s24;
	s0 =	sand.u32 $0x60, s24;
	_ =	swait.ge [sflag:s2], $0x8000  }
0x2d7: {  	s1 =	sor.u32 $0x8000, s4;
	s25 =	sor.u32 $0x10, s0;
	[sflag:s2] =	ssyncset.done $0x0  }
0x2d8: {  	s5 =	sor.u32 s25, s1;
	[sflag:s2] =	ssyncadd.s32 $0xFFFF8000  }
0x2d9: {  	v0 =	vld [tilespmem:s5+$0x0];
	_ =	sdelay $0x4  }
0x2da: {  	[tilespmem:$0x1FE50] =	vst v0  }
0x2db: {  	v8 =	vld [tilespmem:s5+$0x80]  }
0x2dc: {  	v9 =	vld [tilespmem:s5+$0x100]  }
0x2dd: {  	v11 =	vld [tilespmem:s5+$0x180]  }
0x2de: {  	v10 =	vld [tilespmem:s5+$0x200]  }
0x2df: {  	v12 =	vld [tilespmem:s5+$0x280]  }
0x2e0: {  	s2 =	sor.u32 $0xA000, s4;
	v13 =	vld [tilespmem:s5+$0x300]  }
0x2e1: {  	s3 =	sor.u32 $0xA080, s4;
	s6 =	sor.u32 s25, s2;
	v14 =	vld [tilespmem:s5+$0x380]  }
0x2e2: {  	s26 =	sor.u32 $0xE280, s4;
	s7 =	sor.u32 s25, s3;
	v15 =	vld [tilespmem:s6+$0x0]  }
0x2e3: {  	s29 =	sor.u32 s25, s26;
	v16 =	vld [tilespmem:s7+$0x0]  }
0x2e4: {  	s1 =	sor.u32 s0, s1;
	v63 =	vld [tilespmem:s29+$0x0]  }
0x2e5: {  	v26 =	vld [tilespmem:s1+$0x0]  }
0x2e6: {  	v35 =	vld [tilespmem:s1+$0x80]  }
0x2e7: {  	v36 =	vld [tilespmem:s1+$0x100]  }
0x2e8: {  	v41 =	vld [tilespmem:s1+$0x180]  }
0x2e9: {  	v24 =	vld [tilespmem:s1+$0x200]  }
0x2ea: {  	v27 =	vld [tilespmem:s1+$0x280]  }
0x2eb: {  	v28 =	vld [tilespmem:s1+$0x300]  }
0x2ec: {  	s2 =	sor.u32 s0, s2;
	v37 =	vld [tilespmem:s1+$0x380]  }
0x2ed: {  	s3 =	sor.u32 s0, s3;
	s5 =	sor.u32 $0xA100, s4;
	v25 =	vld [tilespmem:s2+$0x0]  }
0x2ee: {  	s6 =	sor.u32 $0xA180, s4;
	v42 =	vld [tilespmem:s3+$0x0];
	s8 =	sor.u32 s25, s5  }
0x2ef: {  	s7 =	sor.u32 $0xA200, s4;
	s9 =	sor.u32 s25, s6;
	v17 =	vld [tilespmem:s8+$0x0]  }
0x2f0: {  	s10 =	sor.u32 s25, s7;
	v23 =	vld [tilespmem:s9+$0x0]  }
0x2f1: {  	s5 =	sor.u32 s0, s5;
	v18 =	vld [tilespmem:s10+$0x0]  }
0x2f2: {  	s6 =	sor.u32 s0, s6;
	v19 =	vld [tilespmem:s5+$0x0]  }
0x2f3: {  	s7 =	sor.u32 s0, s7;
	s8 =	sor.u32 $0xA280, s4;
	v29 =	vld [tilespmem:s6+$0x0]  }
0x2f4: {  	s9 =	sor.u32 $0xA300, s4;
	v20 =	vld [tilespmem:s7+$0x0];
	s11 =	sor.u32 s25, s8  }
0x2f5: {  	s10 =	sor.u32 $0xA380, s4;
	s12 =	sor.u32 s25, s9;
	v34 =	vld [tilespmem:s11+$0x0]  }
0x2f6: {  	s13 =	sor.u32 s25, s10;
	v44 =	vld [tilespmem:s12+$0x0]  }
0x2f7: {  	s8 =	sor.u32 s0, s8;
	v51 =	vld [tilespmem:s13+$0x0]  }
0x2f8: {  	s9 =	sor.u32 s0, s9;
	v30 =	vld [tilespmem:s8+$0x0]  }
0x2f9: {  	s10 =	sor.u32 s0, s10;
	s11 =	sor.u32 $0xC000, s4;
	v38 =	vld [tilespmem:s9+$0x0]  }
0x2fa: {  	s12 =	sor.u32 $0xC080, s4;
	v45 =	vld [tilespmem:s10+$0x0];
	s14 =	sor.u32 s25, s11  }
0x2fb: {  	s13 =	sor.u32 $0xC100, s4;
	s15 =	sor.u32 s25, s12;
	v50 =	vld [tilespmem:s14+$0x0]  }
0x2fc: {  	s16 =	sor.u32 s25, s13;
	v5 =	vld [tilespmem:s15+$0x0]  }
0x2fd: {  	s11 =	sor.u32 s0, s11;
	v4 =	vld [tilespmem:s16+$0x0]  }
0x2fe: {  	s12 =	sor.u32 s0, s12;
	s14 =	sor.u32 $0xC180, s4;
	v31 =	vld [tilespmem:s11+$0x0]  }
0x2ff: {  	s15 =	sor.u32 $0xC200, s4;
	v43 =	vld [tilespmem:s12+$0x0];
	s17 =	sor.u32 s25, s14  }
0x300: {  	s16 =	sor.u32 $0xC280, s4;
	s18 =	sor.u32 s25, s15;
	v53 =	vld [tilespmem:s17+$0x0]  }
0x301: {  	s19 =	sor.u32 s25, s16;
	v54 =	vld [tilespmem:s18+$0x0]  }
0x302: {  	s3 =	sor.u32 s0, s15;
	v55 =	vld [tilespmem:s19+$0x0]  }
0x303: {  	s5 =	sor.u32 s0, s16;
	s17 =	sor.u32 $0xC300, s4;
	v22 =	vld [tilespmem:s3+$0x0]  }
0x304: {  	s18 =	sor.u32 $0xC380, s4;
	v33 =	vld [tilespmem:s5+$0x0];
	s20 =	sor.u32 s25, s17  }
0x305: {  	s19 =	sor.u32 $0xE000, s4;
	s21 =	sor.u32 s25, s18;
	v56 =	vld [tilespmem:s20+$0x0]  }
0x306: {  	s22 =	sor.u32 s25, s19;
	v57 =	vld [tilespmem:s21+$0x0]  }
0x307: {  	s6 =	sor.u32 s0, s17;
	v58 =	vld [tilespmem:s22+$0x0]  }
0x308: {  	s7 =	sor.u32 s0, s18;
	v39 =	vld [tilespmem:s6+$0x0]  }
0x309: {  	s8 =	sor.u32 s0, s19;
	s20 =	sor.u32 $0xE080, s4;
	v46 =	vld [tilespmem:s7+$0x0]  }
0x30a: {  	s21 =	sor.u32 $0xE100, s4;
	v40 =	vld [tilespmem:s8+$0x0];
	s23 =	sor.u32 s25, s20  }
0x30b: {  	s22 =	sor.u32 $0xE180, s4;
	s30 =	sor.u32 s25, s21;
	v59 =	vld [tilespmem:s23+$0x0]  }
0x30c: {  	s31 =	sor.u32 s25, s22;
	v60 =	vld [tilespmem:s30+$0x0]  }
0x30d: {  	s9 =	sor.u32 s0, s20;
	s23 =	sor.u32 $0xE200, s4;
	v61 =	vld [tilespmem:s31+$0x0]  }
0x30e: {  	s15 =	simm.s32 $0x20;
	v47 =	vld [tilespmem:s9+$0x0];
	s28 =	sor.u32 s25, s23  }
0x30f: {  	s10 =	sor.u32 s0, s21;
	s11 =	sor.u32 s0, s22;
	v62 =	vld [tilespmem:s28+$0x0];
	s28 =	sor.u32 $0xE300, s4  }
0x310: {  	s30 =	sor.u32 s0, s13;
	v48 =	vld [tilespmem:s10+$0x0];
	s4 =	sor.u32 $0xE380, s4;
	s29 =	sor.u32 s25, s28  }
0x311: {  	s31 =	sor.u32 s0, s14;
	s14 =	simm.s32 $0x100;
	v1 =	vld [tilespmem:s29+$0x0];
	s29 =	sor.u32 s25, s4  }
0x312: {  	s13 =	sor.u32 s0, s26;
	s26 =	sand.u32 $0x60, s15;
	v0 =	vld [tilespmem:s29+$0x0];
	s29 =	sand.u32 $0x1C00, s14  }
0x313: {  	v52 =	vld [tilespmem:s11+$0x0];
	s16 =	sor.u32 s0, s28;
	s28 =	sor.u32 $0x10, s26;
	s11 =	sor.u32 $0x8000, s29  }
0x314: {  	v21 =	vld [tilespmem:s30+$0x0];
	s17 =	sor.u32 s28, s11  }
0x315: {  	v7 =	vld [tilespmem:s17+$0x0]  }
0x316: {  	v32 =	vld [tilespmem:s31+$0x0]  }
0x317: {  	s12 =	sor.u32 s0, s23;
	v6 =	vld [tilespmem:s13+$0x0]  }
0x318: {  	v49 =	vld [tilespmem:s12+$0x0]  }
0x319: {  	s0 =	sor.u32 s0, s4;
	v3 =	vld [tilespmem:s16+$0x0]  }
0x31a: {  	v2 =	vld [tilespmem:s0+$0x0];
	[tilespmem:$0x1FE60] =	vst v7  }
0x31b: {  	v7 =	vld [tilespmem:s17+$0x80];
	_ =	sdelay $0x4  }
0x31c: {  	[tilespmem:$0x1FE70] =	vst v7  }
0x31d: {  	v7 =	vld [tilespmem:s17+$0x100];
	_ =	sdelay $0x4  }
0x31e: {  	[tilespmem:$0x1FE80] =	vst v7  }
0x31f: {  	v7 =	vld [tilespmem:s17+$0x180];
	_ =	sdelay $0x3  }
0x320: {  	v36 =	vadd.f32 v41, v36  }
0x321: {  	v18 =	vadd.f32 v34, v18;
	v34 =	vadd.f32 v51, v44;
	[tilespmem:$0x1FE90] =	vst v7  }
0x322: {  	v5 =	vadd.f32 v5, v50;
	v44 =	vadd.f32 v53, v4;
	v7 =	vld [tilespmem:s17+$0x200]  }
0x323: {  	v24 =	vadd.f32 v27, v24;
	v41 =	vadd.f32 v37, v28  }
0x324: {  	v5 =	vadd.f32 v44, v5;
	v44 =	vadd.f32 v45, v38;
	v38 =	vld [tilespmem:$0x1FE70]  }
0x325: {  	v50 =	vadd.f32 v55, v54;
	v55 =	vadd.f32 v47, v40;
	v40 =	vld [tilespmem:$0x1FE80]  }
0x326: {  	v24 =	vadd.f32 v41, v24;
	v41 =	vld [tilespmem:$0x1FE90]  }
0x327: {  	[tilespmem:$0x1FEA0] =	vst v7;
	v7 =	vld [tilespmem:$0x1FE50]  }
0x328: {  	v9 =	vadd.f32 v11, v9;
	v11 =	vadd.f32 v14, v13;
	s0 =	sor.u32 $0xA000, s29;
	v14 =	vld [tilespmem:s17+$0x300]  }
0x329: {  	v23 =	vadd.f32 v23, v17;
	s3 =	sor.u32 $0xA080, s29;
	s18 =	sor.u32 s28, s0;
	v17 =	vld [tilespmem:s17+$0x380]  }
0x32a: {  	v15 =	vadd.f32 v16, v15;
	s4 =	sor.u32 $0xA100, s29;
	s19 =	sor.u32 s28, s3;
	v16 =	vld [tilespmem:s18+$0x0]  }
0x32b: {  	s2 =	sor.u32 $0xA180, s29;
	s20 =	sor.u32 s28, s4;
	v4 =	vld [tilespmem:s19+$0x0]  }
0x32c: {  	v10 =	vadd.f32 v12, v10;
	s5 =	sor.u32 $0xA200, s29;
	s21 =	sor.u32 s28, s2;
	v12 =	vld [tilespmem:s20+$0x0]  }
0x32d: {  	v51 =	vadd.f32 v57, v56;
	v57 =	vadd.f32 v59, v58;
	s9 =	sor.u32 $0xA300, s29;
	s22 =	sor.u32 s28, s5;
	v13 =	vld [tilespmem:s21+$0x0]  }
0x32e: {  	v58 =	vadd.f32 v61, v60;
	s10 =	sor.u32 $0xA380, s29;
	s30 =	sor.u32 s28, s9;
	v0 =	vadd.f32 v0, v1;
	v1 =	vld [tilespmem:s22+$0x0]  }
0x32f: {  	v60 =	vadd.f32 v34, v18;
	s7 =	sor.u32 $0xC000, s29;
	v59 =	vadd.f32 v63, v62;
	s31 =	sor.u32 s28, s10;
	v18 =	vld [tilespmem:s30+$0x0]  }
0x330: {  	s24 =	sand.u32 $0x380, s24;
	v61 =	vadd.f32 v51, v50;
	s12 =	sor.u32 s28, s7;
	v34 =	vld [tilespmem:s31+$0x0]  }
0x331: {  	s25 =	sor.u32 s25, s24;
	v62 =	vadd.f32 v58, v57;
	v0 =	vadd.f32 v0, v59;
	v50 =	vld [tilespmem:s12+$0x0]  }
0x332: {  	v5 =	vadd.f32 v61, v5;
	s11 =	sor.u32 s26, s11;
	v61 =	vld [tilespmem:s25+$0x10080]  }
0x333: {  	v0 =	vadd.f32 v0, v62;
	v62 =	vld [tilespmem:s11+$0x0]  }
0x334: {  	v25 =	vadd.f32 v42, v25;
	v20 =	vadd.f32 v30, v20;
	v42 =	vld [tilespmem:s11+$0x280]  }
0x335: {  	v45 =	vadd.f32 v43, v31;
	v21 =	vadd.f32 v32, v21;
	v43 =	vld [tilespmem:$0x1FEA0]  }
0x336: {  	v20 =	vadd.f32 v44, v20;
	v44 =	vld [tilespmem:s11+$0x300]  }
0x337: {  	s0 =	sor.u32 s26, s0;
	v21 =	vadd.f32 v21, v45;
	v45 =	vld [tilespmem:s11+$0x380]  }
0x338: {  	v53 =	vadd.f32 v46, v39;
	s3 =	sor.u32 s26, s3;
	v46 =	vld [tilespmem:s0+$0x0]  }
0x339: {  	v56 =	vadd.f32 v52, v48;
	s24 =	sor.u32 s26, s2;
	v47 =	vld [tilespmem:s3+$0x0]  }
0x33a: {  	s8 =	sor.u32 $0xA280, s29;
	v6 =	vadd.f32 v6, v49;
	s7 =	sor.u32 s26, s7;
	v49 =	vld [tilespmem:s24+$0x0]  }
0x33b: {  	v59 =	vadd.f32 v56, v55;
	s18 =	sor.u32 $0xC180, s29;
	s3 =	sor.u32 s26, s8;
	v55 =	vld [tilespmem:s7+$0x0]  }
0x33c: {  	s15 =	sor.u32 s28, s18;
	v52 =	vld [tilespmem:s3+$0x0]  }
0x33d: {  	v63 =	vadd.f32 v35, v26;
	v35 =	vld [tilespmem:s15+$0x0];
	s15 =	sor.u32 $0xC300, s29  }
0x33e: {  	s12 =	sor.u32 $0xC200, s29;
	s20 =	sor.u32 s28, s15;
	v8 =	vadd.f32 v8, v7;
	v7 =	vld [tilespmem:s17+$0x280]  }
0x33f: {  	s17 =	sor.u32 s28, s12;
	v27 =	vld [tilespmem:s20+$0x0]  }
0x340: {  	v19 =	vadd.f32 v29, v19;
	s16 =	sor.u32 $0xC100, s29;
	s23 =	sor.u32 s28, s8;
	v2 =	vadd.f32 v2, v3;
	v28 =	vld [tilespmem:s17+$0x0]  }
0x341: {  	s14 =	sor.u32 s28, s16;
	s20 =	sor.u32 $0xE100, s29;
	v8 =	vadd.f32 v9, v8;
	v9 =	vadd.f32 v11, v10;
	v10 =	vld [tilespmem:s23+$0x0]  }
0x342: {  	v22 =	vadd.f32 v33, v22;
	s30 =	sor.u32 s28, s20;
	v11 =	vadd.f32 v23, v15;
	v15 =	vld [tilespmem:s14+$0x0]  }
0x343: {  	v19 =	vadd.f32 v19, v25;
	v2 =	vadd.f32 v2, v6;
	s17 =	sor.u32 $0xC380, s29;
	v51 =	vld [tilespmem:s30+$0x0]  }
0x344: {  	v22 =	vadd.f32 v53, v22;
	s6 =	sor.u32 $0xE080, s29;
	v23 =	vadd.f32 v36, v63;
	s21 =	sor.u32 s28, s17;
	v63 =	vld [tilespmem:s11+$0x80]  }
0x345: {  	v19 =	vadd.f32 v20, v19;
	v2 =	vadd.f32 v2, v59;
	s23 =	sor.u32 s28, s6;
	v30 =	vld [tilespmem:s21+$0x0]  }
0x346: {  	s1 =	sor.u32 $0xC080, s29;
	v0 =	vadd.f32 v0, v5;
	v14 =	vadd.f32 v17, v14;
	s14 =	simm.s32 $0x10080;
	v36 =	vld [tilespmem:s23+$0x0]  }
0x347: {  	s13 =	sor.u32 s28, s1;
	v4 =	vadd.f32 v4, v16;
	v12 =	vadd.f32 v13, v12;
	s21 =	sor.u32 $0xE180, s29;
	v5 =	vld [tilespmem:s14+$0x0]  }
0x348: {  	v8 =	vadd.f32 v9, v8;
	v9 =	vadd.f32 v60, v11;
	v11 =	vld [tilespmem:s13+$0x0];
	s13 =	sor.u32 $0xC280, s29;
	s31 =	sor.u32 s28, s21  }
0x349: {  	v17 =	vadd.f32 v45, v44;
	v13 =	vadd.f32 v47, v46;
	s23 =	sor.u32 $0xE280, s29;
	s19 =	sor.u32 s28, s13;
	v54 =	vld [tilespmem:s31+$0x0]  }
0x34a: {  	v23 =	vadd.f32 v24, v23;
	v60 =	vadd.f32 v22, v21;
	s31 =	sor.u32 s28, s23;
	v26 =	vld [tilespmem:s19+$0x0]  }
0x34b: {  	s17 =	sor.u32 s26, s17;
	v4 =	vadd.f32 v12, v4;
	s19 =	sor.u32 $0xE000, s29;
	v3 =	vld [tilespmem:s31+$0x0];
	v8 =	vadd.f32 v9, v8  }
0x34c: {  	v9 =	vadd.f32 v19, v23;
	v2 =	vadd.f32 v2, v60;
	v60 =	vld [tilespmem:s17+$0x0];
	s22 =	sor.u32 s28, s19  }
0x34d: {  	v22 =	vadd.f32 v41, v40;
	v7 =	vadd.f32 v7, v43;
	v31 =	vld [tilespmem:s22+$0x0];
	s22 =	sor.u32 $0xE200, s29  }
0x34e: {  	v0 =	vadd.f32 v0, v8;
	v2 =	vadd.f32 v2, v9;
	v8 =	vld [tilespmem:s11+$0x100];
	s30 =	sor.u32 s28, s22  }
0x34f: {  	v1 =	vadd.f32 v10, v1;
	v10 =	vadd.f32 v34, v18;
	v57 =	vld [tilespmem:s30+$0x0];
	s30 =	sor.u32 $0xE300, s29  }
0x350: {  	s31 =	sor.u32 $0xE380, s29;
	v15 =	vadd.f32 v35, v15;
	v37 =	vadd.f32 v2, v5;
	v5 =	vld [tilespmem:$0x1FE60];
	s29 =	sor.u32 s28, s30  }
0x351: {  	v7 =	vadd.f32 v14, v7;
	v27 =	vadd.f32 v30, v27;
	v58 =	vld [tilespmem:s29+$0x0];
	s29 =	sor.u32 s28, s31  }
0x352: {  	v11 =	vadd.f32 v11, v50;
	v1 =	vadd.f32 v10, v1;
	v6 =	vld [tilespmem:s29+$0x0]  }
0x353: {  	s2 =	sor.u32 s26, s5;
	s5 =	sor.u32 s26, s10;
	v9 =	vld [tilespmem:s11+$0x180];
	v0 =	vadd.f32 v0, v61;
	v29 =	vadd.f32 v54, v51  }
0x354: {  	v10 =	vld [tilespmem:s5+$0x0];
	v26 =	vadd.f32 v26, v28;
	v11 =	vadd.f32 v15, v11  }
0x355: {  	v2 =	vld [tilespmem:s11+$0x200];
	v1 =	vadd.f32 v1, v4;
	v50 =	vadd.f32 v36, v31  }
0x356: {  	s11 =	sor.u32 s26, s4;
	v51 =	vld [tilespmem:s2+$0x0];
	s4 =	sor.u32 s26, s9;
	v54 =	vadd.f32 v27, v26;
	v5 =	vadd.f32 v38, v5  }
0x357: {  	v53 =	vld [tilespmem:s4+$0x0];
	v3 =	vadd.f32 v3, v57;
	v6 =	vadd.f32 v6, v58  }
0x358: {  	s9 =	sor.u32 s26, s16;
	v48 =	vld [tilespmem:s11+$0x0];
	s11 =	simm.s32 $0x20;
	v8 =	vadd.f32 v9, v8;
	v5 =	vadd.f32 v22, v5  }
0x359: {  	s8 =	sor.u32 s26, s1;
	s16 =	sor.u32 s26, s15;
	v4 =	vld [tilespmem:s9+$0x0];
	s1 =	sand.u32 $0x380, s11;
	v56 =	vadd.f32 v29, v50;
	v3 =	vadd.f32 v6, v3  }
0x35a: {  	v59 =	vld [tilespmem:s16+$0x0];
	s1 =	sor.u32 s28, s1;
	v57 =	vadd.f32 v63, v62;
	v5 =	vadd.f32 v7, v5  }
0x35b: {  	s10 =	sor.u32 s26, s18;
	v9 =	vld [tilespmem:s1+$0x10080];
	v7 =	vadd.f32 v54, v11;
	v3 =	vadd.f32 v3, v56  }
0x35c: {  	v61 =	vadd.f32 v52, v51;
	v10 =	vadd.f32 v10, v53;
	v11 =	vld [tilespmem:s10+$0x0]  }
0x35d: {  	s13 =	sor.u32 s26, s13;
	v6 =	vld [tilespmem:s8+$0x0];
	v1 =	vadd.f32 v1, v5;
	v3 =	vadd.f32 v3, v7  }
0x35e: {  	s12 =	sor.u32 s26, s12;
	v8 =	vadd.f32 v8, v57;
	v58 =	vld [tilespmem:s13+$0x0];
	v5 =	vadd.f32 v42, v2  }
0x35f: {  	s18 =	sor.u32 s26, s19;
	v7 =	vld [tilespmem:s12+$0x0];
	v1 =	vadd.f32 v3, v1;
	v3 =	vadd.f32 v49, v48  }
0x360: {  	s19 =	sor.u32 s26, s6;
	v10 =	vadd.f32 v10, v61;
	v2 =	vld [tilespmem:s18+$0x0];
	v62 =	vadd.f32 v17, v5  }
0x361: {  	s21 =	sor.u32 s26, s21;
	v5 =	vld [tilespmem:s19+$0x0];
	v1 =	vadd.f32 v1, v9;
	v9 =	vadd.f32 v3, v13  }
0x362: {  	s20 =	sor.u32 s26, s20;
	v4 =	vadd.f32 v11, v4;
	v63 =	vadd.f32 v6, v55;
	v6 =	vld [tilespmem:s21+$0x0]  }
0x363: {  	s22 =	sor.u32 s26, s22;
	[tilespmem:s25+$0x10080] =	vst v0;
	v0 =	vadd.f32 v62, v8;
	v3 =	vld [tilespmem:s20+$0x0];
	v8 =	vadd.f32 v10, v9  }
0x364: {  	s24 =	sor.u32 s26, s23;
	[tilespmem:s14+$0x0] =	vst v37;
	s25 =	simm.s32 $0x2;
	s29 =	sor.u32 s26, s30;
	v11 =	vadd.f32 v60, v59;
	v9 =	vadd.f32 v58, v7;
	v7 =	vld [tilespmem:s22+$0x0]  }
0x365: {  	s28 =	simm.s32 $0x40;
	s10 =	sor.u32 s26, s31;
	s26 =	simm.s32 $0x200;
	v4 =	vadd.f32 v4, v63;
	[tilespmem:s1+$0x10080] =	vst v1;
	v10 =	vld [tilespmem:s24+$0x0];
	v8 =	vadd.f32 v8, v0  }
.LBB2_12:
0x366: {  	s13 =	sand.u32 $0x60, s28;
	s1 =	sand.u32 $0x1C00, s26  }
0x367: {  	s3 =	sor.u32 $0x8000, s1;
	s2 =	sor.u32 $0x10, s13  }
0x368: {  	v0 =	vld [tilespmem:s29+$0x0];
	s22 =	sor.u32 $0xA080, s1;
	s0 =	sor.u32 s13, s3;
	s3 =	sor.u32 s2, s3  }
0x369: {  	s30 =	sor.u32 $0xA180, s1;
	s24 =	sor.u32 s2, s22;
	v12 =	vld [tilespmem:s3+$0x380]  }
0x36a: {  	s16 =	sor.u32 $0xA380, s1;
	s9 =	sor.u32 s2, s30;
	v13 =	vld [tilespmem:s24+$0x0]  }
0x36b: {  	s19 =	sor.u32 s2, s16;
	v14 =	vld [tilespmem:s9+$0x0]  }
0x36c: {  	v16 =	vld [tilespmem:s19+$0x0]  }
0x36d: {  	s14 =	sadd.s32 $0x20, s14;
	v1 =	vadd.f32 v5, v2;
	v5 =	vld [tilespmem:s10+$0x0]  }
0x36e: {  	s7 =	sor.u32 s13, s30;
	v2 =	vadd.f32 v11, v9;
	v11 =	vld [tilespmem:s14+$0x0]  }
0x36f: {  	[dreg:$0x6] =	wrdreg s7;
	s7 =	sor.u32 $0xC080, s1;
	v6 =	vadd.f32 v6, v3;
	v3 =	vld [tilespmem:s3+$0x80]  }
0x370: {  	v10 =	vadd.f32 v10, v7;
	v7 =	vld [tilespmem:s3+$0x280];
	s30 =	sor.u32 s2, s7  }
0x371: {  	v17 =	vld [tilespmem:s30+$0x0]  }
0x372: {  	s4 =	sor.u32 $0xA000, s1;
	v9 =	vadd.f32 v2, v4;
	v2 =	vld [tilespmem:s3+$0x0]  }
0x373: {  	s5 =	sor.u32 s13, s4;
	s10 =	sor.u32 $0xA280, s1;
	v4 =	vld [tilespmem:s3+$0x100];
	v0 =	vadd.f32 v5, v0  }
0x374: {  	s23 =	sor.u32 s2, s4;
	s24 =	sor.u32 $0xC100, s1;
	s15 =	sor.u32 s2, s10;
	v1 =	vadd.f32 v6, v1;
	v6 =	vld [tilespmem:s3+$0x180]  }
0x375: {  	s4 =	sor.u32 s13, s22;
	s22 =	sor.u32 s13, s10;
	s10 =	sor.u32 s2, s24;
	v15 =	vld [tilespmem:s15+$0x0];
	v0 =	vadd.f32 v0, v10  }
0x376: {  	v18 =	vld [tilespmem:s10+$0x0]  }
0x377: {  	v5 =	vld [tilespmem:s3+$0x200];
	v0 =	vadd.f32 v0, v1  }
0x378: {  	s6 =	sor.u32 $0xA100, s1;
	v10 =	vld [tilespmem:s3+$0x300]  }
0x379: {  	s8 =	sor.u32 $0xA200, s1;
	s31 =	sor.u32 s2, s6;
	v1 =	vld [tilespmem:s23+$0x0];
	v0 =	vadd.f32 v0, v9  }
0x37a: {  	s11 =	sor.u32 s2, s8;
	v9 =	vld [tilespmem:s31+$0x0];
	s31 =	sor.u32 $0xC180, s1  }
0x37b: {  	s12 =	sor.u32 $0xA300, s1;
	s9 =	sor.u32 s13, s16;
	s16 =	sor.u32 s2, s31;
	v0 =	vadd.f32 v0, v8;
	v8 =	vld [tilespmem:s11+$0x0]  }
0x37c: {  	s18 =	sor.u32 $0xC000, s1;
	s17 =	sor.u32 s2, s12;
	s11 =	sor.u32 $0xC200, s1;
	v19 =	vld [tilespmem:s16+$0x0]  }
0x37d: {  	s20 =	sor.u32 s13, s8;
	s8 =	sor.u32 s13, s12;
	s19 =	sor.u32 s2, s11;
	v0 =	vadd.f32 v0, v11;
	v11 =	vld [tilespmem:s17+$0x0]  }
0x37e: {  	s12 =	sor.u32 s13, s18;
	s23 =	sor.u32 s2, s18;
	s17 =	sor.u32 $0xC280, s1;
	v20 =	vld [tilespmem:s19+$0x0]  }
0x37f: {  	s15 =	sor.u32 s13, s24;
	s24 =	sor.u32 $0xC300, s1;
	s30 =	sor.u32 s2, s17;
	[tilespmem:s14+$0x0] =	vst v0;
	v0 =	vld [tilespmem:s23+$0x0]  }
0x380: {  	s18 =	sor.u32 s13, s11;
	s11 =	sor.u32 s13, s17;
	s17 =	sor.u32 s2, s24;
	v21 =	vld [tilespmem:s30+$0x0]  }
0x381: {  	v2 =	vadd.f32 v3, v2;
	v22 =	vld [tilespmem:s17+$0x0]  }
0x382: {  	v3 =	vadd.f32 v6, v4;
	v6 =	vadd.f32 v12, v10;
	v10 =	vld [tilespmem:s0+$0x0]  }
0x383: {  	v50 =	vld [tilespmem:s0+$0x80]  }
0x384: {  	v5 =	vadd.f32 v7, v5;
	v52 =	vld [tilespmem:s0+$0x100]  }
0x385: {  	s29 =	sor.u32 $0xE100, s1;
	s21 =	sor.u32 s13, s6;
	[dreg:$0x8] =	wrdreg s5;
	v55 =	vld [tilespmem:s0+$0x180]  }
0x386: {  	s5 =	sor.u32 s13, s7;
	v2 =	vadd.f32 v3, v2;
	v3 =	vadd.f32 v6, v5;
	s23 =	sor.u32 s13, s31;
	s31 =	sor.u32 $0xC380, s1;
	v5 =	vld [tilespmem:s0+$0x300]  }
0x387: {  	s16 =	sor.u32 s13, s24;
	s19 =	sor.u32 $0xE000, s1;
	s24 =	sor.u32 s2, s31;
	v61 =	vld [tilespmem:s4+$0x0]  }
0x388: {  	s30 =	sor.u32 $0xE080, s1;
	s7 =	sor.u32 s13, s31;
	s31 =	sor.u32 s2, s19;
	v23 =	vld [tilespmem:s24+$0x0]  }
0x389: {  	s17 =	sor.u32 s13, s19;
	s6 =	sor.u32 s13, s30;
	s10 =	sor.u32 s2, s30;
	v24 =	vld [tilespmem:s31+$0x0]  }
0x38a: {  	s19 =	sor.u32 s13, s29;
	s24 =	sor.u32 $0xE180, s1;
	v25 =	vld [tilespmem:s10+$0x0];
	s31 =	sor.u32 s2, s29  }
0x38b: {  	s29 =	sor.u32 $0xE200, s1;
	s30 =	sor.u32 s13, s24;
	v26 =	vld [tilespmem:s31+$0x0];
	s24 =	sor.u32 s2, s24  }
0x38c: {  	v1 =	vadd.f32 v13, v1;
	s10 =	sor.u32 $0xE280, s1;
	s31 =	sor.u32 s13, s29;
	s29 =	sor.u32 s2, s29;
	v27 =	vld [tilespmem:s24+$0x0]  }
0x38d: {  	v8 =	vadd.f32 v15, v8;
	s3 =	sor.u32 s13, s10;
	s10 =	sor.u32 s2, s10;
	v11 =	vadd.f32 v16, v11;
	v28 =	vld [tilespmem:s29+$0x0]  }
0x38e: {  	v9 =	vadd.f32 v14, v9;
	v2 =	vadd.f32 v3, v2;
	s24 =	sor.u32 $0xE300, s1;
	v29 =	vld [tilespmem:s10+$0x0]  }
0x38f: {  	v51 =	vadd.f32 v19, v18;
	s1 =	sor.u32 $0xE380, s1;
	s29 =	sor.u32 s13, s24;
	s24 =	sor.u32 s2, s24;
	v6 =	vadd.f32 v11, v8;
	v8 =	vld [tilespmem:s0+$0x380]  }
0x390: {  	v1 =	vadd.f32 v9, v1;
	s10 =	sor.u32 s13, s1;
	s1 =	sor.u32 s2, s1;
	v0 =	vadd.f32 v17, v0;
	v4 =	vld [tilespmem:s24+$0x0]  }
0x391: {  	v53 =	vadd.f32 v21, v20;
	v7 =	vld [tilespmem:s1+$0x0];
	v54 =	vadd.f32 v23, v22  }
0x392: {  	v3 =	vld [tilespmem:s21+$0x0];
	s1 =	rddreg [dreg:$0x8];
	v56 =	vadd.f32 v25, v24;
	v0 =	vadd.f32 v51, v0  }
0x393: {  	s24 =	rddreg [dreg:$0x6];
	v11 =	vld [tilespmem:s1+$0x0];
	v1 =	vadd.f32 v6, v1;
	v6 =	vadd.f32 v50, v10  }
0x394: {  	v62 =	vld [tilespmem:s24+$0x0];
	v57 =	vadd.f32 v27, v26;
	v59 =	vadd.f32 v29, v28  }
0x395: {  	v9 =	vadd.f32 v54, v53;
	v1 =	vadd.f32 v1, v2  }
0x396: {  	v58 =	vld [tilespmem:s0+$0x200];
	v5 =	vadd.f32 v8, v5;
	v4 =	vadd.f32 v7, v4  }
0x397: {  	v7 =	vld [tilespmem:s0+$0x280];
	v60 =	vadd.f32 v57, v56;
	v0 =	vadd.f32 v9, v0  }
0x398: {  	v63 =	vld [tilespmem:s7+$0x0];
	s13 =	sand.u32 $0x380, s28;
	v9 =	vadd.f32 v55, v52;
	v4 =	vadd.f32 v4, v59  }
0x399: {  	v2 =	vld [tilespmem:s20+$0x0];
	s0 =	sor.u32 s2, s13;
	v8 =	vadd.f32 v61, v11;
	v3 =	vadd.f32 v62, v3  }
0x39a: {  	v10 =	vld [tilespmem:s0+$0x10080];
	v4 =	vadd.f32 v4, v60  }
0x39b: {  	v6 =	vadd.f32 v9, v6;
	v9 =	vld [tilespmem:s12+$0x0];
	v3 =	vadd.f32 v3, v8  }
0x39c: {  	v8 =	vld [tilespmem:s11+$0x0];
	v0 =	vadd.f32 v4, v0;
	v4 =	vadd.f32 v7, v58  }
0x39d: {  	v7 =	vld [tilespmem:s22+$0x0]  }
0x39e: {  	v0 =	vadd.f32 v0, v1;
	v1 =	vld [tilespmem:s8+$0x0];
	v4 =	vadd.f32 v5, v4  }
0x39f: {  	v5 =	vld [tilespmem:s9+$0x0]  }
0x3a0: {  	v0 =	vadd.f32 v0, v10;
	v10 =	vadd.f32 v4, v6;
	v4 =	vld [tilespmem:s5+$0x0]  }
0x3a1: {  	v6 =	vld [tilespmem:s23+$0x0]  }
0x3a2: {  	v2 =	vadd.f32 v7, v2;
	v7 =	vld [tilespmem:s18+$0x0]  }
0x3a3: {  	[tilespmem:s0+$0x10080] =	vst v0;
	v0 =	vld [tilespmem:s15+$0x0]  }
0x3a4: {  	s25 =	sadd.s32 $0x2, s25;
	v11 =	vld [tilespmem:s16+$0x0];
	v1 =	vadd.f32 v5, v1  }
0x3a5: {  	p0 =	slt.u32 s25, $0x3E;
	v5 =	vld [tilespmem:s6+$0x0]  }
.Ltmp5:
0x3a6: {  	v1 =	vadd.f32 v1, v2;
	v2 =	vld [tilespmem:s17+$0x0];
	(pc) =	sbr.rel @p0 .LBB2_12-.Ltmp5, $4  }
0x3a7: {  	v4 =	vadd.f32 v4, v9;
	v9 =	vadd.f32 v8, v7;
	v7 =	vld [tilespmem:s31+$0x0]  }
0x3a8: {  	v0 =	vadd.f32 v6, v0;
	v1 =	vadd.f32 v1, v3;
	v3 =	vld [tilespmem:s19+$0x0]  }
0x3a9: {  	v11 =	vadd.f32 v63, v11;
	v6 =	vld [tilespmem:s30+$0x0]  }
0x3aa: {  	s26 =	sadd.s32 $0x100, s26;
	s28 =	sadd.s32 $0x20, s28;
	v4 =	vadd.f32 v0, v4;
	v8 =	vadd.f32 v1, v10;
	v10 =	vld [tilespmem:s3+$0x0]  }
0x3ab: {  	v0 =	vld [tilespmem:$0x1FFF0];
	_ =	sdelay $0x4  }
0x3ac: {  	(v2sf) =	vpush v0, $0x0;
	_ =	sdelay $0xa  }
0x3ad: {  	v1 =	vld [tilespmem:s10+$0x0]  }
0x3ae: {  	v0 =	vld [tilespmem:s29+$0x0];
	_ =	sdelay $0x2  }
0x3af: {  	s0 =	spop (v2sf)  }
0x3b0: {  	v2 =	vadd.f32 v5, v2;
	v3 =	vadd.f32 v6, v3;
	s0 =	ssub.s32 $0x800, s0  }
0x3b1: {  	v63 =	vadd.f32 v10, v7;
	v0 =	vadd.f32 v1, v0;
	s0 =	scvt.s32.f32 s0  }
0x3b2: {  	v2 =	vadd.f32 v3, v2  }
0x3b3: {  	v1 =	vadd.f32 v11, v9;
	v0 =	vadd.f32 v0, v63;
	v3 =	vmov s0  }
0x3b4: {  	(erf) = vrcp.f32 v3  }
0x3b5: {  	s31 =	sadd.s32 $0x20, s14;
	v1 =	vadd.f32 v1, v4;
	v0 =	vadd.f32 v0, v2  }
0x3b6: {  	v2 =	vld [tilespmem:s31+$0x0]  }
0x3b7: {  	v0 =	vadd.f32 v0, v1;
	_ =	sdelay $0x1  }
0x3b8: {  	v0 =	vadd.f32 v0, v8;
	_ =	sdelay $0x1  }
0x3b9: {  	v0 =	vadd.f32 v0, v2;
	_ =	sdelay $0x1  }
0x3ba: {  	s1 =	simm.s32 $0x40;
	[tilespmem:s31+$0x0] =	vst v0;
	s0 =	simm.s32 $0x0;
	v1 =	vpop (erf)  }
.LBB2_14:
0x3bb: {  	p0 =	sne.s32 s1, $0xFC0;
	v0 =	vld [tilespmem:s0+$0x10080];
	_ =	sdelay $0x2  }
.Ltmp6:
0x3bc: {  	(pc) =	sbr.rel @p0 .LBB2_14-.Ltmp6, $3  }
0x3bd: {  	_ = 	snop  }
0x3be: {  	v0 =	vmul.f32 v0, v1;
	_ =	sdelay $0x1  }
0x3bf: {  	[tilespmem:s0+$0x10080] =	vst v0;
	s0 =	sshra.s32 s1, $0x2;
	s1 =	sadd.s32 $0x40, s1  }
0x3c0: {  	v0 =	vld [tilespmem:s0+$0x10080];
	_ =	sdelay $0x4  }
0x3c1: {  	v0 =	vmul.f32 v0, v1  }
0x3c2: {  	s29 =	rddreg [dreg:$0x12]  }
0x3c3: {  	s1 =	simm.s32 $0x80;
	s2 =	simm.s32 $0x400;
	s3 =	simm.s32 $0x10080;
	[tilespmem:s0+$0x10080] =	vst v0  }
0x3c4: {  	[hbm4b:s29+s1] =	stream.strided.scatter [tilespmem:s3], [sflag:$0x3], $0x400, s2, s1, $0x38;
	[tilespmem:$0x10480] =	vst v63  }
0x3c5: {  	s3 =	simm.s32 $0x3  }
0x3c6: {  	_ =	swait.ge [sflag:s3], $0x400  }
0x3c7: {  	s30 =	rddreg [dreg:$0x14]  }
0x3c8: {  	s31 =	rddreg [dreg:$0x13];
	s1 =	sadd.s32 $0x1, s30  }
0x3c9: {  	p0 =	sne.s32 s1, s31  }
.Ltmp7:
0x3ca: {  	_ = 	snop;
	(pc) =	sbr.rel @p0 .LBB2_1-.Ltmp7, $3  }
0x3cb: {  	_ =	sdelay $0x1  }
0x3cc: {  	[sflag:s3] =	ssyncset.done $0x0  }
0x3cd: {  	v0 =	vimm.f32 $0.0e+00;
	[sflag:s3] =	ssyncadd.s32 $0xFFFFFC00  }
0x3ce: {  	_ =	sfence.sel $0x180000  }
0x3cf: {  	[bflag:$0x0] =	sbarrier.arrive $0xFFFF  }
0x3d0: {  	_ =	strace $0x90000047  }
0x3d1: {  	s0 =	stileid.u32;
	[bflag:$0x2] =	sbarrier.arrive $0xFFFF  }
0x3d2: {  	p0 =	sne.s32 s0, $0x0;
	s0 =	rddreg [dreg:$0x3]  }
0x3d3: {  	s0 =	sadd.s32 @!p0 $0x100000, s0  }
0x3d4: {  	[sflag:s0] =	ssyncadd.tile.s32 @!p0 $0x1;
	_ =	shalt  }
.Lfunc_end2:
_tile_overlayer_lowered:
.L_overlay_start_2:
0x3d5: {  	(tag) =	ssettag $0x2  }
0x3d6: {  	s0 =	rddreg [dreg:$0x0];
	s2 =	stileid.u32  }
0x3d7: {  	s1 =	rddreg [dreg:$0x1];
	p0 =	sne.s32 s2, $0x0  }
0x3d8: {  	s3 =	rddreg [dreg:$0x2];
	[bflag:$0x3] =	sbarrier.arrive $0xFFFF;
	s2 =	simm.s32 @!p0 $0x1C03  }
0x3d9: {  	[timem:s3], [sflag:s2] =	dma.local @!p0 [hbm:s0], s1  }
0x3da: {  	s0 =	simm.s32 @!p0 $0x3  }
0x3db: {  	_ =	swait.ge @!p0 [sflag:s0], s1  }
0x3dc: {  	s1 =	ssub.s32 @!p0 $0x0, s1;
	[sflag:s0] =	ssyncset.done @!p0 $0x0  }
0x3dd: {  	[sflag:s0] =	ssyncadd.s32 @!p0 s1  }
0x3de: {  	[bflag:$0x3] =	sbarrier.arrive $0xFFFF  }
0x3df: {  	_ =	shalt  }

</sc_bundles>
